<compile_context>
chip_gen: v7x
topology: tpu7x:2x2x1
jax: 0.10.2.dev20260603
libtpu: 0.0.44.dev20260713+nightly
codegen_flags: <defaults>
</compile_context>

<pallas_src>
import functools

import jax
import jax.numpy as jnp
from jax import lax
from jax.experimental import pallas as pl
from jax.experimental.pallas import tpu as pltpu
from jax.experimental.pallas import tpu_sc as plsc

N, C, H_IN = 8, 768, 4096
H_OUT = 2 * H_IN
ROWS = N * C
NUM_WORKERS = 32
ROWS_PER_W = ROWS // NUM_WORKERS
LANES = 16
R_BLK = 8
SHIFT = 12
PMASK = (1 << SHIFT) - 1



def _sort_body(idx_ref, out_ref):
    il = lax.broadcasted_iota(jnp.int32, (R_BLK, H_IN), 1)
    w = idx_ref[...] * (1 << SHIFT) + il

    masks = {}

    def lomask(L):
        if L not in masks:
            masks[L] = (il & L) == 0
        return masks[L]

    def stage_xor(w, s):
        m = lomask(s)
        a = pltpu.roll(w, H_IN - s, 1)
        b = pltpu.roll(w, s, 1)
        k = w >> SHIFT
        t_lo = jnp.where((a >> SHIFT) < k, a, w)
        t_hi = jnp.where(k < (b >> SHIFT), b, w)
        return jnp.where(m, t_lo, t_hi)

    def stage_rev(w, size):
        p = w
        b = 1
        while b < size:
            p = jnp.where(
                lomask(b), pltpu.roll(p, H_IN - b, 1), pltpu.roll(p, b, 1)
            )
            b *= 2
        m = lomask(size // 2)
        k = w >> SHIFT
        pk = p >> SHIFT
        t_lo = jnp.where(pk < k, p, w)
        t_hi = jnp.where(k < pk, p, w)
        return jnp.where(m, t_lo, t_hi)

    size = 2
    while size <= H_IN:
        w = stage_rev(w, size)
        s = size // 4
        while s >= 1:
            w = stage_xor(w, s)
            s //= 2
        size *= 2
    out_ref[...] = w


_sort_tc = pl.pallas_call(
    _sort_body,
    grid=(ROWS // R_BLK,),
    in_specs=[pl.BlockSpec((R_BLK, H_IN), lambda i: (i, 0))],
    out_specs=pl.BlockSpec((R_BLK, H_IN), lambda i: (i, 0)),
    out_shape=jax.ShapeDtypeStruct((ROWS, H_IN), jnp.int32),
)


_mesh = plsc.VectorSubcoreMesh(core_axis_name="c", subcore_axis_name="s")


@functools.partial(
    pl.kernel,
    out_type=jax.ShapeDtypeStruct((ROWS, H_OUT), jnp.float32),
    mesh=_mesh,
    compiler_params=pltpu.CompilerParams(needs_layout_passes=False),
    scratch_types=[
        pltpu.VMEM((H_IN,), jnp.int32),
        pltpu.VMEM((H_IN,), jnp.float32),
        pltpu.VMEM((H_OUT,), jnp.float32),
    ],
)
def _scatter_sc(w_hbm, val_hbm, out_hbm, w_v, val_v, out_v):
    wid = lax.axis_index("s") * 2 + lax.axis_index("c")
    base = wid * ROWS_PER_W

    zero16 = jnp.zeros((LANES,), jnp.float32)

    def row_body(r, carry):
        row = base + r
        pltpu.sync_copy(w_hbm.at[row], w_v)
        pltpu.sync_copy(val_hbm.at[row], val_v)

        def zero_body(i, c):
            out_v[pl.ds(i * LANES, LANES)] = zero16
            return c

        lax.fori_loop(0, H_OUT // LANES, zero_body, 0, unroll=8)

        def scat_body(j, c):
            wvec = w_v[pl.ds(j * LANES, LANES)]
            k = wvec >> SHIFT
            h = wvec & PMASK
            dvec = plsc.load_gather(val_v, [h])
            plsc.store_scatter(out_v, [k], dvec)
            return c

        lax.fori_loop(0, H_IN // LANES, scat_body, 0, unroll=8)

        pltpu.sync_copy(out_v, out_hbm.at[row])
        return carry

    lax.fori_loop(0, ROWS_PER_W, row_body, 0)


def kernel(input, indices):
    idx = indices.astype(jnp.int32).reshape(ROWS, H_IN)
    val = input.reshape(ROWS, H_IN)
    w = _sort_tc(idx)
    out = _scatter_sc(w, val)
    return out.reshape(N, C, H_OUT)

# --- scband reference (transcript-rebuilt; emitter-appended) ---
"""Pipeline reference for scband-max-unpool1d-9113920602140 (READ-ONLY COPY).

The authoritative reference and input builder live on the scoring server;
editing this copy changes nothing except your own understanding.
"""

import jax, jax.numpy as jnp
import numpy as np

N, C, H_IN = 8, 768, 4096
KERNEL, STRIDE, PADDING = 2, 2, 0
H_OUT = (H_IN - 1) * STRIDE - 2 * PADDING + KERNEL  # 8192


def setup_inputs(seed: int = 0) -> dict:
    key = jax.random.key(seed)
    k1, k2 = jax.random.split(key)
    inp = jax.random.normal(k1, (N, C, H_IN), dtype=jnp.float32)
    indices = jax.random.randint(k2, (N, C, H_IN), 0, H_OUT, dtype=jnp.int64)
    return {"input": inp, "indices": indices}


def reference(input, indices):
    # MaxUnpool1d: scatter input values into a zero tensor of shape (N, C, H_out)
    # at the positions given by indices (per (n, c) row), all other values zero.
    n, c, h_in = input.shape
    h_out = (h_in - 1) * STRIDE - 2 * PADDING + KERNEL
    out = jnp.zeros((n, c, h_out), dtype=input.dtype)
    n_idx = jnp.arange(n)[:, None, None]
    c_idx = jnp.arange(c)[None, :, None]
    out = out.at[n_idx, c_idx, indices].set(input)
    return out

if __name__ == "__main__":
    import jax
    _d = setup_inputs()
    print(jax.jit(kernel)(*tuple(_d.values())))

</pallas_src>

<mosaic_0001>
#map = affine_map<(d0, d1) -> (0, 0)>
module attributes {stable_mosaic.version = 14 : i64} {
  func.func @_scatter_sc(%arg0: i32, %arg1: i32, %arg2: memref<6144x4096xi32, #tpu.memory_space<hbm>>, %arg3: memref<6144x4096xf32, #tpu.memory_space<hbm>>, %arg4: memref<6144x8192xf32, #tpu.memory_space<hbm>>, %arg5: memref<4096xi32, #tpu.memory_space<vmem>>, %arg6: memref<4096xf32, #tpu.memory_space<vmem>>, %arg7: memref<8192xf32, #tpu.memory_space<vmem>>) attributes {dimension_semantics = [#tpu.dimension_semantics<core_parallel>, #tpu.dimension_semantics<subcore_parallel>], iteration_bounds = array<i64: 2, 16>, scalar_prefetch = 0 : i64, scratch_operands = 3 : i64, tpu.core_type = #tpu.core_type<sc_vector_subcore>, window_params = [{transform_indices = #map}, {transform_indices = #map}, {transform_indices = #map}]} {
    %mul3A = arith.constant 2 : i32
    %mul3A_0 = arith.muli %arg1, %mul3A : i32
    %add3A = arith.addi %mul3A_0, %arg0 : i32
    %mul3A_1 = arith.constant 192 : i32
    %mul3A_2 = arith.muli %add3A, %mul3A_1 : i32
    %broadcast_in_dim3A = arith.constant 0.000000e+00 : f32
    %broadcast_in_dim3A_3 = vector.broadcast %broadcast_in_dim3A : f32 to vector<16xf32>
    %scan3A = arith.constant 0 : i32
    %scan3A_4 = arith.constant 0 : i32
    %scan3A_5 = arith.constant 192 : i32
    %scan3A_6 = arith.addi %scan3A_4, %scan3A_5 : i32
    %scan3A_7 = arith.constant 1 : i32
    scf.for %scan3A_9 = %scan3A_4 to %scan3A_6 step %scan3A_7  : i32 {
      %add3A_10 = arith.addi %mul3A_2, %scan3A_9 : i32
      "tpu.region"() ({
        %run_scoped3A = tpu.sem_alloc : memref<!tpu.dma_semaphore, #tpu.memory_space<semaphore_mem>>
        %dma_start3A = arith.constant 0 : i32
        %dma_start3A_23 = tpu.memref_slice %arg2[%add3A_10, %dma_start3A] : memref<6144x4096xi32, #tpu.memory_space<hbm>> -> memref<1x4096xi32, #tpu.memory_space<hbm>>
        %dma_start3A_24 = tpu.memref_squeeze %dma_start3A_23 : memref<1x4096xi32, #tpu.memory_space<hbm>> -> memref<4096xi32, #tpu.memory_space<hbm>>
        %dma_start3A_25 = arith.constant 0 : i32
        %dma_start3A_26 = tpu.memref_slice %arg2[%add3A_10, %dma_start3A_25] : memref<6144x4096xi32, #tpu.memory_space<hbm>> -> memref<1x4096xi32, #tpu.memory_space<hbm>>
        %dma_start3A_27 = tpu.memref_squeeze %dma_start3A_26 : memref<1x4096xi32, #tpu.memory_space<hbm>> -> memref<4096xi32, #tpu.memory_space<hbm>>
        tpu.enqueue_dma source(%dma_start3A_27 : memref<4096xi32, #tpu.memory_space<hbm>>) target(%arg5 : memref<4096xi32, #tpu.memory_space<vmem>>) target_semaphore(%run_scoped3A : memref<!tpu.dma_semaphore, #tpu.memory_space<semaphore_mem>>)
        %dma_wait3A = arith.constant 0 : i32
        %dma_wait3A_28 = tpu.memref_slice %arg2[%add3A_10, %dma_wait3A] : memref<6144x4096xi32, #tpu.memory_space<hbm>> -> memref<1x4096xi32, #tpu.memory_space<hbm>>
        %dma_wait3A_29 = tpu.memref_squeeze %dma_wait3A_28 : memref<1x4096xi32, #tpu.memory_space<hbm>> -> memref<4096xi32, #tpu.memory_space<hbm>>
        %dma_wait3A_30 = arith.constant 0 : i32
        %dma_wait3A_31 = tpu.memref_slice %arg2[%add3A_10, %dma_wait3A_30] : memref<6144x4096xi32, #tpu.memory_space<hbm>> -> memref<1x4096xi32, #tpu.memory_space<hbm>>
        %dma_wait3A_32 = tpu.memref_squeeze %dma_wait3A_31 : memref<1x4096xi32, #tpu.memory_space<hbm>> -> memref<4096xi32, #tpu.memory_space<hbm>>
        tpu.wait_dma2 semaphore(%run_scoped3A : memref<!tpu.dma_semaphore, #tpu.memory_space<semaphore_mem>>) src(%dma_wait3A_32 : memref<4096xi32, #tpu.memory_space<hbm>>) dst(%arg5 : memref<4096xi32, #tpu.memory_space<vmem>>)
        tpu.yield
      }) : () -> ()
      "tpu.region"() ({
        %run_scoped3A = tpu.sem_alloc : memref<!tpu.dma_semaphore, #tpu.memory_space<semaphore_mem>>
        %dma_start3A = arith.constant 0 : i32
        %dma_start3A_23 = tpu.memref_slice %arg3[%add3A_10, %dma_start3A] : memref<6144x4096xf32, #tpu.memory_space<hbm>> -> memref<1x4096xf32, #tpu.memory_space<hbm>>
        %dma_start3A_24 = tpu.memref_squeeze %dma_start3A_23 : memref<1x4096xf32, #tpu.memory_space<hbm>> -> memref<4096xf32, #tpu.memory_space<hbm>>
        %dma_start3A_25 = arith.constant 0 : i32
        %dma_start3A_26 = tpu.memref_slice %arg3[%add3A_10, %dma_start3A_25] : memref<6144x4096xf32, #tpu.memory_space<hbm>> -> memref<1x4096xf32, #tpu.memory_space<hbm>>
        %dma_start3A_27 = tpu.memref_squeeze %dma_start3A_26 : memref<1x4096xf32, #tpu.memory_space<hbm>> -> memref<4096xf32, #tpu.memory_space<hbm>>
        tpu.enqueue_dma source(%dma_start3A_27 : memref<4096xf32, #tpu.memory_space<hbm>>) target(%arg6 : memref<4096xf32, #tpu.memory_space<vmem>>) target_semaphore(%run_scoped3A : memref<!tpu.dma_semaphore, #tpu.memory_space<semaphore_mem>>)
        %dma_wait3A = arith.constant 0 : i32
        %dma_wait3A_28 = tpu.memref_slice %arg3[%add3A_10, %dma_wait3A] : memref<6144x4096xf32, #tpu.memory_space<hbm>> -> memref<1x4096xf32, #tpu.memory_space<hbm>>
        %dma_wait3A_29 = tpu.memref_squeeze %dma_wait3A_28 : memref<1x4096xf32, #tpu.memory_space<hbm>> -> memref<4096xf32, #tpu.memory_space<hbm>>
        %dma_wait3A_30 = arith.constant 0 : i32
        %dma_wait3A_31 = tpu.memref_slice %arg3[%add3A_10, %dma_wait3A_30] : memref<6144x4096xf32, #tpu.memory_space<hbm>> -> memref<1x4096xf32, #tpu.memory_space<hbm>>
        %dma_wait3A_32 = tpu.memref_squeeze %dma_wait3A_31 : memref<1x4096xf32, #tpu.memory_space<hbm>> -> memref<4096xf32, #tpu.memory_space<hbm>>
        tpu.wait_dma2 semaphore(%run_scoped3A : memref<!tpu.dma_semaphore, #tpu.memory_space<semaphore_mem>>) src(%dma_wait3A_32 : memref<4096xf32, #tpu.memory_space<hbm>>) dst(%arg6 : memref<4096xf32, #tpu.memory_space<vmem>>)
        tpu.yield
      }) : () -> ()
      %scan3A_11 = arith.constant 0 : i32
      %scan3A_12 = arith.constant 0 : i32
      %scan3A_13 = arith.constant 512 : i32
      %scan3A_14 = arith.addi %scan3A_12, %scan3A_13 : i32
      %scan3A_15 = arith.constant 8 : i32
      scf.for %scan3A_23 = %scan3A_12 to %scan3A_14 step %scan3A_15  : i32 {
        %mul3A_24 = arith.constant 16 : i32
        %mul3A_25 = arith.muli %scan3A_23, %mul3A_24 : i32
        %swap3A = arith.index_cast %mul3A_25 : i32 to index
        %swap3A_26 = tpu.vector_load %arg7[%swap3A] {strides = array<i32>} : memref<8192xf32, #tpu.memory_space<vmem>>, vector<16xf32>,
        tpu.vector_store %arg7[%swap3A], %broadcast_in_dim3A_3 {strides = array<i32>} : memref<8192xf32, #tpu.memory_space<vmem>>, vector<16xf32>,
        %scan3A_27 = arith.constant 1 : i32
        %scan3A_28 = arith.addi %scan3A_23, %scan3A_27 : i32
        %mul3A_29 = arith.constant 16 : i32
        %mul3A_30 = arith.muli %scan3A_28, %mul3A_29 : i32
        %swap3A_31 = arith.index_cast %mul3A_30 : i32 to index
        %swap3A_32 = tpu.vector_load %arg7[%swap3A_31] {strides = array<i32>} : memref<8192xf32, #tpu.memory_space<vmem>>, vector<16xf32>,
        tpu.vector_store %arg7[%swap3A_31], %broadcast_in_dim3A_3 {strides = array<i32>} : memref<8192xf32, #tpu.memory_space<vmem>>, vector<16xf32>,
        %scan3A_33 = arith.constant 2 : i32
        %scan3A_34 = arith.addi %scan3A_23, %scan3A_33 : i32
        %mul3A_35 = arith.constant 16 : i32
        %mul3A_36 = arith.muli %scan3A_34, %mul3A_35 : i32
        %swap3A_37 = arith.index_cast %mul3A_36 : i32 to index
        %swap3A_38 = tpu.vector_load %arg7[%swap3A_37] {strides = array<i32>} : memref<8192xf32, #tpu.memory_space<vmem>>, vector<16xf32>,
        tpu.vector_store %arg7[%swap3A_37], %broadcast_in_dim3A_3 {strides = array<i32>} : memref<8192xf32, #tpu.memory_space<vmem>>, vector<16xf32>,
        %scan3A_39 = arith.constant 3 : i32
        %scan3A_40 = arith.addi %scan3A_23, %scan3A_39 : i32
        %mul3A_41 = arith.constant 16 : i32
        %mul3A_42 = arith.muli %scan3A_40, %mul3A_41 : i32
        %swap3A_43 = arith.index_cast %mul3A_42 : i32 to index
        %swap3A_44 = tpu.vector_load %arg7[%swap3A_43] {strides = array<i32>} : memref<8192xf32, #tpu.memory_space<vmem>>, vector<16xf32>,
        tpu.vector_store %arg7[%swap3A_43], %broadcast_in_dim3A_3 {strides = array<i32>} : memref<8192xf32, #tpu.memory_space<vmem>>, vector<16xf32>,
        %scan3A_45 = arith.constant 4 : i32
        %scan3A_46 = arith.addi %scan3A_23, %scan3A_45 : i32
        %mul3A_47 = arith.constant 16 : i32
        %mul3A_48 = arith.muli %scan3A_46, %mul3A_47 : i32
        %swap3A_49 = arith.index_cast %mul3A_48 : i32 to index
        %swap3A_50 = tpu.vector_load %arg7[%swap3A_49] {strides = array<i32>} : memref<8192xf32, #tpu.memory_space<vmem>>, vector<16xf32>,
        tpu.vector_store %arg7[%swap3A_49], %broadcast_in_dim3A_3 {strides = array<i32>} : memref<8192xf32, #tpu.memory_space<vmem>>, vector<16xf32>,
        %scan3A_51 = arith.constant 5 : i32
        %scan3A_52 = arith.addi %scan3A_23, %scan3A_51 : i32
        %mul3A_53 = arith.constant 16 : i32
        %mul3A_54 = arith.muli %scan3A_52, %mul3A_53 : i32
        %swap3A_55 = arith.index_cast %mul3A_54 : i32 to index
        %swap3A_56 = tpu.vector_load %arg7[%swap3A_55] {strides = array<i32>} : memref<8192xf32, #tpu.memory_space<vmem>>, vector<16xf32>,
        tpu.vector_store %arg7[%swap3A_55], %broadcast_in_dim3A_3 {strides = array<i32>} : memref<8192xf32, #tpu.memory_space<vmem>>, vector<16xf32>,
        %scan3A_57 = arith.constant 6 : i32
        %scan3A_58 = arith.addi %scan3A_23, %scan3A_57 : i32
        %mul3A_59 = arith.constant 16 : i32
        %mul3A_60 = arith.muli %scan3A_58, %mul3A_59 : i32
        %swap3A_61 = arith.index_cast %mul3A_60 : i32 to index
        %swap3A_62 = tpu.vector_load %arg7[%swap3A_61] {strides = array<i32>} : memref<8192xf32, #tpu.memory_space<vmem>>, vector<16xf32>,
        tpu.vector_store %arg7[%swap3A_61], %broadcast_in_dim3A_3 {strides = array<i32>} : memref<8192xf32, #tpu.memory_space<vmem>>, vector<16xf32>,
        %scan3A_63 = arith.constant 7 : i32
        %scan3A_64 = arith.addi %scan3A_23, %scan3A_63 : i32
        %mul3A_65 = arith.constant 16 : i32
        %mul3A_66 = arith.muli %scan3A_64, %mul3A_65 : i32
        %swap3A_67 = arith.index_cast %mul3A_66 : i32 to index
        %swap3A_68 = tpu.vector_load %arg7[%swap3A_67] {strides = array<i32>} : memref<8192xf32, #tpu.memory_space<vmem>>, vector<16xf32>,
        tpu.vector_store %arg7[%swap3A_67], %broadcast_in_dim3A_3 {strides = array<i32>} : memref<8192xf32, #tpu.memory_space<vmem>>, vector<16xf32>,
      }
      %scan3A_16 = arith.constant 512 : i32
      %scan3A_17 = arith.constant 0 : i32
      %scan3A_18 = arith.constant 0 : i32
      %scan3A_19 = arith.constant 256 : i32
      %scan3A_20 = arith.addi %scan3A_18, %scan3A_19 : i32
      %scan3A_21 = arith.constant 8 : i32
      scf.for %scan3A_23 = %scan3A_18 to %scan3A_20 step %scan3A_21  : i32 {
        %mul3A_24 = arith.constant 16 : i32
        %mul3A_25 = arith.muli %scan3A_23, %mul3A_24 : i32
        %get3A = arith.index_cast %mul3A_25 : i32 to index
        %get3A_26 = tpu.vector_load %arg5[%get3A] {strides = array<i32>} : memref<4096xi32, #tpu.memory_space<vmem>>, vector<16xi32>,
        %shift_right_arithmetic3A = arith.constant 12 : i32
        %shift_right_arithmetic3A_27 = vector.broadcast %shift_right_arithmetic3A : i32 to vector<16xi32>
        %shift_right_arithmetic3A_28 = arith.shrsi %get3A_26, %shift_right_arithmetic3A_27 : vector<16xi32>
        %and3A = arith.constant 4095 : i32
        %and3A_29 = vector.broadcast %and3A : i32 to vector<16xi32>
        %and3A_30 = arith.andi %get3A_26, %and3A_29 : vector<16xi32>
        %gather3A = tpu.vector_load_idx %arg6[%and3A_30] : memref<4096xf32, #tpu.memory_space<vmem>>[vector<16xi32>], vector<16xf32>,
        tpu.vector_store_idx %arg7[%shift_right_arithmetic3A_28], %gather3A : memref<8192xf32, #tpu.memory_space<vmem>>[vector<16xi32>], vector<16xf32>,
        %scan3A_31 = arith.constant 1 : i32
        %scan3A_32 = arith.addi %scan3A_23, %scan3A_31 : i32
        %mul3A_33 = arith.constant 16 : i32
        %mul3A_34 = arith.muli %scan3A_32, %mul3A_33 : i32
        %get3A_35 = arith.index_cast %mul3A_34 : i32 to index
        %get3A_36 = tpu.vector_load %arg5[%get3A_35] {strides = array<i32>} : memref<4096xi32, #tpu.memory_space<vmem>>, vector<16xi32>,
        %shift_right_arithmetic3A_37 = arith.constant 12 : i32
        %shift_right_arithmetic3A_38 = vector.broadcast %shift_right_arithmetic3A_37 : i32 to vector<16xi32>
        %shift_right_arithmetic3A_39 = arith.shrsi %get3A_36, %shift_right_arithmetic3A_38 : vector<16xi32>
        %and3A_40 = arith.constant 4095 : i32
        %and3A_41 = vector.broadcast %and3A_40 : i32 to vector<16xi32>
        %and3A_42 = arith.andi %get3A_36, %and3A_41 : vector<16xi32>
        %gather3A_43 = tpu.vector_load_idx %arg6[%and3A_42] : memref<4096xf32, #tpu.memory_space<vmem>>[vector<16xi32>], vector<16xf32>,
        tpu.vector_store_idx %arg7[%shift_right_arithmetic3A_39], %gather3A_43 : memref<8192xf32, #tpu.memory_space<vmem>>[vector<16xi32>], vector<16xf32>,
        %scan3A_44 = arith.constant 2 : i32
        %scan3A_45 = arith.addi %scan3A_23, %scan3A_44 : i32
        %mul3A_46 = arith.constant 16 : i32
        %mul3A_47 = arith.muli %scan3A_45, %mul3A_46 : i32
        %get3A_48 = arith.index_cast %mul3A_47 : i32 to index
        %get3A_49 = tpu.vector_load %arg5[%get3A_48] {strides = array<i32>} : memref<4096xi32, #tpu.memory_space<vmem>>, vector<16xi32>,
        %shift_right_arithmetic3A_50 = arith.constant 12 : i32
        %shift_right_arithmetic3A_51 = vector.broadcast %shift_right_arithmetic3A_50 : i32 to vector<16xi32>
        %shift_right_arithmetic3A_52 = arith.shrsi %get3A_49, %shift_right_arithmetic3A_51 : vector<16xi32>
        %and3A_53 = arith.constant 4095 : i32
        %and3A_54 = vector.broadcast %and3A_53 : i32 to vector<16xi32>
        %and3A_55 = arith.andi %get3A_49, %and3A_54 : vector<16xi32>
        %gather3A_56 = tpu.vector_load_idx %arg6[%and3A_55] : memref<4096xf32, #tpu.memory_space<vmem>>[vector<16xi32>], vector<16xf32>,
        tpu.vector_store_idx %arg7[%shift_right_arithmetic3A_52], %gather3A_56 : memref<8192xf32, #tpu.memory_space<vmem>>[vector<16xi32>], vector<16xf32>,
        %scan3A_57 = arith.constant 3 : i32
        %scan3A_58 = arith.addi %scan3A_23, %scan3A_57 : i32
        %mul3A_59 = arith.constant 16 : i32
        %mul3A_60 = arith.muli %scan3A_58, %mul3A_59 : i32
        %get3A_61 = arith.index_cast %mul3A_60 : i32 to index
        %get3A_62 = tpu.vector_load %arg5[%get3A_61] {strides = array<i32>} : memref<4096xi32, #tpu.memory_space<vmem>>, vector<16xi32>,
        %shift_right_arithmetic3A_63 = arith.constant 12 : i32
        %shift_right_arithmetic3A_64 = vector.broadcast %shift_right_arithmetic3A_63 : i32 to vector<16xi32>
        %shift_right_arithmetic3A_65 = arith.shrsi %get3A_62, %shift_right_arithmetic3A_64 : vector<16xi32>
        %and3A_66 = arith.constant 4095 : i32
        %and3A_67 = vector.broadcast %and3A_66 : i32 to vector<16xi32>
        %and3A_68 = arith.andi %get3A_62, %and3A_67 : vector<16xi32>
        %gather3A_69 = tpu.vector_load_idx %arg6[%and3A_68] : memref<4096xf32, #tpu.memory_space<vmem>>[vector<16xi32>], vector<16xf32>,
        tpu.vector_store_idx %arg7[%shift_right_arithmetic3A_65], %gather3A_69 : memref<8192xf32, #tpu.memory_space<vmem>>[vector<16xi32>], vector<16xf32>,
        %scan3A_70 = arith.constant 4 : i32
        %scan3A_71 = arith.addi %scan3A_23, %scan3A_70 : i32
        %mul3A_72 = arith.constant 16 : i32
        %mul3A_73 = arith.muli %scan3A_71, %mul3A_72 : i32
        %get3A_74 = arith.index_cast %mul3A_73 : i32 to index
        %get3A_75 = tpu.vector_load %arg5[%get3A_74] {strides = array<i32>} : memref<4096xi32, #tpu.memory_space<vmem>>, vector<16xi32>,
        %shift_right_arithmetic3A_76 = arith.constant 12 : i32
        %shift_right_arithmetic3A_77 = vector.broadcast %shift_right_arithmetic3A_76 : i32 to vector<16xi32>
        %shift_right_arithmetic3A_78 = arith.shrsi %get3A_75, %shift_right_arithmetic3A_77 : vector<16xi32>
        %and3A_79 = arith.constant 4095 : i32
        %and3A_80 = vector.broadcast %and3A_79 : i32 to vector<16xi32>
        %and3A_81 = arith.andi %get3A_75, %and3A_80 : vector<16xi32>
        %gather3A_82 = tpu.vector_load_idx %arg6[%and3A_81] : memref<4096xf32, #tpu.memory_space<vmem>>[vector<16xi32>], vector<16xf32>,
        tpu.vector_store_idx %arg7[%shift_right_arithmetic3A_78], %gather3A_82 : memref<8192xf32, #tpu.memory_space<vmem>>[vector<16xi32>], vector<16xf32>,
        %scan3A_83 = arith.constant 5 : i32
        %scan3A_84 = arith.addi %scan3A_23, %scan3A_83 : i32
        %mul3A_85 = arith.constant 16 : i32
        %mul3A_86 = arith.muli %scan3A_84, %mul3A_85 : i32
        %get3A_87 = arith.index_cast %mul3A_86 : i32 to index
        %get3A_88 = tpu.vector_load %arg5[%get3A_87] {strides = array<i32>} : memref<4096xi32, #tpu.memory_space<vmem>>, vector<16xi32>,
        %shift_right_arithmetic3A_89 = arith.constant 12 : i32
        %shift_right_arithmetic3A_90 = vector.broadcast %shift_right_arithmetic3A_89 : i32 to vector<16xi32>
        %shift_right_arithmetic3A_91 = arith.shrsi %get3A_88, %shift_right_arithmetic3A_90 : vector<16xi32>
        %and3A_92 = arith.constant 4095 : i32
        %and3A_93 = vector.broadcast %and3A_92 : i32 to vector<16xi32>
        %and3A_94 = arith.andi %get3A_88, %and3A_93 : vector<16xi32>
        %gather3A_95 = tpu.vector_load_idx %arg6[%and3A_94] : memref<4096xf32, #tpu.memory_space<vmem>>[vector<16xi32>], vector<16xf32>,
        tpu.vector_store_idx %arg7[%shift_right_arithmetic3A_91], %gather3A_95 : memref<8192xf32, #tpu.memory_space<vmem>>[vector<16xi32>], vector<16xf32>,
        %scan3A_96 = arith.constant 6 : i32
        %scan3A_97 = arith.addi %scan3A_23, %scan3A_96 : i32
        %mul3A_98 = arith.constant 16 : i32
        %mul3A_99 = arith.muli %scan3A_97, %mul3A_98 : i32
        %get3A_100 = arith.index_cast %mul3A_99 : i32 to index
        %get3A_101 = tpu.vector_load %arg5[%get3A_100] {strides = array<i32>} : memref<4096xi32, #tpu.memory_space<vmem>>, vector<16xi32>,
        %shift_right_arithmetic3A_102 = arith.constant 12 : i32
        %shift_right_arithmetic3A_103 = vector.broadcast %shift_right_arithmetic3A_102 : i32 to vector<16xi32>
        %shift_right_arithmetic3A_104 = arith.shrsi %get3A_101, %shift_right_arithmetic3A_103 : vector<16xi32>
        %and3A_105 = arith.constant 4095 : i32
        %and3A_106 = vector.broadcast %and3A_105 : i32 to vector<16xi32>
        %and3A_107 = arith.andi %get3A_101, %and3A_106 : vector<16xi32>
        %gather3A_108 = tpu.vector_load_idx %arg6[%and3A_107] : memref<4096xf32, #tpu.memory_space<vmem>>[vector<16xi32>], vector<16xf32>,
        tpu.vector_store_idx %arg7[%shift_right_arithmetic3A_104], %gather3A_108 : memref<8192xf32, #tpu.memory_space<vmem>>[vector<16xi32>], vector<16xf32>,
        %scan3A_109 = arith.constant 7 : i32
        %scan3A_110 = arith.addi %scan3A_23, %scan3A_109 : i32
        %mul3A_111 = arith.constant 16 : i32
        %mul3A_112 = arith.muli %scan3A_110, %mul3A_111 : i32
        %get3A_113 = arith.index_cast %mul3A_112 : i32 to index
        %get3A_114 = tpu.vector_load %arg5[%get3A_113] {strides = array<i32>} : memref<4096xi32, #tpu.memory_space<vmem>>, vector<16xi32>,
        %shift_right_arithmetic3A_115 = arith.constant 12 : i32
        %shift_right_arithmetic3A_116 = vector.broadcast %shift_right_arithmetic3A_115 : i32 to vector<16xi32>
        %shift_right_arithmetic3A_117 = arith.shrsi %get3A_114, %shift_right_arithmetic3A_116 : vector<16xi32>
        %and3A_118 = arith.constant 4095 : i32
        %and3A_119 = vector.broadcast %and3A_118 : i32 to vector<16xi32>
        %and3A_120 = arith.andi %get3A_114, %and3A_119 : vector<16xi32>
        %gather3A_121 = tpu.vector_load_idx %arg6[%and3A_120] : memref<4096xf32, #tpu.memory_space<vmem>>[vector<16xi32>], vector<16xf32>,
        tpu.vector_store_idx %arg7[%shift_right_arithmetic3A_117], %gather3A_121 : memref<8192xf32, #tpu.memory_space<vmem>>[vector<16xi32>], vector<16xf32>,
      }
      %scan3A_22 = arith.constant 256 : i32
      "tpu.region"() ({
        %run_scoped3A = tpu.sem_alloc : memref<!tpu.dma_semaphore, #tpu.memory_space<semaphore_mem>>
        %dma_start3A = arith.constant 0 : i32
        %dma_start3A_23 = tpu.memref_slice %arg4[%add3A_10, %dma_start3A] : memref<6144x8192xf32, #tpu.memory_space<hbm>> -> memref<1x8192xf32, #tpu.memory_space<hbm>>
        %dma_start3A_24 = tpu.memref_squeeze %dma_start3A_23 : memref<1x8192xf32, #tpu.memory_space<hbm>> -> memref<8192xf32, #tpu.memory_space<hbm>>
        %dma_start3A_25 = arith.constant 0 : i32
        %dma_start3A_26 = tpu.memref_slice %arg4[%add3A_10, %dma_start3A_25] : memref<6144x8192xf32, #tpu.memory_space<hbm>> -> memref<1x8192xf32, #tpu.memory_space<hbm>>
        %dma_start3A_27 = tpu.memref_squeeze %dma_start3A_26 : memref<1x8192xf32, #tpu.memory_space<hbm>> -> memref<8192xf32, #tpu.memory_space<hbm>>
        tpu.enqueue_dma source(%arg7 : memref<8192xf32, #tpu.memory_space<vmem>>) target(%dma_start3A_27 : memref<8192xf32, #tpu.memory_space<hbm>>) target_semaphore(%run_scoped3A : memref<!tpu.dma_semaphore, #tpu.memory_space<semaphore_mem>>)
        %dma_wait3A = arith.constant 0 : i32
        %dma_wait3A_28 = tpu.memref_slice %arg4[%add3A_10, %dma_wait3A] : memref<6144x8192xf32, #tpu.memory_space<hbm>> -> memref<1x8192xf32, #tpu.memory_space<hbm>>
        %dma_wait3A_29 = tpu.memref_squeeze %dma_wait3A_28 : memref<1x8192xf32, #tpu.memory_space<hbm>> -> memref<8192xf32, #tpu.memory_space<hbm>>
        %dma_wait3A_30 = arith.constant 0 : i32
        %dma_wait3A_31 = tpu.memref_slice %arg4[%add3A_10, %dma_wait3A_30] : memref<6144x8192xf32, #tpu.memory_space<hbm>> -> memref<1x8192xf32, #tpu.memory_space<hbm>>
        %dma_wait3A_32 = tpu.memref_squeeze %dma_wait3A_31 : memref<1x8192xf32, #tpu.memory_space<hbm>> -> memref<8192xf32, #tpu.memory_space<hbm>>
        tpu.wait_dma2 semaphore(%run_scoped3A : memref<!tpu.dma_semaphore, #tpu.memory_space<semaphore_mem>>) src(%arg7 : memref<8192xf32, #tpu.memory_space<vmem>>) dst(%dma_wait3A_32 : memref<8192xf32, #tpu.memory_space<hbm>>)
        tpu.yield
      }) : () -> ()
    }
    %scan3A_8 = arith.constant 192 : i32
    return
  }
}

module attributes {stable_mosaic.version = 14 : i64} {
  func.func @_sort_body(%arg0: i32, %arg1: memref<8x4096xi32, #tpu.memory_space<vmem>>, %arg2: memref<8x4096xi32, #tpu.memory_space<vmem>>) attributes {dimension_semantics = [#tpu.dimension_semantics<arbitrary>], iteration_bounds = array<i64: 768>, scalar_prefetch = 0 : i64, scratch_operands = 0 : i64, tpu.core_type = #tpu.core_type<tc>, window_params = [{transform_indices = @transform_0, window_bounds = array<i64: 8, 4096>}, {transform_indices = @transform_1, window_bounds = array<i64: 8, 4096>}]} {
    %iota3A = tpu.iota {dimensions = array<i32: 1>} : vector<8x4096xi32>
    %get3A = arith.constant 0 : index
    %get3A_0 = arith.constant 0 : index
    %get3A_1 = vector.load %arg1[%get3A, %get3A_0] : memref<8x4096xi32, #tpu.memory_space<vmem>>, vector<8x4096xi32>
    %mul3A = arith.constant 4096 : i32
    %mul3A_2 = vector.broadcast %mul3A : i32 to vector<8x4096xi32>
    %mul3A_3 = arith.muli %get3A_1, %mul3A_2 : vector<8x4096xi32>
    %add3A = arith.addi %mul3A_3, %iota3A : vector<8x4096xi32>
    %and3A = arith.constant 1 : i32
    %and3A_4 = vector.broadcast %and3A : i32 to vector<8x4096xi32>
    %and3A_5 = arith.andi %iota3A, %and3A_4 : vector<8x4096xi32>
    %eq3A = arith.constant 0 : i32
    %eq3A_6 = vector.broadcast %eq3A : i32 to vector<8x4096xi32>
    %eq3A_7 = arith.cmpi eq, %and3A_5, %eq3A_6 : vector<8x4096xi32>
    %roll3A = arith.constant 4095 : i32
    %roll3A_8 = tpu.dynamic_rotate %add3A by %roll3A dim 1 : vector<8x4096xi32>, i32 -> vector<8x4096xi32>
    %roll3A_9 = arith.constant 1 : i32
    %roll3A_10 = tpu.dynamic_rotate %add3A by %roll3A_9 dim 1 : vector<8x4096xi32>, i32 -> vector<8x4096xi32>
    %select_n3A = arith.select %eq3A_7, %roll3A_8, %roll3A_10 : vector<8x4096xi1>, vector<8x4096xi32>
    %shift_right_arithmetic3A = arith.constant 12 : i32
    %shift_right_arithmetic3A_11 = vector.broadcast %shift_right_arithmetic3A : i32 to vector<8x4096xi32>
    %shift_right_arithmetic3A_12 = arith.shrsi %add3A, %shift_right_arithmetic3A_11 : vector<8x4096xi32>
    %shift_right_arithmetic3A_13 = arith.constant 12 : i32
    %shift_right_arithmetic3A_14 = vector.broadcast %shift_right_arithmetic3A_13 : i32 to vector<8x4096xi32>
    %shift_right_arithmetic3A_15 = arith.shrsi %select_n3A, %shift_right_arithmetic3A_14 : vector<8x4096xi32>
    %lt3A = arith.cmpi slt, %shift_right_arithmetic3A_15, %shift_right_arithmetic3A_12 : vector<8x4096xi32>
    %select_n3A_16 = arith.select %lt3A, %select_n3A, %add3A : vector<8x4096xi1>, vector<8x4096xi32>
    %lt3A_17 = arith.cmpi slt, %shift_right_arithmetic3A_12, %shift_right_arithmetic3A_15 : vector<8x4096xi32>
    %select_n3A_18 = arith.select %lt3A_17, %select_n3A, %add3A : vector<8x4096xi1>, vector<8x4096xi32>
    %select_n3A_19 = arith.select %eq3A_7, %select_n3A_16, %select_n3A_18 : vector<8x4096xi1>, vector<8x4096xi32>
    %roll3A_20 = arith.constant 4095 : i32
    %roll3A_21 = tpu.dynamic_rotate %select_n3A_19 by %roll3A_20 dim 1 : vector<8x4096xi32>, i32 -> vector<8x4096xi32>
    %roll3A_22 = arith.constant 1 : i32
    %roll3A_23 = tpu.dynamic_rotate %select_n3A_19 by %roll3A_22 dim 1 : vector<8x4096xi32>, i32 -> vector<8x4096xi32>
    %select_n3A_24 = arith.select %eq3A_7, %roll3A_21, %roll3A_23 : vector<8x4096xi1>, vector<8x4096xi32>
    %and3A_25 = arith.constant 2 : i32
    %and3A_26 = vector.broadcast %and3A_25 : i32 to vector<8x4096xi32>
    %and3A_27 = arith.andi %iota3A, %and3A_26 : vector<8x4096xi32>
    %eq3A_28 = arith.constant 0 : i32
    %eq3A_29 = vector.broadcast %eq3A_28 : i32 to vector<8x4096xi32>
    %eq3A_30 = arith.cmpi eq, %and3A_27, %eq3A_29 : vector<8x4096xi32>
    %roll3A_31 = arith.constant 4094 : i32
    %roll3A_32 = tpu.dynamic_rotate %select_n3A_24 by %roll3A_31 dim 1 : vector<8x4096xi32>, i32 -> vector<8x4096xi32>
    %roll3A_33 = arith.constant 2 : i32
    %roll3A_34 = tpu.dynamic_rotate %select_n3A_24 by %roll3A_33 dim 1 : vector<8x4096xi32>, i32 -> vector<8x4096xi32>
    %select_n3A_35 = arith.select %eq3A_30, %roll3A_32, %roll3A_34 : vector<8x4096xi1>, vector<8x4096xi32>
    %shift_right_arithmetic3A_36 = arith.constant 12 : i32
    %shift_right_arithmetic3A_37 = vector.broadcast %shift_right_arithmetic3A_36 : i32 to vector<8x4096xi32>
    %shift_right_arithmetic3A_38 = arith.shrsi %select_n3A_19, %shift_right_arithmetic3A_37 : vector<8x4096xi32>
    %shift_right_arithmetic3A_39 = arith.constant 12 : i32
    %shift_right_arithmetic3A_40 = vector.broadcast %shift_right_arithmetic3A_39 : i32 to vector<8x4096xi32>
    %shift_right_arithmetic3A_41 = arith.shrsi %select_n3A_35, %shift_right_arithmetic3A_40 : vector<8x4096xi32>
    %lt3A_42 = arith.cmpi slt, %shift_right_arithmetic3A_41, %shift_right_arithmetic3A_38 : vector<8x4096xi32>
    %select_n3A_43 = arith.select %lt3A_42, %select_n3A_35, %select_n3A_19 : vector<8x4096xi1>, vector<8x4096xi32>
    %lt3A_44 = arith.cmpi slt, %shift_right_arithmetic3A_38, %shift_right_arithmetic3A_41 : vector<8x4096xi32>
    %select_n3A_45 = arith.select %lt3A_44, %select_n3A_35, %select_n3A_19 : vector<8x4096xi1>, vector<8x4096xi32>
    %select_n3A_46 = arith.select %eq3A_30, %select_n3A_43, %select_n3A_45 : vector<8x4096xi1>, vector<8x4096xi32>
    %roll3A_47 = arith.constant 4095 : i32
    %roll3A_48 = tpu.dynamic_rotate %select_n3A_46 by %roll3A_47 dim 1 : vector<8x4096xi32>, i32 -> vector<8x4096xi32>
    %roll3A_49 = arith.constant 1 : i32
    %roll3A_50 = tpu.dynamic_rotate %select_n3A_46 by %roll3A_49 dim 1 : vector<8x4096xi32>, i32 -> vector<8x4096xi32>
    %shift_right_arithmetic3A_51 = arith.constant 12 : i32
    %shift_right_arithmetic3A_52 = vector.broadcast %shift_right_arithmetic3A_51 : i32 to vector<8x4096xi32>
    %shift_right_arithmetic3A_53 = arith.shrsi %select_n3A_46, %shift_right_arithmetic3A_52 : vector<8x4096xi32>
    %shift_right_arithmetic3A_54 = arith.constant 12 : i32
    %shift_right_arithmetic3A_55 = vector.broadcast %shift_right_arithmetic3A_54 : i32 to vector<8x4096xi32>
    %shift_right_arithmetic3A_56 = arith.shrsi %roll3A_48, %shift_right_arithmetic3A_55 : vector<8x4096xi32>
    %lt3A_57 = arith.cmpi slt, %shift_right_arithmetic3A_56, %shift_right_arithmetic3A_53 : vector<8x4096xi32>
    %select_n3A_58 = arith.select %lt3A_57, %roll3A_48, %select_n3A_46 : vector<8x4096xi1>, vector<8x4096xi32>
    %shift_right_arithmetic3A_59 = arith.constant 12 : i32
    %shift_right_arithmetic3A_60 = vector.broadcast %shift_right_arithmetic3A_59 : i32 to vector<8x4096xi32>
    %shift_right_arithmetic3A_61 = arith.shrsi %roll3A_50, %shift_right_arithmetic3A_60 : vector<8x4096xi32>
    %lt3A_62 = arith.cmpi slt, %shift_right_arithmetic3A_53, %shift_right_arithmetic3A_61 : vector<8x4096xi32>
    %select_n3A_63 = arith.select %lt3A_62, %roll3A_50, %select_n3A_46 : vector<8x4096xi1>, vector<8x4096xi32>
    %select_n3A_64 = arith.select %eq3A_7, %select_n3A_58, %select_n3A_63 : vector<8x4096xi1>, vector<8x4096xi32>
    %roll3A_65 = arith.constant 4095 : i32
    %roll3A_66 = tpu.dynamic_rotate %select_n3A_64 by %roll3A_65 dim 1 : vector<8x4096xi32>, i32 -> vector<8x4096xi32>
    %roll3A_67 = arith.constant 1 : i32
    %roll3A_68 = tpu.dynamic_rotate %select_n3A_64 by %roll3A_67 dim 1 : vector<8x4096xi32>, i32 -> vector<8x4096xi32>
    %select_n3A_69 = arith.select %eq3A_7, %roll3A_66, %roll3A_68 : vector<8x4096xi1>, vector<8x4096xi32>
    %roll3A_70 = arith.constant 4094 : i32
    %roll3A_71 = tpu.dynamic_rotate %select_n3A_69 by %roll3A_70 dim 1 : vector<8x4096xi32>, i32 -> vector<8x4096xi32>
    %roll3A_72 = arith.constant 2 : i32
    %roll3A_73 = tpu.dynamic_rotate %select_n3A_69 by %roll3A_72 dim 1 : vector<8x4096xi32>, i32 -> vector<8x4096xi32>
    %select_n3A_74 = arith.select %eq3A_30, %roll3A_71, %roll3A_73 : vector<8x4096xi1>, vector<8x4096xi32>
    %and3A_75 = arith.constant 4 : i32
    %and3A_76 = vector.broadcast %and3A_75 : i32 to vector<8x4096xi32>
    %and3A_77 = arith.andi %iota3A, %and3A_76 : vector<8x4096xi32>
    %eq3A_78 = arith.constant 0 : i32
    %eq3A_79 = vector.broadcast %eq3A_78 : i32 to vector<8x4096xi32>
    %eq3A_80 = arith.cmpi eq, %and3A_77, %eq3A_79 : vector<8x4096xi32>
    %roll3A_81 = arith.constant 4092 : i32
    %roll3A_82 = tpu.dynamic_rotate %select_n3A_74 by %roll3A_81 dim 1 : vector<8x4096xi32>, i32 -> vector<8x4096xi32>
    %roll3A_83 = arith.constant 4 : i32
    %roll3A_84 = tpu.dynamic_rotate %select_n3A_74 by %roll3A_83 dim 1 : vector<8x4096xi32>, i32 -> vector<8x4096xi32>
    %select_n3A_85 = arith.select %eq3A_80, %roll3A_82, %roll3A_84 : vector<8x4096xi1>, vector<8x4096xi32>
    %shift_right_arithmetic3A_86 = arith.constant 12 : i32
    %shift_right_arithmetic3A_87 = vector.broadcast %shift_right_arithmetic3A_86 : i32 to vector<8x4096xi32>
    %shift_right_arithmetic3A_88 = arith.shrsi %select_n3A_64, %shift_right_arithmetic3A_87 : vector<8x4096xi32>
    %shift_right_arithmetic3A_89 = arith.constant 12 : i32
    %shift_right_arithmetic3A_90 = vector.broadcast %shift_right_arithmetic3A_89 : i32 to vector<8x4096xi32>
    %shift_right_arithmetic3A_91 = arith.shrsi %select_n3A_85, %shift_right_arithmetic3A_90 : vector<8x4096xi32>
    %lt3A_92 = arith.cmpi slt, %shift_right_arithmetic3A_91, %shift_right_arithmetic3A_88 : vector<8x4096xi32>
    %select_n3A_93 = arith.select %lt3A_92, %select_n3A_85, %select_n3A_64 : vector<8x4096xi1>, vector<8x4096xi32>
    %lt3A_94 = arith.cmpi slt, %shift_right_arithmetic3A_88, %shift_right_arithmetic3A_91 : vector<8x4096xi32>
    %select_n3A_95 = arith.select %lt3A_94, %select_n3A_85, %select_n3A_64 : vector<8x4096xi1>, vector<8x4096xi32>
    %select_n3A_96 = arith.select %eq3A_80, %select_n3A_93, %select_n3A_95 : vector<8x4096xi1>, vector<8x4096xi32>
    %roll3A_97 = arith.constant 4094 : i32
    %roll3A_98 = tpu.dynamic_rotate %select_n3A_96 by %roll3A_97 dim 1 : vector<8x4096xi32>, i32 -> vector<8x4096xi32>
    %roll3A_99 = arith.constant 2 : i32
    %roll3A_100 = tpu.dynamic_rotate %select_n3A_96 by %roll3A_99 dim 1 : vector<8x4096xi32>, i32 -> vector<8x4096xi32>
    %shift_right_arithmetic3A_101 = arith.constant 12 : i32
    %shift_right_arithmetic3A_102 = vector.broadcast %shift_right_arithmetic3A_101 : i32 to vector<8x4096xi32>
    %shift_right_arithmetic3A_103 = arith.shrsi %select_n3A_96, %shift_right_arithmetic3A_102 : vector<8x4096xi32>
    %shift_right_arithmetic3A_104 = arith.constant 12 : i32
    %shift_right_arithmetic3A_105 = vector.broadcast %shift_right_arithmetic3A_104 : i32 to vector<8x4096xi32>
    %shift_right_arithmetic3A_106 = arith.shrsi %roll3A_98, %shift_right_arithmetic3A_105 : vector<8x4096xi32>
    %lt3A_107 = arith.cmpi slt, %shift_right_arithmetic3A_106, %shift_right_arithmetic3A_103 : vector<8x4096xi32>
    %select_n3A_108 = arith.select %lt3A_107, %roll3A_98, %select_n3A_96 : vector<8x4096xi1>, vector<8x4096xi32>
    %shift_right_arithmetic3A_109 = arith.constant 12 : i32
    %shift_right_arithmetic3A_110 = vector.broadcast %shift_right_arithmetic3A_109 : i32 to vector<8x4096xi32>
    %shift_right_arithmetic3A_111 = arith.shrsi %roll3A_100, %shift_right_arithmetic3A_110 : vector<8x4096xi32>
    %lt3A_112 = arith.cmpi slt, %shift_right_arithmetic3A_103, %shift_right_arithmetic3A_111 : vector<8x4096xi32>
    %select_n3A_113 = arith.select %lt3A_112, %roll3A_100, %select_n3A_96 : vector<8x4096xi1>, vector<8x4096xi32>
    %select_n3A_114 = arith.select %eq3A_30, %select_n3A_108, %select_n3A_113 : vector<8x4096xi1>, vector<8x4096xi32>
    %roll3A_115 = arith.constant 4095 : i32
    %roll3A_116 = tpu.dynamic_rotate %select_n3A_114 by %roll3A_115 dim 1 : vector<8x4096xi32>, i32 -> vector<8x4096xi32>
    %roll3A_117 = arith.constant 1 : i32
    %roll3A_118 = tpu.dynamic_rotate %select_n3A_114 by %roll3A_117 dim 1 : vector<8x4096xi32>, i32 -> vector<8x4096xi32>
    %shift_right_arithmetic3A_119 = arith.constant 12 : i32
    %shift_right_arithmetic3A_120 = vector.broadcast %shift_right_arithmetic3A_119 : i32 to vector<8x4096xi32>
    %shift_right_arithmetic3A_121 = arith.shrsi %select_n3A_114, %shift_right_arithmetic3A_120 : vector<8x4096xi32>
    %shift_right_arithmetic3A_122 = arith.constant 12 : i32
    %shift_right_arithmetic3A_123 = vector.broadcast %shift_right_arithmetic3A_122 : i32 to vector<8x4096xi32>
    %shift_right_arithmetic3A_124 = arith.shrsi %roll3A_116, %shift_right_arithmetic3A_123 : vector<8x4096xi32>
    %lt3A_125 = arith.cmpi slt, %shift_right_arithmetic3A_124, %shift_right_arithmetic3A_121 : vector<8x4096xi32>
    %select_n3A_126 = arith.select %lt3A_125, %roll3A_116, %select_n3A_114 : vector<8x4096xi1>, vector<8x4096xi32>
    %shift_right_arithmetic3A_127 = arith.constant 12 : i32
    %shift_right_arithmetic3A_128 = vector.broadcast %shift_right_arithmetic3A_127 : i32 to vector<8x4096xi32>
    %shift_right_arithmetic3A_129 = arith.shrsi %roll3A_118, %shift_right_arithmetic3A_128 : vector<8x4096xi32>
    %lt3A_130 = arith.cmpi slt, %shift_right_arithmetic3A_121, %shift_right_arithmetic3A_129 : vector<8x4096xi32>
    %select_n3A_131 = arith.select %lt3A_130, %roll3A_118, %select_n3A_114 : vector<8x4096xi1>, vector<8x4096xi32>
    %select_n3A_132 = arith.select %eq3A_7, %select_n3A_126, %select_n3A_131 : vector<8x4096xi1>, vector<8x4096xi32>
    %roll3A_133 = arith.constant 4095 : i32
    %roll3A_134 = tpu.dynamic_rotate %select_n3A_132 by %roll3A_133 dim 1 : vector<8x4096xi32>, i32 -> vector<8x4096xi32>
    %roll3A_135 = arith.constant 1 : i32
    %roll3A_136 = tpu.dynamic_rotate %select_n3A_132 by %roll3A_135 dim 1 : vector<8x4096xi32>, i32 -> vector<8x4096xi32>
    %select_n3A_137 = arith.select %eq3A_7, %roll3A_134, %roll3A_136 : vector<8x4096xi1>, vector<8x4096xi32>
    %roll3A_138 = arith.constant 4094 : i32
    %roll3A_139 = tpu.dynamic_rotate %select_n3A_137 by %roll3A_138 dim 1 : vector<8x4096xi32>, i32 -> vector<8x4096xi32>
    %roll3A_140 = arith.constant 2 : i32
    %roll3A_141 = tpu.dynamic_rotate %select_n3A_137 by %roll3A_140 dim 1 : vector<8x4096xi32>, i32 -> vector<8x4096xi32>
    %select_n3A_142 = arith.select %eq3A_30, %roll3A_139, %roll3A_141 : vector<8x4096xi1>, vector<8x4096xi32>
    %roll3A_143 = arith.constant 4092 : i32
    %roll3A_144 = tpu.dynamic_rotate %select_n3A_142 by %roll3A_143 dim 1 : vector<8x4096xi32>, i32 -> vector<8x4096xi32>
    %roll3A_145 = arith.constant 4 : i32
    %roll3A_146 = tpu.dynamic_rotate %select_n3A_142 by %roll3A_145 dim 1 : vector<8x4096xi32>, i32 -> vector<8x4096xi32>
    %select_n3A_147 = arith.select %eq3A_80, %roll3A_144, %roll3A_146 : vector<8x4096xi1>, vector<8x4096xi32>
    %and3A_148 = arith.constant 8 : i32
    %and3A_149 = vector.broadcast %and3A_148 : i32 to vector<8x4096xi32>
    %and3A_150 = arith.andi %iota3A, %and3A_149 : vector<8x4096xi32>
    %eq3A_151 = arith.constant 0 : i32
    %eq3A_152 = vector.broadcast %eq3A_151 : i32 to vector<8x4096xi32>
    %eq3A_153 = arith.cmpi eq, %and3A_150, %eq3A_152 : vector<8x4096xi32>
    %roll3A_154 = arith.constant 4088 : i32
    %roll3A_155 = tpu.dynamic_rotate %select_n3A_147 by %roll3A_154 dim 1 : vector<8x4096xi32>, i32 -> vector<8x4096xi32>
    %roll3A_156 = arith.constant 8 : i32
    %roll3A_157 = tpu.dynamic_rotate %select_n3A_147 by %roll3A_156 dim 1 : vector<8x4096xi32>, i32 -> vector<8x4096xi32>
    %select_n3A_158 = arith.select %eq3A_153, %roll3A_155, %roll3A_157 : vector<8x4096xi1>, vector<8x4096xi32>
    %shift_right_arithmetic3A_159 = arith.constant 12 : i32
    %shift_right_arithmetic3A_160 = vector.broadcast %shift_right_arithmetic3A_159 : i32 to vector<8x4096xi32>
    %shift_right_arithmetic3A_161 = arith.shrsi %select_n3A_132, %shift_right_arithmetic3A_160 : vector<8x4096xi32>
    %shift_right_arithmetic3A_162 = arith.constant 12 : i32
    %shift_right_arithmetic3A_163 = vector.broadcast %shift_right_arithmetic3A_162 : i32 to vector<8x4096xi32>
    %shift_right_arithmetic3A_164 = arith.shrsi %select_n3A_158, %shift_right_arithmetic3A_163 : vector<8x4096xi32>
    %lt3A_165 = arith.cmpi slt, %shift_right_arithmetic3A_164, %shift_right_arithmetic3A_161 : vector<8x4096xi32>
    %select_n3A_166 = arith.select %lt3A_165, %select_n3A_158, %select_n3A_132 : vector<8x4096xi1>, vector<8x4096xi32>
    %lt3A_167 = arith.cmpi slt, %shift_right_arithmetic3A_161, %shift_right_arithmetic3A_164 : vector<8x4096xi32>
    %select_n3A_168 = arith.select %lt3A_167, %select_n3A_158, %select_n3A_132 : vector<8x4096xi1>, vector<8x4096xi32>
    %select_n3A_169 = arith.select %eq3A_153, %select_n3A_166, %select_n3A_168 : vector<8x4096xi1>, vector<8x4096xi32>
    %roll3A_170 = arith.constant 4092 : i32
    %roll3A_171 = tpu.dynamic_rotate %select_n3A_169 by %roll3A_170 dim 1 : vector<8x4096xi32>, i32 -> vector<8x4096xi32>
    %roll3A_172 = arith.constant 4 : i32
    %roll3A_173 = tpu.dynamic_rotate %select_n3A_169 by %roll3A_172 dim 1 : vector<8x4096xi32>, i32 -> vector<8x4096xi32>
    %shift_right_arithmetic3A_174 = arith.constant 12 : i32
    %shift_right_arithmetic3A_175 = vector.broadcast %shift_right_arithmetic3A_174 : i32 to vector<8x4096xi32>
    %shift_right_arithmetic3A_176 = arith.shrsi %select_n3A_169, %shift_right_arithmetic3A_175 : vector<8x4096xi32>
    %shift_right_arithmetic3A_177 = arith.constant 12 : i32
    %shift_right_arithmetic3A_178 = vector.broadcast %shift_right_arithmetic3A_177 : i32 to vector<8x4096xi32>
    %shift_right_arithmetic3A_179 = arith.shrsi %roll3A_171, %shift_right_arithmetic3A_178 : vector<8x4096xi32>
    %lt3A_180 = arith.cmpi slt, %shift_right_arithmetic3A_179, %shift_right_arithmetic3A_176 : vector<8x4096xi32>
    %select_n3A_181 = arith.select %lt3A_180, %roll3A_171, %select_n3A_169 : vector<8x4096xi1>, vector<8x4096xi32>
    %shift_right_arithmetic3A_182 = arith.constant 12 : i32
    %shift_right_arithmetic3A_183 = vector.broadcast %shift_right_arithmetic3A_182 : i32 to vector<8x4096xi32>
    %shift_right_arithmetic3A_184 = arith.shrsi %roll3A_173, %shift_right_arithmetic3A_183 : vector<8x4096xi32>
    %lt3A_185 = arith.cmpi slt, %shift_right_arithmetic3A_176, %shift_right_arithmetic3A_184 : vector<8x4096xi32>
    %select_n3A_186 = arith.select %lt3A_185, %roll3A_173, %select_n3A_169 : vector<8x4096xi1>, vector<8x4096xi32>
    %select_n3A_187 = arith.select %eq3A_80, %select_n3A_181, %select_n3A_186 : vector<8x4096xi1>, vector<8x4096xi32>
    %roll3A_188 = arith.constant 4094 : i32
    %roll3A_189 = tpu.dynamic_rotate %select_n3A_187 by %roll3A_188 dim 1 : vector<8x4096xi32>, i32 -> vector<8x4096xi32>
    %roll3A_190 = arith.constant 2 : i32
    %roll3A_191 = tpu.dynamic_rotate %select_n3A_187 by %roll3A_190 dim 1 : vector<8x4096xi32>, i32 -> vector<8x4096xi32>
    %shift_right_arithmetic3A_192 = arith.constant 12 : i32
    %shift_right_arithmetic3A_193 = vector.broadcast %shift_right_arithmetic3A_192 : i32 to vector<8x4096xi32>
    %shift_right_arithmetic3A_194 = arith.shrsi %select_n3A_187, %shift_right_arithmetic3A_193 : vector<8x4096xi32>
    %shift_right_arithmetic3A_195 = arith.constant 12 : i32
    %shift_right_arithmetic3A_196 = vector.broadcast %shift_right_arithmetic3A_195 : i32 to vector<8x4096xi32>
    %shift_right_arithmetic3A_197 = arith.shrsi %roll3A_189, %shift_right_arithmetic3A_196 : vector<8x4096xi32>
    %lt3A_198 = arith.cmpi slt, %shift_right_arithmetic3A_197, %shift_right_arithmetic3A_194 : vector<8x4096xi32>
    %select_n3A_199 = arith.select %lt3A_198, %roll3A_189, %select_n3A_187 : vector<8x4096xi1>, vector<8x4096xi32>
    %shift_right_arithmetic3A_200 = arith.constant 12 : i32
    %shift_right_arithmetic3A_201 = vector.broadcast %shift_right_arithmetic3A_200 : i32 to vector<8x4096xi32>
    %shift_right_arithmetic3A_202 = arith.shrsi %roll3A_191, %shift_right_arithmetic3A_201 : vector<8x4096xi32>
    %lt3A_203 = arith.cmpi slt, %shift_right_arithmetic3A_194, %shift_right_arithmetic3A_202 : vector<8x4096xi32>
    %select_n3A_204 = arith.select %lt3A_203, %roll3A_191, %select_n3A_187 : vector<8x4096xi1>, vector<8x4096xi32>
    %select_n3A_205 = arith.select %eq3A_30, %select_n3A_199, %select_n3A_204 : vector<8x4096xi1>, vector<8x4096xi32>
    %roll3A_206 = arith.constant 4095 : i32
    %roll3A_207 = tpu.dynamic_rotate %select_n3A_205 by %roll3A_206 dim 1 : vector<8x4096xi32>, i32 -> vector<8x4096xi32>
    %roll3A_208 = arith.constant 1 : i32
    %roll3A_209 = tpu.dynamic_rotate %select_n3A_205 by %roll3A_208 dim 1 : vector<8x4096xi32>, i32 -> vector<8x4096xi32>
    %shift_right_arithmetic3A_210 = arith.constant 12 : i32
    %shift_right_arithmetic3A_211 = vector.broadcast %shift_right_arithmetic3A_210 : i32 to vector<8x4096xi32>
    %shift_right_arithmetic3A_212 = arith.shrsi %select_n3A_205, %shift_right_arithmetic3A_211 : vector<8x4096xi32>
    %shift_right_arithmetic3A_213 = arith.constant 12 : i32
    %shift_right_arithmetic3A_214 = vector.broadcast %shift_right_arithmetic3A_213 : i32 to vector<8x4096xi32>
    %shift_right_arithmetic3A_215 = arith.shrsi %roll3A_207, %shift_right_arithmetic3A_214 : vector<8x4096xi32>
    %lt3A_216 = arith.cmpi slt, %shift_right_arithmetic3A_215, %shift_right_arithmetic3A_212 : vector<8x4096xi32>
    %select_n3A_217 = arith.select %lt3A_216, %roll3A_207, %select_n3A_205 : vector<8x4096xi1>, vector<8x4096xi32>
    %shift_right_arithmetic3A_218 = arith.constant 12 : i32
    %shift_right_arithmetic3A_219 = vector.broadcast %shift_right_arithmetic3A_218 : i32 to vector<8x4096xi32>
    %shift_right_arithmetic3A_220 = arith.shrsi %roll3A_209, %shift_right_arithmetic3A_219 : vector<8x4096xi32>
    %lt3A_221 = arith.cmpi slt, %shift_right_arithmetic3A_212, %shift_right_arithmetic3A_220 : vector<8x4096xi32>
    %select_n3A_222 = arith.select %lt3A_221, %roll3A_209, %select_n3A_205 : vector<8x4096xi1>, vector<8x4096xi32>
    %select_n3A_223 = arith.select %eq3A_7, %select_n3A_217, %select_n3A_222 : vector<8x4096xi1>, vector<8x4096xi32>
    %roll3A_224 = arith.constant 4095 : i32
    %roll3A_225 = tpu.dynamic_rotate %select_n3A_223 by %roll3A_224 dim 1 : vector<8x4096xi32>, i32 -> vector<8x4096xi32>
    %roll3A_226 = arith.constant 1 : i32
    %roll3A_227 = tpu.dynamic_rotate %select_n3A_223 by %roll3A_226 dim 1 : vector<8x4096xi32>, i32 -> vector<8x4096xi32>
    %select_n3A_228 = arith.select %eq3A_7, %roll3A_225, %roll3A_227 : vector<8x4096xi1>, vector<8x4096xi32>
    %roll3A_229 = arith.constant 4094 : i32
    %roll3A_230 = tpu.dynamic_rotate %select_n3A_228 by %roll3A_229 dim 1 : vector<8x4096xi32>, i32 -> vector<8x4096xi32>
    %roll3A_231 = arith.constant 2 : i32
    %roll3A_232 = tpu.dynamic_rotate %select_n3A_228 by %roll3A_231 dim 1 : vector<8x4096xi32>, i32 -> vector<8x4096xi32>
    %select_n3A_233 = arith.select %eq3A_30, %roll3A_230, %roll3A_232 : vector<8x4096xi1>, vector<8x4096xi32>
    %roll3A_234 = arith.constant 4092 : i32
    %roll3A_235 = tpu.dynamic_rotate %select_n3A_233 by %roll3A_234 dim 1 : vector<8x4096xi32>, i32 -> vector<8x4096xi32>
    %roll3A_236 = arith.constant 4 : i32
    %roll3A_237 = tpu.dynamic_rotate %select_n3A_233 by %roll3A_236 dim 1 : vector<8x4096xi32>, i32 -> vector<8x4096xi32>
    %select_n3A_238 = arith.select %eq3A_80, %roll3A_235, %roll3A_237 : vector<8x4096xi1>, vector<8x4096xi32>
    %roll3A_239 = arith.constant 4088 : i32
    %roll3A_240 = tpu.dynamic_rotate %select_n3A_238 by %roll3A_239 dim 1 : vector<8x4096xi32>, i32 -> vector<8x4096xi32>
    %roll3A_241 = arith.constant 8 : i32
    %roll3A_242 = tpu.dynamic_rotate %select_n3A_238 by %roll3A_241 dim 1 : vector<8x4096xi32>, i32 -> vector<8x4096xi32>
    %select_n3A_243 = arith.select %eq3A_153, %roll3A_240, %roll3A_242 : vector<8x4096xi1>, vector<8x4096xi32>
    %and3A_244 = arith.constant 16 : i32
    %and3A_245 = vector.broadcast %and3A_244 : i32 to vector<8x4096xi32>
    %and3A_246 = arith.andi %iota3A, %and3A_245 : vector<8x4096xi32>
    %eq3A_247 = arith.constant 0 : i32
    %eq3A_248 = vector.broadcast %eq3A_247 : i32 to vector<8x4096xi32>
    %eq3A_249 = arith.cmpi eq, %and3A_246, %eq3A_248 : vector<8x4096xi32>
    %roll3A_250 = arith.constant 4080 : i32
    %roll3A_251 = tpu.dynamic_rotate %select_n3A_243 by %roll3A_250 dim 1 : vector<8x4096xi32>, i32 -> vector<8x4096xi32>
    %roll3A_252 = arith.constant 16 : i32
    %roll3A_253 = tpu.dynamic_rotate %select_n3A_243 by %roll3A_252 dim 1 : vector<8x4096xi32>, i32 -> vector<8x4096xi32>
    %select_n3A_254 = arith.select %eq3A_249, %roll3A_251, %roll3A_253 : vector<8x4096xi1>, vector<8x4096xi32>
    %shift_right_arithmetic3A_255 = arith.constant 12 : i32
    %shift_right_arithmetic3A_256 = vector.broadcast %shift_right_arithmetic3A_255 : i32 to vector<8x4096xi32>
    %shift_right_arithmetic3A_257 = arith.shrsi %select_n3A_223, %shift_right_arithmetic3A_256 : vector<8x4096xi32>
    %shift_right_arithmetic3A_258 = arith.constant 12 : i32
    %shift_right_arithmetic3A_259 = vector.broadcast %shift_right_arithmetic3A_258 : i32 to vector<8x4096xi32>
    %shift_right_arithmetic3A_260 = arith.shrsi %select_n3A_254, %shift_right_arithmetic3A_259 : vector<8x4096xi32>
    %lt3A_261 = arith.cmpi slt, %shift_right_arithmetic3A_260, %shift_right_arithmetic3A_257 : vector<8x4096xi32>
    %select_n3A_262 = arith.select %lt3A_261, %select_n3A_254, %select_n3A_223 : vector<8x4096xi1>, vector<8x4096xi32>
    %lt3A_263 = arith.cmpi slt, %shift_right_arithmetic3A_257, %shift_right_arithmetic3A_260 : vector<8x4096xi32>
    %select_n3A_264 = arith.select %lt3A_263, %select_n3A_254, %select_n3A_223 : vector<8x4096xi1>, vector<8x4096xi32>
    %select_n3A_265 = arith.select %eq3A_249, %select_n3A_262, %select_n3A_264 : vector<8x4096xi1>, vector<8x4096xi32>
    %roll3A_266 = arith.constant 4088 : i32
    %roll3A_267 = tpu.dynamic_rotate %select_n3A_265 by %roll3A_266 dim 1 : vector<8x4096xi32>, i32 -> vector<8x4096xi32>
    %roll3A_268 = arith.constant 8 : i32
    %roll3A_269 = tpu.dynamic_rotate %select_n3A_265 by %roll3A_268 dim 1 : vector<8x4096xi32>, i32 -> vector<8x4096xi32>
    %shift_right_arithmetic3A_270 = arith.constant 12 : i32
    %shift_right_arithmetic3A_271 = vector.broadcast %shift_right_arithmetic3A_270 : i32 to vector<8x4096xi32>
    %shift_right_arithmetic3A_272 = arith.shrsi %select_n3A_265, %shift_right_arithmetic3A_271 : vector<8x4096xi32>
    %shift_right_arithmetic3A_273 = arith.constant 12 : i32
    %shift_right_arithmetic3A_274 = vector.broadcast %shift_right_arithmetic3A_273 : i32 to vector<8x4096xi32>
    %shift_right_arithmetic3A_275 = arith.shrsi %roll3A_267, %shift_right_arithmetic3A_274 : vector<8x4096xi32>
    %lt3A_276 = arith.cmpi slt, %shift_right_arithmetic3A_275, %shift_right_arithmetic3A_272 : vector<8x4096xi32>
    %select_n3A_277 = arith.select %lt3A_276, %roll3A_267, %select_n3A_265 : vector<8x4096xi1>, vector<8x4096xi32>
    %shift_right_arithmetic3A_278 = arith.constant 12 : i32
    %shift_right_arithmetic3A_279 = vector.broadcast %shift_right_arithmetic3A_278 : i32 to vector<8x4096xi32>
    %shift_right_arithmetic3A_280 = arith.shrsi %roll3A_269, %shift_right_arithmetic3A_279 : vector<8x4096xi32>
    %lt3A_281 = arith.cmpi slt, %shift_right_arithmetic3A_272, %shift_right_arithmetic3A_280 : vector<8x4096xi32>
    %select_n3A_282 = arith.select %lt3A_281, %roll3A_269, %select_n3A_265 : vector<8x4096xi1>, vector<8x4096xi32>
    %select_n3A_283 = arith.select %eq3A_153, %select_n3A_277, %select_n3A_282 : vector<8x4096xi1>, vector<8x4096xi32>
    %roll3A_284 = arith.constant 4092 : i32
    %roll3A_285 = tpu.dynamic_rotate %select_n3A_283 by %roll3A_284 dim 1 : vector<8x4096xi32>, i32 -> vector<8x4096xi32>
    %roll3A_286 = arith.constant 4 : i32
    %roll3A_287 = tpu.dynamic_rotate %select_n3A_283 by %roll3A_286 dim 1 : vector<8x4096xi32>, i32 -> vector<8x4096xi32>
    %shift_right_arithmetic3A_288 = arith.constant 12 : i32
    %shift_right_arithmetic3A_289 = vector.broadcast %shift_right_arithmetic3A_288 : i32 to vector<8x4096xi32>
    %shift_right_arithmetic3A_290 = arith.shrsi %select_n3A_283, %shift_right_arithmetic3A_289 : vector<8x4096xi32>
    %shift_right_arithmetic3A_291 = arith.constant 12 : i32
    %shift_right_arithmetic3A_292 = vector.broadcast %shift_right_arithmetic3A_291 : i32 to vector<8x4096xi32>
    %shift_right_arithmetic3A_293 = arith.shrsi %roll3A_285, %shift_right_arithmetic3A_292 : vector<8x4096xi32>
    %lt3A_294 = arith.cmpi slt, %shift_right_arithmetic3A_293, %shift_right_arithmetic3A_290 : vector<8x4096xi32>
    %select_n3A_295 = arith.select %lt3A_294, %roll3A_285, %select_n3A_283 : vector<8x4096xi1>, vector<8x4096xi32>
    %shift_right_arithmetic3A_296 = arith.constant 12 : i32
    %shift_right_arithmetic3A_297 = vector.broadcast %shift_right_arithmetic3A_296 : i32 to vector<8x4096xi32>
    %shift_right_arithmetic3A_298 = arith.shrsi %roll3A_287, %shift_right_arithmetic3A_297 : vector<8x4096xi32>
    %lt3A_299 = arith.cmpi slt, %shift_right_arithmetic3A_290, %shift_right_arithmetic3A_298 : vector<8x4096xi32>
    %select_n3A_300 = arith.select %lt3A_299, %roll3A_287, %select_n3A_283 : vector<8x4096xi1>, vector<8x4096xi32>
    %select_n3A_301 = arith.select %eq3A_80, %select_n3A_295, %select_n3A_300 : vector<8x4096xi1>, vector<8x4096xi32>
    %roll3A_302 = arith.constant 4094 : i32
    %roll3A_303 = tpu.dynamic_rotate %select_n3A_301 by %roll3A_302 dim 1 : vector<8x4096xi32>, i32 -> vector<8x4096xi32>
    %roll3A_304 = arith.constant 2 : i32
    %roll3A_305 = tpu.dynamic_rotate %select_n3A_301 by %roll3A_304 dim 1 : vector<8x4096xi32>, i32 -> vector<8x4096xi32>
    %shift_right_arithmetic3A_306 = arith.constant 12 : i32
    %shift_right_arithmetic3A_307 = vector.broadcast %shift_right_arithmetic3A_306 : i32 to vector<8x4096xi32>
    %shift_right_arithmetic3A_308 = arith.shrsi %select_n3A_301, %shift_right_arithmetic3A_307 : vector<8x4096xi32>
    %shift_right_arithmetic3A_309 = arith.constant 12 : i32
    %shift_right_arithmetic3A_310 = vector.broadcast %shift_right_arithmetic3A_309 : i32 to vector<8x4096xi32>
    %shift_right_arithmetic3A_311 = arith.shrsi %roll3A_303, %shift_right_arithmetic3A_310 : vector<8x4096xi32>
    %lt3A_312 = arith.cmpi slt, %shift_right_arithmetic3A_311, %shift_right_arithmetic3A_308 : vector<8x4096xi32>
    %select_n3A_313 = arith.select %lt3A_312, %roll3A_303, %select_n3A_301 : vector<8x4096xi1>, vector<8x4096xi32>
    %shift_right_arithmetic3A_314 = arith.constant 12 : i32
    %shift_right_arithmetic3A_315 = vector.broadcast %shift_right_arithmetic3A_314 : i32 to vector<8x4096xi32>
    %shift_right_arithmetic3A_316 = arith.shrsi %roll3A_305, %shift_right_arithmetic3A_315 : vector<8x4096xi32>
    %lt3A_317 = arith.cmpi slt, %shift_right_arithmetic3A_308, %shift_right_arithmetic3A_316 : vector<8x4096xi32>
    %select_n3A_318 = arith.select %lt3A_317, %roll3A_305, %select_n3A_301 : vector<8x4096xi1>, vector<8x4096xi32>
    %select_n3A_319 = arith.select %eq3A_30, %select_n3A_313, %select_n3A_318 : vector<8x4096xi1>, vector<8x4096xi32>
    %roll3A_320 = arith.constant 4095 : i32
    %roll3A_321 = tpu.dynamic_rotate %select_n3A_319 by %roll3A_320 dim 1 : vector<8x4096xi32>, i32 -> vector<8x4096xi32>
    %roll3A_322 = arith.constant 1 : i32
    %roll3A_323 = tpu.dynamic_rotate %select_n3A_319 by %roll3A_322 dim 1 : vector<8x4096xi32>, i32 -> vector<8x4096xi32>
    %shift_right_arithmetic3A_324 = arith.constant 12 : i32
    %shift_right_arithmetic3A_325 = vector.broadcast %shift_right_arithmetic3A_324 : i32 to vector<8x4096xi32>
    %shift_right_arithmetic3A_326 = arith.shrsi %select_n3A_319, %shift_right_arithmetic3A_325 : vector<8x4096xi32>
    %shift_right_arithmetic3A_327 = arith.constant 12 : i32
    %shift_right_arithmetic3A_328 = vector.broadcast %shift_right_arithmetic3A_327 : i32 to vector<8x4096xi32>
    %shift_right_arithmetic3A_329 = arith.shrsi %roll3A_321, %shift_right_arithmetic3A_328 : vector<8x4096xi32>
    %lt3A_330 = arith.cmpi slt, %shift_right_arithmetic3A_329, %shift_right_arithmetic3A_326 : vector<8x4096xi32>
    %select_n3A_331 = arith.select %lt3A_330, %roll3A_321, %select_n3A_319 : vector<8x4096xi1>, vector<8x4096xi32>
    %shift_right_arithmetic3A_332 = arith.constant 12 : i32
    %shift_right_arithmetic3A_333 = vector.broadcast %shift_right_arithmetic3A_332 : i32 to vector<8x4096xi32>
    %shift_right_arithmetic3A_334 = arith.shrsi %roll3A_323, %shift_right_arithmetic3A_333 : vector<8x4096xi32>
    %lt3A_335 = arith.cmpi slt, %shift_right_arithmetic3A_326, %shift_right_arithmetic3A_334 : vector<8x4096xi32>
    %select_n3A_336 = arith.select %lt3A_335, %roll3A_323, %select_n3A_319 : vector<8x4096xi1>, vector<8x4096xi32>
    %select_n3A_337 = arith.select %eq3A_7, %select_n3A_331, %select_n3A_336 : vector<8x4096xi1>, vector<8x4096xi32>
    %roll3A_338 = arith.constant 4095 : i32
    %roll3A_339 = tpu.dynamic_rotate %select_n3A_337 by %roll3A_338 dim 1 : vector<8x4096xi32>, i32 -> vector<8x4096xi32>
    %roll3A_340 = arith.constant 1 : i32
    %roll3A_341 = tpu.dynamic_rotate %select_n3A_337 by %roll3A_340 dim 1 : vector<8x4096xi32>, i32 -> vector<8x4096xi32>
    %select_n3A_342 = arith.select %eq3A_7, %roll3A_339, %roll3A_341 : vector<8x4096xi1>, vector<8x4096xi32>
    %roll3A_343 = arith.constant 4094 : i32
    %roll3A_344 = tpu.dynamic_rotate %select_n3A_342 by %roll3A_343 dim 1 : vector<8x4096xi32>, i32 -> vector<8x4096xi32>
    %roll3A_345 = arith.constant 2 : i32
    %roll3A_346 = tpu.dynamic_rotate %select_n3A_342 by %roll3A_345 dim 1 : vector<8x4096xi32>, i32 -> vector<8x4096xi32>
    %select_n3A_347 = arith.select %eq3A_30, %roll3A_344, %roll3A_346 : vector<8x4096xi1>, vector<8x4096xi32>
    %roll3A_348 = arith.constant 4092 : i32
    %roll3A_349 = tpu.dynamic_rotate %select_n3A_347 by %roll3A_348 dim 1 : vector<8x4096xi32>, i32 -> vector<8x4096xi32>
    %roll3A_350 = arith.constant 4 : i32
    %roll3A_351 = tpu.dynamic_rotate %select_n3A_347 by %roll3A_350 dim 1 : vector<8x4096xi32>, i32 -> vector<8x4096xi32>
    %select_n3A_352 = arith.select %eq3A_80, %roll3A_349, %roll3A_351 : vector<8x4096xi1>, vector<8x4096xi32>
    %roll3A_353 = arith.constant 4088 : i32
    %roll3A_354 = tpu.dynamic_rotate %select_n3A_352 by %roll3A_353 dim 1 : vector<8x4096xi32>, i32 -> vector<8x4096xi32>
    %roll3A_355 = arith.constant 8 : i32
    %roll3A_356 = tpu.dynamic_rotate %select_n3A_352 by %roll3A_355 dim 1 : vector<8x4096xi32>, i32 -> vector<8x4096xi32>
    %select_n3A_357 = arith.select %eq3A_153, %roll3A_354, %roll3A_356 : vector<8x4096xi1>, vector<8x4096xi32>
    %roll3A_358 = arith.constant 4080 : i32
    %roll3A_359 = tpu.dynamic_rotate %select_n3A_357 by %roll3A_358 dim 1 : vector<8x4096xi32>, i32 -> vector<8x4096xi32>
    %roll3A_360 = arith.constant 16 : i32
    %roll3A_361 = tpu.dynamic_rotate %select_n3A_357 by %roll3A_360 dim 1 : vector<8x4096xi32>, i32 -> vector<8x4096xi32>
    %select_n3A_362 = arith.select %eq3A_249, %roll3A_359, %roll3A_361 : vector<8x4096xi1>, vector<8x4096xi32>
    %and3A_363 = arith.constant 32 : i32
    %and3A_364 = vector.broadcast %and3A_363 : i32 to vector<8x4096xi32>
    %and3A_365 = arith.andi %iota3A, %and3A_364 : vector<8x4096xi32>
    %eq3A_366 = arith.constant 0 : i32
    %eq3A_367 = vector.broadcast %eq3A_366 : i32 to vector<8x4096xi32>
    %eq3A_368 = arith.cmpi eq, %and3A_365, %eq3A_367 : vector<8x4096xi32>
    %roll3A_369 = arith.constant 4064 : i32
    %roll3A_370 = tpu.dynamic_rotate %select_n3A_362 by %roll3A_369 dim 1 : vector<8x4096xi32>, i32 -> vector<8x4096xi32>
    %roll3A_371 = arith.constant 32 : i32
    %roll3A_372 = tpu.dynamic_rotate %select_n3A_362 by %roll3A_371 dim 1 : vector<8x4096xi32>, i32 -> vector<8x4096xi32>
    %select_n3A_373 = arith.select %eq3A_368, %roll3A_370, %roll3A_372 : vector<8x4096xi1>, vector<8x4096xi32>
    %shift_right_arithmetic3A_374 = arith.constant 12 : i32
    %shift_right_arithmetic3A_375 = vector.broadcast %shift_right_arithmetic3A_374 : i32 to vector<8x4096xi32>
    %shift_right_arithmetic3A_376 = arith.shrsi %select_n3A_337, %shift_right_arithmetic3A_375 : vector<8x4096xi32>
    %shift_right_arithmetic3A_377 = arith.constant 12 : i32
    %shift_right_arithmetic3A_378 = vector.broadcast %shift_right_arithmetic3A_377 : i32 to vector<8x4096xi32>
    %shift_right_arithmetic3A_379 = arith.shrsi %select_n3A_373, %shift_right_arithmetic3A_378 : vector<8x4096xi32>
    %lt3A_380 = arith.cmpi slt, %shift_right_arithmetic3A_379, %shift_right_arithmetic3A_376 : vector<8x4096xi32>
    %select_n3A_381 = arith.select %lt3A_380, %select_n3A_373, %select_n3A_337 : vector<8x4096xi1>, vector<8x4096xi32>
    %lt3A_382 = arith.cmpi slt, %shift_right_arithmetic3A_376, %shift_right_arithmetic3A_379 : vector<8x4096xi32>
    %select_n3A_383 = arith.select %lt3A_382, %select_n3A_373, %select_n3A_337 : vector<8x4096xi1>, vector<8x4096xi32>
    %select_n3A_384 = arith.select %eq3A_368, %select_n3A_381, %select_n3A_383 : vector<8x4096xi1>, vector<8x4096xi32>
    %roll3A_385 = arith.constant 4080 : i32
    %roll3A_386 = tpu.dynamic_rotate %select_n3A_384 by %roll3A_385 dim 1 : vector<8x4096xi32>, i32 -> vector<8x4096xi32>
    %roll3A_387 = arith.constant 16 : i32
    %roll3A_388 = tpu.dynamic_rotate %select_n3A_384 by %roll3A_387 dim 1 : vector<8x4096xi32>, i32 -> vector<8x4096xi32>
    %shift_right_arithmetic3A_389 = arith.constant 12 : i32
    %shift_right_arithmetic3A_390 = vector.broadcast %shift_right_arithmetic3A_389 : i32 to vector<8x4096xi32>
    %shift_right_arithmetic3A_391 = arith.shrsi %select_n3A_384, %shift_right_arithmetic3A_390 : vector<8x4096xi32>
    %shift_right_arithmetic3A_392 = arith.constant 12 : i32
    %shift_right_arithmetic3A_393 = vector.broadcast %shift_right_arithmetic3A_392 : i32 to vector<8x4096xi32>
    %shift_right_arithmetic3A_394 = arith.shrsi %roll3A_386, %shift_right_arithmetic3A_393 : vector<8x4096xi32>
    %lt3A_395 = arith.cmpi slt, %shift_right_arithmetic3A_394, %shift_right_arithmetic3A_391 : vector<8x4096xi32>
    %select_n3A_396 = arith.select %lt3A_395, %roll3A_386, %select_n3A_384 : vector<8x4096xi1>, vector<8x4096xi32>
    %shift_right_arithmetic3A_397 = arith.constant 12 : i32
    %shift_right_arithmetic3A_398 = vector.broadcast %shift_right_arithmetic3A_397 : i32 to vector<8x4096xi32>
    %shift_right_arithmetic3A_399 = arith.shrsi %roll3A_388, %shift_right_arithmetic3A_398 : vector<8x4096xi32>
    %lt3A_400 = arith.cmpi slt, %shift_right_arithmetic3A_391, %shift_right_arithmetic3A_399 : vector<8x4096xi32>
    %select_n3A_401 = arith.select %lt3A_400, %roll3A_388, %select_n3A_384 : vector<8x4096xi1>, vector<8x4096xi32>
    %select_n3A_402 = arith.select %eq3A_249, %select_n3A_396, %select_n3A_401 : vector<8x4096xi1>, vector<8x4096xi32>
    %roll3A_403 = arith.constant 4088 : i32
    %roll3A_404 = tpu.dynamic_rotate %select_n3A_402 by %roll3A_403 dim 1 : vector<8x4096xi32>, i32 -> vector<8x4096xi32>
    %roll3A_405 = arith.constant 8 : i32
    %roll3A_406 = tpu.dynamic_rotate %select_n3A_402 by %roll3A_405 dim 1 : vector<8x4096xi32>, i32 -> vector<8x4096xi32>
    %shift_right_arithmetic3A_407 = arith.constant 12 : i32
    %shift_right_arithmetic3A_408 = vector.broadcast %shift_right_arithmetic3A_407 : i32 to vector<8x4096xi32>
    %shift_right_arithmetic3A_409 = arith.shrsi %select_n3A_402, %shift_right_arithmetic3A_408 : vector<8x4096xi32>
    %shift_right_arithmetic3A_410 = arith.constant 12 : i32
    %shift_right_arithmetic3A_411 = vector.broadcast %shift_right_arithmetic3A_410 : i32 to vector<8x4096xi32>
    %shift_right_arithmetic3A_412 = arith.shrsi %roll3A_404, %shift_right_arithmetic3A_411 : vector<8x4096xi32>
    %lt3A_413 = arith.cmpi slt, %shift_right_arithmetic3A_412, %shift_right_arithmetic3A_409 : vector<8x4096xi32>
    %select_n3A_414 = arith.select %lt3A_413, %roll3A_404, %select_n3A_402 : vector<8x4096xi1>, vector<8x4096xi32>
    %shift_right_arithmetic3A_415 = arith.constant 12 : i32
    %shift_right_arithmetic3A_416 = vector.broadcast %shift_right_arithmetic3A_415 : i32 to vector<8x4096xi32>
    %shift_right_arithmetic3A_417 = arith.shrsi %roll3A_406, %shift_right_arithmetic3A_416 : vector<8x4096xi32>
    %lt3A_418 = arith.cmpi slt, %shift_right_arithmetic3A_409, %shift_right_arithmetic3A_417 : vector<8x4096xi32>
    %select_n3A_419 = arith.select %lt3A_418, %roll3A_406, %select_n3A_402 : vector<8x4096xi1>, vector<8x4096xi32>
    %select_n3A_420 = arith.select %eq3A_153, %select_n3A_414, %select_n3A_419 : vector<8x4096xi1>, vector<8x4096xi32>
    %roll3A_421 = arith.constant 4092 : i32
    %roll3A_422 = tpu.dynamic_rotate %select_n3A_420 by %roll3A_421 dim 1 : vector<8x4096xi32>, i32 -> vector<8x4096xi32>
    %roll3A_423 = arith.constant 4 : i32
    %roll3A_424 = tpu.dynamic_rotate %select_n3A_420 by %roll3A_423 dim 1 : vector<8x4096xi32>, i32 -> vector<8x4096xi32>
    %shift_right_arithmetic3A_425 = arith.constant 12 : i32
    %shift_right_arithmetic3A_426 = vector.broadcast %shift_right_arithmetic3A_425 : i32 to vector<8x4096xi32>
    %shift_right_arithmetic3A_427 = arith.shrsi %select_n3A_420, %shift_right_arithmetic3A_426 : vector<8x4096xi32>
    %shift_right_arithmetic3A_428 = arith.constant 12 : i32
    %shift_right_arithmetic3A_429 = vector.broadcast %shift_right_arithmetic3A_428 : i32 to vector<8x4096xi32>
    %shift_right_arithmetic3A_430 = arith.shrsi %roll3A_422, %shift_right_arithmetic3A_429 : vector<8x4096xi32>
    %lt3A_431 = arith.cmpi slt, %shift_right_arithmetic3A_430, %shift_right_arithmetic3A_427 : vector<8x4096xi32>
    %select_n3A_432 = arith.select %lt3A_431, %roll3A_422, %select_n3A_420 : vector<8x4096xi1>, vector<8x4096xi32>
    %shift_right_arithmetic3A_433 = arith.constant 12 : i32
    %shift_right_arithmetic3A_434 = vector.broadcast %shift_right_arithmetic3A_433 : i32 to vector<8x4096xi32>
    %shift_right_arithmetic3A_435 = arith.shrsi %roll3A_424, %shift_right_arithmetic3A_434 : vector<8x4096xi32>
    %lt3A_436 = arith.cmpi slt, %shift_right_arithmetic3A_427, %shift_right_arithmetic3A_435 : vector<8x4096xi32>
    %select_n3A_437 = arith.select %lt3A_436, %roll3A_424, %select_n3A_420 : vector<8x4096xi1>, vector<8x4096xi32>
    %select_n3A_438 = arith.select %eq3A_80, %select_n3A_432, %select_n3A_437 : vector<8x4096xi1>, vector<8x4096xi32>
    %roll3A_439 = arith.constant 4094 : i32
    %roll3A_440 = tpu.dynamic_rotate %select_n3A_438 by %roll3A_439 dim 1 : vector<8x4096xi32>, i32 -> vector<8x4096xi32>
    %roll3A_441 = arith.constant 2 : i32
    %roll3A_442 = tpu.dynamic_rotate %select_n3A_438 by %roll3A_441 dim 1 : vector<8x4096xi32>, i32 -> vector<8x4096xi32>
    %shift_right_arithmetic3A_443 = arith.constant 12 : i32
    %shift_right_arithmetic3A_444 = vector.broadcast %shift_right_arithmetic3A_443 : i32 to vector<8x4096xi32>
    %shift_right_arithmetic3A_445 = arith.shrsi %select_n3A_438, %shift_right_arithmetic3A_444 : vector<8x4096xi32>
    %shift_right_arithmetic3A_446 = arith.constant 12 : i32
    %shift_right_arithmetic3A_447 = vector.broadcast %shift_right_arithmetic3A_446 : i32 to vector<8x4096xi32>
    %shift_right_arithmetic3A_448 = arith.shrsi %roll3A_440, %shift_right_arithmetic3A_447 : vector<8x4096xi32>
    %lt3A_449 = arith.cmpi slt, %shift_right_arithmetic3A_448, %shift_right_arithmetic3A_445 : vector<8x4096xi32>
    %select_n3A_450 = arith.select %lt3A_449, %roll3A_440, %select_n3A_438 : vector<8x4096xi1>, vector<8x4096xi32>
    %shift_right_arithmetic3A_451 = arith.constant 12 : i32
    %shift_right_arithmetic3A_452 = vector.broadcast %shift_right_arithmetic3A_451 : i32 to vector<8x4096xi32>
    %shift_right_arithmetic3A_453 = arith.shrsi %roll3A_442, %shift_right_arithmetic3A_452 : vector<8x4096xi32>
    %lt3A_454 = arith.cmpi slt, %shift_right_arithmetic3A_445, %shift_right_arithmetic3A_453 : vector<8x4096xi32>
    %select_n3A_455 = arith.select %lt3A_454, %roll3A_442, %select_n3A_438 : vector<8x4096xi1>, vector<8x4096xi32>
    %select_n3A_456 = arith.select %eq3A_30, %select_n3A_450, %select_n3A_455 : vector<8x4096xi1>, vector<8x4096xi32>
    %roll3A_457 = arith.constant 4095 : i32
    %roll3A_458 = tpu.dynamic_rotate %select_n3A_456 by %roll3A_457 dim 1 : vector<8x4096xi32>, i32 -> vector<8x4096xi32>
    %roll3A_459 = arith.constant 1 : i32
    %roll3A_460 = tpu.dynamic_rotate %select_n3A_456 by %roll3A_459 dim 1 : vector<8x4096xi32>, i32 -> vector<8x4096xi32>
    %shift_right_arithmetic3A_461 = arith.constant 12 : i32
    %shift_right_arithmetic3A_462 = vector.broadcast %shift_right_arithmetic3A_461 : i32 to vector<8x4096xi32>
    %shift_right_arithmetic3A_463 = arith.shrsi %select_n3A_456, %shift_right_arithmetic3A_462 : vector<8x4096xi32>
    %shift_right_arithmetic3A_464 = arith.constant 12 : i32
    %shift_right_arithmetic3A_465 = vector.broadcast %shift_right_arithmetic3A_464 : i32 to vector<8x4096xi32>
    %shift_right_arithmetic3A_466 = arith.shrsi %roll3A_458, %shift_right_arithmetic3A_465 : vector<8x4096xi32>
    %lt3A_467 = arith.cmpi slt, %shift_right_arithmetic3A_466, %shift_right_arithmetic3A_463 : vector<8x4096xi32>
    %select_n3A_468 = arith.select %lt3A_467, %roll3A_458, %select_n3A_456 : vector<8x4096xi1>, vector<8x4096xi32>
    %shift_right_arithmetic3A_469 = arith.constant 12 : i32
    %shift_right_arithmetic3A_470 = vector.broadcast %shift_right_arithmetic3A_469 : i32 to vector<8x4096xi32>
    %shift_right_arithmetic3A_471 = arith.shrsi %roll3A_460, %shift_right_arithmetic3A_470 : vector<8x4096xi32>
    %lt3A_472 = arith.cmpi slt, %shift_right_arithmetic3A_463, %shift_right_arithmetic3A_471 : vector<8x4096xi32>
    %select_n3A_473 = arith.select %lt3A_472, %roll3A_460, %select_n3A_456 : vector<8x4096xi1>, vector<8x4096xi32>
    %select_n3A_474 = arith.select %eq3A_7, %select_n3A_468, %select_n3A_473 : vector<8x4096xi1>, vector<8x4096xi32>
    %roll3A_475 = arith.constant 4095 : i32
    %roll3A_476 = tpu.dynamic_rotate %select_n3A_474 by %roll3A_475 dim 1 : vector<8x4096xi32>, i32 -> vector<8x4096xi32>
    %roll3A_477 = arith.constant 1 : i32
    %roll3A_478 = tpu.dynamic_rotate %select_n3A_474 by %roll3A_477 dim 1 : vector<8x4096xi32>, i32 -> vector<8x4096xi32>
    %select_n3A_479 = arith.select %eq3A_7, %roll3A_476, %roll3A_478 : vector<8x4096xi1>, vector<8x4096xi32>
    %roll3A_480 = arith.constant 4094 : i32
    %roll3A_481 = tpu.dynamic_rotate %select_n3A_479 by %roll3A_480 dim 1 : vector<8x4096xi32>, i32 -> vector<8x4096xi32>
    %roll3A_482 = arith.constant 2 : i32
    %roll3A_483 = tpu.dynamic_rotate %select_n3A_479 by %roll3A_482 dim 1 : vector<8x4096xi32>, i32 -> vector<8x4096xi32>
    %select_n3A_484 = arith.select %eq3A_30, %roll3A_481, %roll3A_483 : vector<8x4096xi1>, vector<8x4096xi32>
    %roll3A_485 = arith.constant 4092 : i32
    %roll3A_486 = tpu.dynamic_rotate %select_n3A_484 by %roll3A_485 dim 1 : vector<8x4096xi32>, i32 -> vector<8x4096xi32>
    %roll3A_487 = arith.constant 4 : i32
    %roll3A_488 = tpu.dynamic_rotate %select_n3A_484 by %roll3A_487 dim 1 : vector<8x4096xi32>, i32 -> vector<8x4096xi32>
    %select_n3A_489 = arith.select %eq3A_80, %roll3A_486, %roll3A_488 : vector<8x4096xi1>, vector<8x4096xi32>
    %roll3A_490 = arith.constant 4088 : i32
    %roll3A_491 = tpu.dynamic_rotate %select_n3A_489 by %roll3A_490 dim 1 : vector<8x4096xi32>, i32 -> vector<8x4096xi32>
    %roll3A_492 = arith.constant 8 : i32
    %roll3A_493 = tpu.dynamic_rotate %select_n3A_489 by %roll3A_492 dim 1 : vector<8x4096xi32>, i32 -> vector<8x4096xi32>
    %select_n3A_494 = arith.select %eq3A_153, %roll3A_491, %roll3A_493 : vector<8x4096xi1>, vector<8x4096xi32>
    %roll3A_495 = arith.constant 4080 : i32
    %roll3A_496 = tpu.dynamic_rotate %select_n3A_494 by %roll3A_495 dim 1 : vector<8x4096xi32>, i32 -> vector<8x4096xi32>
    %roll3A_497 = arith.constant 16 : i32
    %roll3A_498 = tpu.dynamic_rotate %select_n3A_494 by %roll3A_497 dim 1 : vector<8x4096xi32>, i32 -> vector<8x4096xi32>
    %select_n3A_499 = arith.select %eq3A_249, %roll3A_496, %roll3A_498 : vector<8x4096xi1>, vector<8x4096xi32>
    %roll3A_500 = arith.constant 4064 : i32
    %roll3A_501 = tpu.dynamic_rotate %select_n3A_499 by %roll3A_500 dim 1 : vector<8x4096xi32>, i32 -> vector<8x4096xi32>
    %roll3A_502 = arith.constant 32 : i32
    %roll3A_503 = tpu.dynamic_rotate %select_n3A_499 by %roll3A_502 dim 1 : vector<8x4096xi32>, i32 -> vector<8x4096xi32>
    %select_n3A_504 = arith.select %eq3A_368, %roll3A_501, %roll3A_503 : vector<8x4096xi1>, vector<8x4096xi32>
    %and3A_505 = arith.constant 64 : i32
    %and3A_506 = vector.broadcast %and3A_505 : i32 to vector<8x4096xi32>
    %and3A_507 = arith.andi %iota3A, %and3A_506 : vector<8x4096xi32>
    %eq3A_508 = arith.constant 0 : i32
    %eq3A_509 = vector.broadcast %eq3A_508 : i32 to vector<8x4096xi32>
    %eq3A_510 = arith.cmpi eq, %and3A_507, %eq3A_509 : vector<8x4096xi32>
    %roll3A_511 = arith.constant 4032 : i32
    %roll3A_512 = tpu.dynamic_rotate %select_n3A_504 by %roll3A_511 dim 1 : vector<8x4096xi32>, i32 -> vector<8x4096xi32>
    %roll3A_513 = arith.constant 64 : i32
    %roll3A_514 = tpu.dynamic_rotate %select_n3A_504 by %roll3A_513 dim 1 : vector<8x4096xi32>, i32 -> vector<8x4096xi32>
    %select_n3A_515 = arith.select %eq3A_510, %roll3A_512, %roll3A_514 : vector<8x4096xi1>, vector<8x4096xi32>
    %shift_right_arithmetic3A_516 = arith.constant 12 : i32
    %shift_right_arithmetic3A_517 = vector.broadcast %shift_right_arithmetic3A_516 : i32 to vector<8x4096xi32>
    %shift_right_arithmetic3A_518 = arith.shrsi %select_n3A_474, %shift_right_arithmetic3A_517 : vector<8x4096xi32>
    %shift_right_arithmetic3A_519 = arith.constant 12 : i32
    %shift_right_arithmetic3A_520 = vector.broadcast %shift_right_arithmetic3A_519 : i32 to vector<8x4096xi32>
    %shift_right_arithmetic3A_521 = arith.shrsi %select_n3A_515, %shift_right_arithmetic3A_520 : vector<8x4096xi32>
    %lt3A_522 = arith.cmpi slt, %shift_right_arithmetic3A_521, %shift_right_arithmetic3A_518 : vector<8x4096xi32>
    %select_n3A_523 = arith.select %lt3A_522, %select_n3A_515, %select_n3A_474 : vector<8x4096xi1>, vector<8x4096xi32>
    %lt3A_524 = arith.cmpi slt, %shift_right_arithmetic3A_518, %shift_right_arithmetic3A_521 : vector<8x4096xi32>
    %select_n3A_525 = arith.select %lt3A_524, %select_n3A_515, %select_n3A_474 : vector<8x4096xi1>, vector<8x4096xi32>
    %select_n3A_526 = arith.select %eq3A_510, %select_n3A_523, %select_n3A_525 : vector<8x4096xi1>, vector<8x4096xi32>
    %roll3A_527 = arith.constant 4064 : i32
    %roll3A_528 = tpu.dynamic_rotate %select_n3A_526 by %roll3A_527 dim 1 : vector<8x4096xi32>, i32 -> vector<8x4096xi32>
    %roll3A_529 = arith.constant 32 : i32
    %roll3A_530 = tpu.dynamic_rotate %select_n3A_526 by %roll3A_529 dim 1 : vector<8x4096xi32>, i32 -> vector<8x4096xi32>
    %shift_right_arithmetic3A_531 = arith.constant 12 : i32
    %shift_right_arithmetic3A_532 = vector.broadcast %shift_right_arithmetic3A_531 : i32 to vector<8x4096xi32>
    %shift_right_arithmetic3A_533 = arith.shrsi %select_n3A_526, %shift_right_arithmetic3A_532 : vector<8x4096xi32>
    %shift_right_arithmetic3A_534 = arith.constant 12 : i32
    %shift_right_arithmetic3A_535 = vector.broadcast %shift_right_arithmetic3A_534 : i32 to vector<8x4096xi32>
    %shift_right_arithmetic3A_536 = arith.shrsi %roll3A_528, %shift_right_arithmetic3A_535 : vector<8x4096xi32>
    %lt3A_537 = arith.cmpi slt, %shift_right_arithmetic3A_536, %shift_right_arithmetic3A_533 : vector<8x4096xi32>
    %select_n3A_538 = arith.select %lt3A_537, %roll3A_528, %select_n3A_526 : vector<8x4096xi1>, vector<8x4096xi32>
    %shift_right_arithmetic3A_539 = arith.constant 12 : i32
    %shift_right_arithmetic3A_540 = vector.broadcast %shift_right_arithmetic3A_539 : i32 to vector<8x4096xi32>
    %shift_right_arithmetic3A_541 = arith.shrsi %roll3A_530, %shift_right_arithmetic3A_540 : vector<8x4096xi32>
    %lt3A_542 = arith.cmpi slt, %shift_right_arithmetic3A_533, %shift_right_arithmetic3A_541 : vector<8x4096xi32>
    %select_n3A_543 = arith.select %lt3A_542, %roll3A_530, %select_n3A_526 : vector<8x4096xi1>, vector<8x4096xi32>
    %select_n3A_544 = arith.select %eq3A_368, %select_n3A_538, %select_n3A_543 : vector<8x4096xi1>, vector<8x4096xi32>
    %roll3A_545 = arith.constant 4080 : i32
    %roll3A_546 = tpu.dynamic_rotate %select_n3A_544 by %roll3A_545 dim 1 : vector<8x4096xi32>, i32 -> vector<8x4096xi32>
    %roll3A_547 = arith.constant 16 : i32
    %roll3A_548 = tpu.dynamic_rotate %select_n3A_544 by %roll3A_547 dim 1 : vector<8x4096xi32>, i32 -> vector<8x4096xi32>
    %shift_right_arithmetic3A_549 = arith.constant 12 : i32
    %shift_right_arithmetic3A_550 = vector.broadcast %shift_right_arithmetic3A_549 : i32 to vector<8x4096xi32>
    %shift_right_arithmetic3A_551 = arith.shrsi %select_n3A_544, %shift_right_arithmetic3A_550 : vector<8x4096xi32>
    %shift_right_arithmetic3A_552 = arith.constant 12 : i32
    %shift_right_arithmetic3A_553 = vector.broadcast %shift_right_arithmetic3A_552 : i32 to vector<8x4096xi32>
    %shift_right_arithmetic3A_554 = arith.shrsi %roll3A_546, %shift_right_arithmetic3A_553 : vector<8x4096xi32>
    %lt3A_555 = arith.cmpi slt, %shift_right_arithmetic3A_554, %shift_right_arithmetic3A_551 : vector<8x4096xi32>
    %select_n3A_556 = arith.select %lt3A_555, %roll3A_546, %select_n3A_544 : vector<8x4096xi1>, vector<8x4096xi32>
    %shift_right_arithmetic3A_557 = arith.constant 12 : i32
    %shift_right_arithmetic3A_558 = vector.broadcast %shift_right_arithmetic3A_557 : i32 to vector<8x4096xi32>
    %shift_right_arithmetic3A_559 = arith.shrsi %roll3A_548, %shift_right_arithmetic3A_558 : vector<8x4096xi32>
    %lt3A_560 = arith.cmpi slt, %shift_right_arithmetic3A_551, %shift_right_arithmetic3A_559 : vector<8x4096xi32>
    %select_n3A_561 = arith.select %lt3A_560, %roll3A_548, %select_n3A_544 : vector<8x4096xi1>, vector<8x4096xi32>
    %select_n3A_562 = arith.select %eq3A_249, %select_n3A_556, %select_n3A_561 : vector<8x4096xi1>, vector<8x4096xi32>
    %roll3A_563 = arith.constant 4088 : i32
    %roll3A_564 = tpu.dynamic_rotate %select_n3A_562 by %roll3A_563 dim 1 : vector<8x4096xi32>, i32 -> vector<8x4096xi32>
    %roll3A_565 = arith.constant 8 : i32
    %roll3A_566 = tpu.dynamic_rotate %select_n3A_562 by %roll3A_565 dim 1 : vector<8x4096xi32>, i32 -> vector<8x4096xi32>
    %shift_right_arithmetic3A_567 = arith.constant 12 : i32
    %shift_right_arithmetic3A_568 = vector.broadcast %shift_right_arithmetic3A_567 : i32 to vector<8x4096xi32>
    %shift_right_arithmetic3A_569 = arith.shrsi %select_n3A_562, %shift_right_arithmetic3A_568 : vector<8x4096xi32>
    %shift_right_arithmetic3A_570 = arith.constant 12 : i32
    %shift_right_arithmetic3A_571 = vector.broadcast %shift_right_arithmetic3A_570 : i32 to vector<8x4096xi32>
    %shift_right_arithmetic3A_572 = arith.shrsi %roll3A_564, %shift_right_arithmetic3A_571 : vector<8x4096xi32>
    %lt3A_573 = arith.cmpi slt, %shift_right_arithmetic3A_572, %shift_right_arithmetic3A_569 : vector<8x4096xi32>
    %select_n3A_574 = arith.select %lt3A_573, %roll3A_564, %select_n3A_562 : vector<8x4096xi1>, vector<8x4096xi32>
    %shift_right_arithmetic3A_575 = arith.constant 12 : i32
    %shift_right_arithmetic3A_576 = vector.broadcast %shift_right_arithmetic3A_575 : i32 to vector<8x4096xi32>
    %shift_right_arithmetic3A_577 = arith.shrsi %roll3A_566, %shift_right_arithmetic3A_576 : vector<8x4096xi32>
    %lt3A_578 = arith.cmpi slt, %shift_right_arithmetic3A_569, %shift_right_arithmetic3A_577 : vector<8x4096xi32>
    %select_n3A_579 = arith.select %lt3A_578, %roll3A_566, %select_n3A_562 : vector<8x4096xi1>, vector<8x4096xi32>
    %select_n3A_580 = arith.select %eq3A_153, %select_n3A_574, %select_n3A_579 : vector<8x4096xi1>, vector<8x4096xi32>
    %roll3A_581 = arith.constant 4092 : i32
    %roll3A_582 = tpu.dynamic_rotate %select_n3A_580 by %roll3A_581 dim 1 : vector<8x4096xi32>, i32 -> vector<8x4096xi32>
    %roll3A_583 = arith.constant 4 : i32
    %roll3A_584 = tpu.dynamic_rotate %select_n3A_580 by %roll3A_583 dim 1 : vector<8x4096xi32>, i32 -> vector<8x4096xi32>
    %shift_right_arithmetic3A_585 = arith.constant 12 : i32
    %shift_right_arithmetic3A_586 = vector.broadcast %shift_right_arithmetic3A_585 : i32 to vector<8x4096xi32>
    %shift_right_arithmetic3A_587 = arith.shrsi %select_n3A_580, %shift_right_arithmetic3A_586 : vector<8x4096xi32>
    %shift_right_arithmetic3A_588 = arith.constant 12 : i32
    %shift_right_arithmetic3A_589 = vector.broadcast %shift_right_arithmetic3A_588 : i32 to vector<8x4096xi32>
    %shift_right_arithmetic3A_590 = arith.shrsi %roll3A_582, %shift_right_arithmetic3A_589 : vector<8x4096xi32>
    %lt3A_591 = arith.cmpi slt, %shift_right_arithmetic3A_590, %shift_right_arithmetic3A_587 : vector<8x4096xi32>
    %select_n3A_592 = arith.select %lt3A_591, %roll3A_582, %select_n3A_580 : vector<8x4096xi1>, vector<8x4096xi32>
    %shift_right_arithmetic3A_593 = arith.constant 12 : i32
    %shift_right_arithmetic3A_594 = vector.broadcast %shift_right_arithmetic3A_593 : i32 to vector<8x4096xi32>
    %shift_right_arithmetic3A_595 = arith.shrsi %roll3A_584, %shift_right_arithmetic3A_594 : vector<8x4096xi32>
    %lt3A_596 = arith.cmpi slt, %shift_right_arithmetic3A_587, %shift_right_arithmetic3A_595 : vector<8x4096xi32>
    %select_n3A_597 = arith.select %lt3A_596, %roll3A_584, %select_n3A_580 : vector<8x4096xi1>, vector<8x4096xi32>
    %select_n3A_598 = arith.select %eq3A_80, %select_n3A_592, %select_n3A_597 : vector<8x4096xi1>, vector<8x4096xi32>
    %roll3A_599 = arith.constant 4094 : i32
    %roll3A_600 = tpu.dynamic_rotate %select_n3A_598 by %roll3A_599 dim 1 : vector<8x4096xi32>, i32 -> vector<8x4096xi32>
    %roll3A_601 = arith.constant 2 : i32
    %roll3A_602 = tpu.dynamic_rotate %select_n3A_598 by %roll3A_601 dim 1 : vector<8x4096xi32>, i32 -> vector<8x4096xi32>
    %shift_right_arithmetic3A_603 = arith.constant 12 : i32
    %shift_right_arithmetic3A_604 = vector.broadcast %shift_right_arithmetic3A_603 : i32 to vector<8x4096xi32>
    %shift_right_arithmetic3A_605 = arith.shrsi %select_n3A_598, %shift_right_arithmetic3A_604 : vector<8x4096xi32>
    %shift_right_arithmetic3A_606 = arith.constant 12 : i32
    %shift_right_arithmetic3A_607 = vector.broadcast %shift_right_arithmetic3A_606 : i32 to vector<8x4096xi32>
    %shift_right_arithmetic3A_608 = arith.shrsi %roll3A_600, %shift_right_arithmetic3A_607 : vector<8x4096xi32>
    %lt3A_609 = arith.cmpi slt, %shift_right_arithmetic3A_608, %shift_right_arithmetic3A_605 : vector<8x4096xi32>
    %select_n3A_610 = arith.select %lt3A_609, %roll3A_600, %select_n3A_598 : vector<8x4096xi1>, vector<8x4096xi32>
    %shift_right_arithmetic3A_611 = arith.constant 12 : i32
    %shift_right_arithmetic3A_612 = vector.broadcast %shift_right_arithmetic3A_611 : i32 to vector<8x4096xi32>
    %shift_right_arithmetic3A_613 = arith.shrsi %roll3A_602, %shift_right_arithmetic3A_612 : vector<8x4096xi32>
    %lt3A_614 = arith.cmpi slt, %shift_right_arithmetic3A_605, %shift_right_arithmetic3A_613 : vector<8x4096xi32>
    %select_n3A_615 = arith.select %lt3A_614, %roll3A_602, %select_n3A_598 : vector<8x4096xi1>, vector<8x4096xi32>
    %select_n3A_616 = arith.select %eq3A_30, %select_n3A_610, %select_n3A_615 : vector<8x4096xi1>, vector<8x4096xi32>
    %roll3A_617 = arith.constant 4095 : i32
    %roll3A_618 = tpu.dynamic_rotate %select_n3A_616 by %roll3A_617 dim 1 : vector<8x4096xi32>, i32 -> vector<8x4096xi32>
    %roll3A_619 = arith.constant 1 : i32
    %roll3A_620 = tpu.dynamic_rotate %select_n3A_616 by %roll3A_619 dim 1 : vector<8x4096xi32>, i32 -> vector<8x4096xi32>
    %shift_right_arithmetic3A_621 = arith.constant 12 : i32
    %shift_right_arithmetic3A_622 = vector.broadcast %shift_right_arithmetic3A_621 : i32 to vector<8x4096xi32>
    %shift_right_arithmetic3A_623 = arith.shrsi %select_n3A_616, %shift_right_arithmetic3A_622 : vector<8x4096xi32>
    %shift_right_arithmetic3A_624 = arith.constant 12 : i32
    %shift_right_arithmetic3A_625 = vector.broadcast %shift_right_arithmetic3A_624 : i32 to vector<8x4096xi32>
    %shift_right_arithmetic3A_626 = arith.shrsi %roll3A_618, %shift_right_arithmetic3A_625 : vector<8x4096xi32>
    %lt3A_627 = arith.cmpi slt, %shift_right_arithmetic3A_626, %shift_right_arithmetic3A_623 : vector<8x4096xi32>
    %select_n3A_628 = arith.select %lt3A_627, %roll3A_618, %select_n3A_616 : vector<8x4096xi1>, vector<8x4096xi32>
    %shift_right_arithmetic3A_629 = arith.constant 12 : i32
    %shift_right_arithmetic3A_630 = vector.broadcast %shift_right_arithmetic3A_629 : i32 to vector<8x4096xi32>
    %shift_right_arithmetic3A_631 = arith.shrsi %roll3A_620, %shift_right_arithmetic3A_630 : vector<8x4096xi32>
    %lt3A_632 = arith.cmpi slt, %shift_right_arithmetic3A_623, %shift_right_arithmetic3A_631 : vector<8x4096xi32>
    %select_n3A_633 = arith.select %lt3A_632, %roll3A_620, %select_n3A_616 : vector<8x4096xi1>, vector<8x4096xi32>
    %select_n3A_634 = arith.select %eq3A_7, %select_n3A_628, %select_n3A_633 : vector<8x4096xi1>, vector<8x4096xi32>
    %roll3A_635 = arith.constant 4095 : i32
    %roll3A_636 = tpu.dynamic_rotate %select_n3A_634 by %roll3A_635 dim 1 : vector<8x4096xi32>, i32 -> vector<8x4096xi32>
    %roll3A_637 = arith.constant 1 : i32
    %roll3A_638 = tpu.dynamic_rotate %select_n3A_634 by %roll3A_637 dim 1 : vector<8x4096xi32>, i32 -> vector<8x4096xi32>
    %select_n3A_639 = arith.select %eq3A_7, %roll3A_636, %roll3A_638 : vector<8x4096xi1>, vector<8x4096xi32>
    %roll3A_640 = arith.constant 4094 : i32
    %roll3A_641 = tpu.dynamic_rotate %select_n3A_639 by %roll3A_640 dim 1 : vector<8x4096xi32>, i32 -> vector<8x4096xi32>
    %roll3A_642 = arith.constant 2 : i32
    %roll3A_643 = tpu.dynamic_rotate %select_n3A_639 by %roll3A_642 dim 1 : vector<8x4096xi32>, i32 -> vector<8x4096xi32>
    %select_n3A_644 = arith.select %eq3A_30, %roll3A_641, %roll3A_643 : vector<8x4096xi1>, vector<8x4096xi32>
    %roll3A_645 = arith.constant 4092 : i32
    %roll3A_646 = tpu.dynamic_rotate %select_n3A_644 by %roll3A_645 dim 1 : vector<8x4096xi32>, i32 -> vector<8x4096xi32>
    %roll3A_647 = arith.constant 4 : i32
    %roll3A_648 = tpu.dynamic_rotate %select_n3A_644 by %roll3A_647 dim 1 : vector<8x4096xi32>, i32 -> vector<8x4096xi32>
    %select_n3A_649 = arith.select %eq3A_80, %roll3A_646, %roll3A_648 : vector<8x4096xi1>, vector<8x4096xi32>
    %roll3A_650 = arith.constant 4088 : i32
    %roll3A_651 = tpu.dynamic_rotate %select_n3A_649 by %roll3A_650 dim 1 : vector<8x4096xi32>, i32 -> vector<8x4096xi32>
    %roll3A_652 = arith.constant 8 : i32
    %roll3A_653 = tpu.dynamic_rotate %select_n3A_649 by %roll3A_652 dim 1 : vector<8x4096xi32>, i32 -> vector<8x4096xi32>
    %select_n3A_654 = arith.select %eq3A_153, %roll3A_651, %roll3A_653 : vector<8x4096xi1>, vector<8x4096xi32>
    %roll3A_655 = arith.constant 4080 : i32
    %roll3A_656 = tpu.dynamic_rotate %select_n3A_654 by %roll3A_655 dim 1 : vector<8x4096xi32>, i32 -> vector<8x4096xi32>
    %roll3A_657 = arith.constant 16 : i32
    %roll3A_658 = tpu.dynamic_rotate %select_n3A_654 by %roll3A_657 dim 1 : vector<8x4096xi32>, i32 -> vector<8x4096xi32>
    %select_n3A_659 = arith.select %eq3A_249, %roll3A_656, %roll3A_658 : vector<8x4096xi1>, vector<8x4096xi32>
    %roll3A_660 = arith.constant 4064 : i32
    %roll3A_661 = tpu.dynamic_rotate %select_n3A_659 by %roll3A_660 dim 1 : vector<8x4096xi32>, i32 -> vector<8x4096xi32>
    %roll3A_662 = arith.constant 32 : i32
    %roll3A_663 = tpu.dynamic_rotate %select_n3A_659 by %roll3A_662 dim 1 : vector<8x4096xi32>, i32 -> vector<8x4096xi32>
    %select_n3A_664 = arith.select %eq3A_368, %roll3A_661, %roll3A_663 : vector<8x4096xi1>, vector<8x4096xi32>
    %roll3A_665 = arith.constant 4032 : i32
    %roll3A_666 = tpu.dynamic_rotate %select_n3A_664 by %roll3A_665 dim 1 : vector<8x4096xi32>, i32 -> vector<8x4096xi32>
    %roll3A_667 = arith.constant 64 : i32
    %roll3A_668 = tpu.dynamic_rotate %select_n3A_664 by %roll3A_667 dim 1 : vector<8x4096xi32>, i32 -> vector<8x4096xi32>
    %select_n3A_669 = arith.select %eq3A_510, %roll3A_666, %roll3A_668 : vector<8x4096xi1>, vector<8x4096xi32>
    %and3A_670 = arith.constant 128 : i32
    %and3A_671 = vector.broadcast %and3A_670 : i32 to vector<8x4096xi32>
    %and3A_672 = arith.andi %iota3A, %and3A_671 : vector<8x4096xi32>
    %eq3A_673 = arith.constant 0 : i32
    %eq3A_674 = vector.broadcast %eq3A_673 : i32 to vector<8x4096xi32>
    %eq3A_675 = arith.cmpi eq, %and3A_672, %eq3A_674 : vector<8x4096xi32>
    %roll3A_676 = arith.constant 3968 : i32
    %roll3A_677 = tpu.dynamic_rotate %select_n3A_669 by %roll3A_676 dim 1 : vector<8x4096xi32>, i32 -> vector<8x4096xi32>
    %roll3A_678 = arith.constant 128 : i32
    %roll3A_679 = tpu.dynamic_rotate %select_n3A_669 by %roll3A_678 dim 1 : vector<8x4096xi32>, i32 -> vector<8x4096xi32>
    %select_n3A_680 = arith.select %eq3A_675, %roll3A_677, %roll3A_679 : vector<8x4096xi1>, vector<8x4096xi32>
    %shift_right_arithmetic3A_681 = arith.constant 12 : i32
    %shift_right_arithmetic3A_682 = vector.broadcast %shift_right_arithmetic3A_681 : i32 to vector<8x4096xi32>
    %shift_right_arithmetic3A_683 = arith.shrsi %select_n3A_634, %shift_right_arithmetic3A_682 : vector<8x4096xi32>
    %shift_right_arithmetic3A_684 = arith.constant 12 : i32
    %shift_right_arithmetic3A_685 = vector.broadcast %shift_right_arithmetic3A_684 : i32 to vector<8x4096xi32>
    %shift_right_arithmetic3A_686 = arith.shrsi %select_n3A_680, %shift_right_arithmetic3A_685 : vector<8x4096xi32>
    %lt3A_687 = arith.cmpi slt, %shift_right_arithmetic3A_686, %shift_right_arithmetic3A_683 : vector<8x4096xi32>
    %select_n3A_688 = arith.select %lt3A_687, %select_n3A_680, %select_n3A_634 : vector<8x4096xi1>, vector<8x4096xi32>
    %lt3A_689 = arith.cmpi slt, %shift_right_arithmetic3A_683, %shift_right_arithmetic3A_686 : vector<8x4096xi32>
    %select_n3A_690 = arith.select %lt3A_689, %select_n3A_680, %select_n3A_634 : vector<8x4096xi1>, vector<8x4096xi32>
    %select_n3A_691 = arith.select %eq3A_675, %select_n3A_688, %select_n3A_690 : vector<8x4096xi1>, vector<8x4096xi32>
    %roll3A_692 = arith.constant 4032 : i32
    %roll3A_693 = tpu.dynamic_rotate %select_n3A_691 by %roll3A_692 dim 1 : vector<8x4096xi32>, i32 -> vector<8x4096xi32>
    %roll3A_694 = arith.constant 64 : i32
    %roll3A_695 = tpu.dynamic_rotate %select_n3A_691 by %roll3A_694 dim 1 : vector<8x4096xi32>, i32 -> vector<8x4096xi32>
    %shift_right_arithmetic3A_696 = arith.constant 12 : i32
    %shift_right_arithmetic3A_697 = vector.broadcast %shift_right_arithmetic3A_696 : i32 to vector<8x4096xi32>
    %shift_right_arithmetic3A_698 = arith.shrsi %select_n3A_691, %shift_right_arithmetic3A_697 : vector<8x4096xi32>
    %shift_right_arithmetic3A_699 = arith.constant 12 : i32
    %shift_right_arithmetic3A_700 = vector.broadcast %shift_right_arithmetic3A_699 : i32 to vector<8x4096xi32>
    %shift_right_arithmetic3A_701 = arith.shrsi %roll3A_693, %shift_right_arithmetic3A_700 : vector<8x4096xi32>
    %lt3A_702 = arith.cmpi slt, %shift_right_arithmetic3A_701, %shift_right_arithmetic3A_698 : vector<8x4096xi32>
    %select_n3A_703 = arith.select %lt3A_702, %roll3A_693, %select_n3A_691 : vector<8x4096xi1>, vector<8x4096xi32>
    %shift_right_arithmetic3A_704 = arith.constant 12 : i32
    %shift_right_arithmetic3A_705 = vector.broadcast %shift_right_arithmetic3A_704 : i32 to vector<8x4096xi32>
    %shift_right_arithmetic3A_706 = arith.shrsi %roll3A_695, %shift_right_arithmetic3A_705 : vector<8x4096xi32>
    %lt3A_707 = arith.cmpi slt, %shift_right_arithmetic3A_698, %shift_right_arithmetic3A_706 : vector<8x4096xi32>
    %select_n3A_708 = arith.select %lt3A_707, %roll3A_695, %select_n3A_691 : vector<8x4096xi1>, vector<8x4096xi32>
    %select_n3A_709 = arith.select %eq3A_510, %select_n3A_703, %select_n3A_708 : vector<8x4096xi1>, vector<8x4096xi32>
    %roll3A_710 = arith.constant 4064 : i32
    %roll3A_711 = tpu.dynamic_rotate %select_n3A_709 by %roll3A_710 dim 1 : vector<8x4096xi32>, i32 -> vector<8x4096xi32>
    %roll3A_712 = arith.constant 32 : i32
    %roll3A_713 = tpu.dynamic_rotate %select_n3A_709 by %roll3A_712 dim 1 : vector<8x4096xi32>, i32 -> vector<8x4096xi32>
    %shift_right_arithmetic3A_714 = arith.constant 12 : i32
    %shift_right_arithmetic3A_715 = vector.broadcast %shift_right_arithmetic3A_714 : i32 to vector<8x4096xi32>
    %shift_right_arithmetic3A_716 = arith.shrsi %select_n3A_709, %shift_right_arithmetic3A_715 : vector<8x4096xi32>
    %shift_right_arithmetic3A_717 = arith.constant 12 : i32
    %shift_right_arithmetic3A_718 = vector.broadcast %shift_right_arithmetic3A_717 : i32 to vector<8x4096xi32>
    %shift_right_arithmetic3A_719 = arith.shrsi %roll3A_711, %shift_right_arithmetic3A_718 : vector<8x4096xi32>
    %lt3A_720 = arith.cmpi slt, %shift_right_arithmetic3A_719, %shift_right_arithmetic3A_716 : vector<8x4096xi32>
    %select_n3A_721 = arith.select %lt3A_720, %roll3A_711, %select_n3A_709 : vector<8x4096xi1>, vector<8x4096xi32>
    %shift_right_arithmetic3A_722 = arith.constant 12 : i32
    %shift_right_arithmetic3A_723 = vector.broadcast %shift_right_arithmetic3A_722 : i32 to vector<8x4096xi32>
    %shift_right_arithmetic3A_724 = arith.shrsi %roll3A_713, %shift_right_arithmetic3A_723 : vector<8x4096xi32>
    %lt3A_725 = arith.cmpi slt, %shift_right_arithmetic3A_716, %shift_right_arithmetic3A_724 : vector<8x4096xi32>
    %select_n3A_726 = arith.select %lt3A_725, %roll3A_713, %select_n3A_709 : vector<8x4096xi1>, vector<8x4096xi32>
    %select_n3A_727 = arith.select %eq3A_368, %select_n3A_721, %select_n3A_726 : vector<8x4096xi1>, vector<8x4096xi32>
    %roll3A_728 = arith.constant 4080 : i32
    %roll3A_729 = tpu.dynamic_rotate %select_n3A_727 by %roll3A_728 dim 1 : vector<8x4096xi32>, i32 -> vector<8x4096xi32>
    %roll3A_730 = arith.constant 16 : i32
    %roll3A_731 = tpu.dynamic_rotate %select_n3A_727 by %roll3A_730 dim 1 : vector<8x4096xi32>, i32 -> vector<8x4096xi32>
    %shift_right_arithmetic3A_732 = arith.constant 12 : i32
    %shift_right_arithmetic3A_733 = vector.broadcast %shift_right_arithmetic3A_732 : i32 to vector<8x4096xi32>
    %shift_right_arithmetic3A_734 = arith.shrsi %select_n3A_727, %shift_right_arithmetic3A_733 : vector<8x4096xi32>
    %shift_right_arithmetic3A_735 = arith.constant 12 : i32
    %shift_right_arithmetic3A_736 = vector.broadcast %shift_right_arithmetic3A_735 : i32 to vector<8x4096xi32>
    %shift_right_arithmetic3A_737 = arith.shrsi %roll3A_729, %shift_right_arithmetic3A_736 : vector<8x4096xi32>
    %lt3A_738 = arith.cmpi slt, %shift_right_arithmetic3A_737, %shift_right_arithmetic3A_734 : vector<8x4096xi32>
    %select_n3A_739 = arith.select %lt3A_738, %roll3A_729, %select_n3A_727 : vector<8x4096xi1>, vector<8x4096xi32>
    %shift_right_arithmetic3A_740 = arith.constant 12 : i32
    %shift_right_arithmetic3A_741 = vector.broadcast %shift_right_arithmetic3A_740 : i32 to vector<8x4096xi32>
    %shift_right_arithmetic3A_742 = arith.shrsi %roll3A_731, %shift_right_arithmetic3A_741 : vector<8x4096xi32>
    %lt3A_743 = arith.cmpi slt, %shift_right_arithmetic3A_734, %shift_right_arithmetic3A_742 : vector<8x4096xi32>
    %select_n3A_744 = arith.select %lt3A_743, %roll3A_731, %select_n3A_727 : vector<8x4096xi1>, vector<8x4096xi32>
    %select_n3A_745 = arith.select %eq3A_249, %select_n3A_739, %select_n3A_744 : vector<8x4096xi1>, vector<8x4096xi32>
    %roll3A_746 = arith.constant 4088 : i32
    %roll3A_747 = tpu.dynamic_rotate %select_n3A_745 by %roll3A_746 dim 1 : vector<8x4096xi32>, i32 -> vector<8x4096xi32>
    %roll3A_748 = arith.constant 8 : i32
    %roll3A_749 = tpu.dynamic_rotate %select_n3A_745 by %roll3A_748 dim 1 : vector<8x4096xi32>, i32 -> vector<8x4096xi32>
    %shift_right_arithmetic3A_750 = arith.constant 12 : i32
    %shift_right_arithmetic3A_751 = vector.broadcast %shift_right_arithmetic3A_750 : i32 to vector<8x4096xi32>
    %shift_right_arithmetic3A_752 = arith.shrsi %select_n3A_745, %shift_right_arithmetic3A_751 : vector<8x4096xi32>
    %shift_right_arithmetic3A_753 = arith.constant 12 : i32
    %shift_right_arithmetic3A_754 = vector.broadcast %shift_right_arithmetic3A_753 : i32 to vector<8x4096xi32>
    %shift_right_arithmetic3A_755 = arith.shrsi %roll3A_747, %shift_right_arithmetic3A_754 : vector<8x4096xi32>
    %lt3A_756 = arith.cmpi slt, %shift_right_arithmetic3A_755, %shift_right_arithmetic3A_752 : vector<8x4096xi32>
    %select_n3A_757 = arith.select %lt3A_756, %roll3A_747, %select_n3A_745 : vector<8x4096xi1>, vector<8x4096xi32>
    %shift_right_arithmetic3A_758 = arith.constant 12 : i32
    %shift_right_arithmetic3A_759 = vector.broadcast %shift_right_arithmetic3A_758 : i32 to vector<8x4096xi32>
    %shift_right_arithmetic3A_760 = arith.shrsi %roll3A_749, %shift_right_arithmetic3A_759 : vector<8x4096xi32>
    %lt3A_761 = arith.cmpi slt, %shift_right_arithmetic3A_752, %shift_right_arithmetic3A_760 : vector<8x4096xi32>
    %select_n3A_762 = arith.select %lt3A_761, %roll3A_749, %select_n3A_745 : vector<8x4096xi1>, vector<8x4096xi32>
    %select_n3A_763 = arith.select %eq3A_153, %select_n3A_757, %select_n3A_762 : vector<8x4096xi1>, vector<8x4096xi32>
    %roll3A_764 = arith.constant 4092 : i32
    %roll3A_765 = tpu.dynamic_rotate %select_n3A_763 by %roll3A_764 dim 1 : vector<8x4096xi32>, i32 -> vector<8x4096xi32>
    %roll3A_766 = arith.constant 4 : i32
    %roll3A_767 = tpu.dynamic_rotate %select_n3A_763 by %roll3A_766 dim 1 : vector<8x4096xi32>, i32 -> vector<8x4096xi32>
    %shift_right_arithmetic3A_768 = arith.constant 12 : i32
    %shift_right_arithmetic3A_769 = vector.broadcast %shift_right_arithmetic3A_768 : i32 to vector<8x4096xi32>
    %shift_right_arithmetic3A_770 = arith.shrsi %select_n3A_763, %shift_right_arithmetic3A_769 : vector<8x4096xi32>
    %shift_right_arithmetic3A_771 = arith.constant 12 : i32
    %shift_right_arithmetic3A_772 = vector.broadcast %shift_right_arithmetic3A_771 : i32 to vector<8x4096xi32>
    %shift_right_arithmetic3A_773 = arith.shrsi %roll3A_765, %shift_right_arithmetic3A_772 : vector<8x4096xi32>
    %lt3A_774 = arith.cmpi slt, %shift_right_arithmetic3A_773, %shift_right_arithmetic3A_770 : vector<8x4096xi32>
    %select_n3A_775 = arith.select %lt3A_774, %roll3A_765, %select_n3A_763 : vector<8x4096xi1>, vector<8x4096xi32>
    %shift_right_arithmetic3A_776 = arith.constant 12 : i32
    %shift_right_arithmetic3A_777 = vector.broadcast %shift_right_arithmetic3A_776 : i32 to vector<8x4096xi32>
    %shift_right_arithmetic3A_778 = arith.shrsi %roll3A_767, %shift_right_arithmetic3A_777 : vector<8x4096xi32>
    %lt3A_779 = arith.cmpi slt, %shift_right_arithmetic3A_770, %shift_right_arithmetic3A_778 : vector<8x4096xi32>
    %select_n3A_780 = arith.select %lt3A_779, %roll3A_767, %select_n3A_763 : vector<8x4096xi1>, vector<8x4096xi32>
    %select_n3A_781 = arith.select %eq3A_80, %select_n3A_775, %select_n3A_780 : vector<8x4096xi1>, vector<8x4096xi32>
    %roll3A_782 = arith.constant 4094 : i32
    %roll3A_783 = tpu.dynamic_rotate %select_n3A_781 by %roll3A_782 dim 1 : vector<8x4096xi32>, i32 -> vector<8x4096xi32>
    %roll3A_784 = arith.constant 2 : i32
    %roll3A_785 = tpu.dynamic_rotate %select_n3A_781 by %roll3A_784 dim 1 : vector<8x4096xi32>, i32 -> vector<8x4096xi32>
    %shift_right_arithmetic3A_786 = arith.constant 12 : i32
    %shift_right_arithmetic3A_787 = vector.broadcast %shift_right_arithmetic3A_786 : i32 to vector<8x4096xi32>
    %shift_right_arithmetic3A_788 = arith.shrsi %select_n3A_781, %shift_right_arithmetic3A_787 : vector<8x4096xi32>
    %shift_right_arithmetic3A_789 = arith.constant 12 : i32
    %shift_right_arithmetic3A_790 = vector.broadcast %shift_right_arithmetic3A_789 : i32 to vector<8x4096xi32>
    %shift_right_arithmetic3A_791 = arith.shrsi %roll3A_783, %shift_right_arithmetic3A_790 : vector<8x4096xi32>
    %lt3A_792 = arith.cmpi slt, %shift_right_arithmetic3A_791, %shift_right_arithmetic3A_788 : vector<8x4096xi32>
    %select_n3A_793 = arith.select %lt3A_792, %roll3A_783, %select_n3A_781 : vector<8x4096xi1>, vector<8x4096xi32>
    %shift_right_arithmetic3A_794 = arith.constant 12 : i32
    %shift_right_arithmetic3A_795 = vector.broadcast %shift_right_arithmetic3A_794 : i32 to vector<8x4096xi32>
    %shift_right_arithmetic3A_796 = arith.shrsi %roll3A_785, %shift_right_arithmetic3A_795 : vector<8x4096xi32>
    %lt3A_797 = arith.cmpi slt, %shift_right_arithmetic3A_788, %shift_right_arithmetic3A_796 : vector<8x4096xi32>
    %select_n3A_798 = arith.select %lt3A_797, %roll3A_785, %select_n3A_781 : vector<8x4096xi1>, vector<8x4096xi32>
    %select_n3A_799 = arith.select %eq3A_30, %select_n3A_793, %select_n3A_798 : vector<8x4096xi1>, vector<8x4096xi32>
    %roll3A_800 = arith.constant 4095 : i32
    %roll3A_801 = tpu.dynamic_rotate %select_n3A_799 by %roll3A_800 dim 1 : vector<8x4096xi32>, i32 -> vector<8x4096xi32>
    %roll3A_802 = arith.constant 1 : i32
    %roll3A_803 = tpu.dynamic_rotate %select_n3A_799 by %roll3A_802 dim 1 : vector<8x4096xi32>, i32 -> vector<8x4096xi32>
    %shift_right_arithmetic3A_804 = arith.constant 12 : i32
    %shift_right_arithmetic3A_805 = vector.broadcast %shift_right_arithmetic3A_804 : i32 to vector<8x4096xi32>
    %shift_right_arithmetic3A_806 = arith.shrsi %select_n3A_799, %shift_right_arithmetic3A_805 : vector<8x4096xi32>
    %shift_right_arithmetic3A_807 = arith.constant 12 : i32
    %shift_right_arithmetic3A_808 = vector.broadcast %shift_right_arithmetic3A_807 : i32 to vector<8x4096xi32>
    %shift_right_arithmetic3A_809 = arith.shrsi %roll3A_801, %shift_right_arithmetic3A_808 : vector<8x4096xi32>
    %lt3A_810 = arith.cmpi slt, %shift_right_arithmetic3A_809, %shift_right_arithmetic3A_806 : vector<8x4096xi32>
    %select_n3A_811 = arith.select %lt3A_810, %roll3A_801, %select_n3A_799 : vector<8x4096xi1>, vector<8x4096xi32>
    %shift_right_arithmetic3A_812 = arith.constant 12 : i32
    %shift_right_arithmetic3A_813 = vector.broadcast %shift_right_arithmetic3A_812 : i32 to vector<8x4096xi32>
    %shift_right_arithmetic3A_814 = arith.shrsi %roll3A_803, %shift_right_arithmetic3A_813 : vector<8x4096xi32>
    %lt3A_815 = arith.cmpi slt, %shift_right_arithmetic3A_806, %shift_right_arithmetic3A_814 : vector<8x4096xi32>
    %select_n3A_816 = arith.select %lt3A_815, %roll3A_803, %select_n3A_799 : vector<8x4096xi1>, vector<8x4096xi32>
    %select_n3A_817 = arith.select %eq3A_7, %select_n3A_811, %select_n3A_816 : vector<8x4096xi1>, vector<8x4096xi32>
    %roll3A_818 = arith.constant 4095 : i32
    %roll3A_819 = tpu.dynamic_rotate %select_n3A_817 by %roll3A_818 dim 1 : vector<8x4096xi32>, i32 -> vector<8x4096xi32>
    %roll3A_820 = arith.constant 1 : i32
    %roll3A_821 = tpu.dynamic_rotate %select_n3A_817 by %roll3A_820 dim 1 : vector<8x4096xi32>, i32 -> vector<8x4096xi32>
    %select_n3A_822 = arith.select %eq3A_7, %roll3A_819, %roll3A_821 : vector<8x4096xi1>, vector<8x4096xi32>
    %roll3A_823 = arith.constant 4094 : i32
    %roll3A_824 = tpu.dynamic_rotate %select_n3A_822 by %roll3A_823 dim 1 : vector<8x4096xi32>, i32 -> vector<8x4096xi32>
    %roll3A_825 = arith.constant 2 : i32
    %roll3A_826 = tpu.dynamic_rotate %select_n3A_822 by %roll3A_825 dim 1 : vector<8x4096xi32>, i32 -> vector<8x4096xi32>
    %select_n3A_827 = arith.select %eq3A_30, %roll3A_824, %roll3A_826 : vector<8x4096xi1>, vector<8x4096xi32>
    %roll3A_828 = arith.constant 4092 : i32
    %roll3A_829 = tpu.dynamic_rotate %select_n3A_827 by %roll3A_828 dim 1 : vector<8x4096xi32>, i32 -> vector<8x4096xi32>
    %roll3A_830 = arith.constant 4 : i32
    %roll3A_831 = tpu.dynamic_rotate %select_n3A_827 by %roll3A_830 dim 1 : vector<8x4096xi32>, i32 -> vector<8x4096xi32>
    %select_n3A_832 = arith.select %eq3A_80, %roll3A_829, %roll3A_831 : vector<8x4096xi1>, vector<8x4096xi32>
    %roll3A_833 = arith.constant 4088 : i32
    %roll3A_834 = tpu.dynamic_rotate %select_n3A_832 by %roll3A_833 dim 1 : vector<8x4096xi32>, i32 -> vector<8x4096xi32>
    %roll3A_835 = arith.constant 8 : i32
    %roll3A_836 = tpu.dynamic_rotate %select_n3A_832 by %roll3A_835 dim 1 : vector<8x4096xi32>, i32 -> vector<8x4096xi32>
    %select_n3A_837 = arith.select %eq3A_153, %roll3A_834, %roll3A_836 : vector<8x4096xi1>, vector<8x4096xi32>
    %roll3A_838 = arith.constant 4080 : i32
    %roll3A_839 = tpu.dynamic_rotate %select_n3A_837 by %roll3A_838 dim 1 : vector<8x4096xi32>, i32 -> vector<8x4096xi32>
    %roll3A_840 = arith.constant 16 : i32
    %roll3A_841 = tpu.dynamic_rotate %select_n3A_837 by %roll3A_840 dim 1 : vector<8x4096xi32>, i32 -> vector<8x4096xi32>
    %select_n3A_842 = arith.select %eq3A_249, %roll3A_839, %roll3A_841 : vector<8x4096xi1>, vector<8x4096xi32>
    %roll3A_843 = arith.constant 4064 : i32
    %roll3A_844 = tpu.dynamic_rotate %select_n3A_842 by %roll3A_843 dim 1 : vector<8x4096xi32>, i32 -> vector<8x4096xi32>
    %roll3A_845 = arith.constant 32 : i32
    %roll3A_846 = tpu.dynamic_rotate %select_n3A_842 by %roll3A_845 dim 1 : vector<8x4096xi32>, i32 -> vector<8x4096xi32>
    %select_n3A_847 = arith.select %eq3A_368, %roll3A_844, %roll3A_846 : vector<8x4096xi1>, vector<8x4096xi32>
    %roll3A_848 = arith.constant 4032 : i32
    %roll3A_849 = tpu.dynamic_rotate %select_n3A_847 by %roll3A_848 dim 1 : vector<8x4096xi32>, i32 -> vector<8x4096xi32>
    %roll3A_850 = arith.constant 64 : i32
    %roll3A_851 = tpu.dynamic_rotate %select_n3A_847 by %roll3A_850 dim 1 : vector<8x4096xi32>, i32 -> vector<8x4096xi32>
    %select_n3A_852 = arith.select %eq3A_510, %roll3A_849, %roll3A_851 : vector<8x4096xi1>, vector<8x4096xi32>
    %roll3A_853 = arith.constant 3968 : i32
    %roll3A_854 = tpu.dynamic_rotate %select_n3A_852 by %roll3A_853 dim 1 : vector<8x4096xi32>, i32 -> vector<8x4096xi32>
    %roll3A_855 = arith.constant 128 : i32
    %roll3A_856 = tpu.dynamic_rotate %select_n3A_852 by %roll3A_855 dim 1 : vector<8x4096xi32>, i32 -> vector<8x4096xi32>
    %select_n3A_857 = arith.select %eq3A_675, %roll3A_854, %roll3A_856 : vector<8x4096xi1>, vector<8x4096xi32>
    %and3A_858 = arith.constant 256 : i32
    %and3A_859 = vector.broadcast %and3A_858 : i32 to vector<8x4096xi32>
    %and3A_860 = arith.andi %iota3A, %and3A_859 : vector<8x4096xi32>
    %eq3A_861 = arith.constant 0 : i32
    %eq3A_862 = vector.broadcast %eq3A_861 : i32 to vector<8x4096xi32>
    %eq3A_863 = arith.cmpi eq, %and3A_860, %eq3A_862 : vector<8x4096xi32>
    %roll3A_864 = arith.constant 3840 : i32
    %roll3A_865 = tpu.dynamic_rotate %select_n3A_857 by %roll3A_864 dim 1 : vector<8x4096xi32>, i32 -> vector<8x4096xi32>
    %roll3A_866 = arith.constant 256 : i32
    %roll3A_867 = tpu.dynamic_rotate %select_n3A_857 by %roll3A_866 dim 1 : vector<8x4096xi32>, i32 -> vector<8x4096xi32>
    %select_n3A_868 = arith.select %eq3A_863, %roll3A_865, %roll3A_867 : vector<8x4096xi1>, vector<8x4096xi32>
    %shift_right_arithmetic3A_869 = arith.constant 12 : i32
    %shift_right_arithmetic3A_870 = vector.broadcast %shift_right_arithmetic3A_869 : i32 to vector<8x4096xi32>
    %shift_right_arithmetic3A_871 = arith.shrsi %select_n3A_817, %shift_right_arithmetic3A_870 : vector<8x4096xi32>
    %shift_right_arithmetic3A_872 = arith.constant 12 : i32
    %shift_right_arithmetic3A_873 = vector.broadcast %shift_right_arithmetic3A_872 : i32 to vector<8x4096xi32>
    %shift_right_arithmetic3A_874 = arith.shrsi %select_n3A_868, %shift_right_arithmetic3A_873 : vector<8x4096xi32>
    %lt3A_875 = arith.cmpi slt, %shift_right_arithmetic3A_874, %shift_right_arithmetic3A_871 : vector<8x4096xi32>
    %select_n3A_876 = arith.select %lt3A_875, %select_n3A_868, %select_n3A_817 : vector<8x4096xi1>, vector<8x4096xi32>
    %lt3A_877 = arith.cmpi slt, %shift_right_arithmetic3A_871, %shift_right_arithmetic3A_874 : vector<8x4096xi32>
    %select_n3A_878 = arith.select %lt3A_877, %select_n3A_868, %select_n3A_817 : vector<8x4096xi1>, vector<8x4096xi32>
    %select_n3A_879 = arith.select %eq3A_863, %select_n3A_876, %select_n3A_878 : vector<8x4096xi1>, vector<8x4096xi32>
    %roll3A_880 = arith.constant 3968 : i32
    %roll3A_881 = tpu.dynamic_rotate %select_n3A_879 by %roll3A_880 dim 1 : vector<8x4096xi32>, i32 -> vector<8x4096xi32>
    %roll3A_882 = arith.constant 128 : i32
    %roll3A_883 = tpu.dynamic_rotate %select_n3A_879 by %roll3A_882 dim 1 : vector<8x4096xi32>, i32 -> vector<8x4096xi32>
    %shift_right_arithmetic3A_884 = arith.constant 12 : i32
    %shift_right_arithmetic3A_885 = vector.broadcast %shift_right_arithmetic3A_884 : i32 to vector<8x4096xi32>
    %shift_right_arithmetic3A_886 = arith.shrsi %select_n3A_879, %shift_right_arithmetic3A_885 : vector<8x4096xi32>
    %shift_right_arithmetic3A_887 = arith.constant 12 : i32
    %shift_right_arithmetic3A_888 = vector.broadcast %shift_right_arithmetic3A_887 : i32 to vector<8x4096xi32>
    %shift_right_arithmetic3A_889 = arith.shrsi %roll3A_881, %shift_right_arithmetic3A_888 : vector<8x4096xi32>
    %lt3A_890 = arith.cmpi slt, %shift_right_arithmetic3A_889, %shift_right_arithmetic3A_886 : vector<8x4096xi32>
    %select_n3A_891 = arith.select %lt3A_890, %roll3A_881, %select_n3A_879 : vector<8x4096xi1>, vector<8x4096xi32>
    %shift_right_arithmetic3A_892 = arith.constant 12 : i32
    %shift_right_arithmetic3A_893 = vector.broadcast %shift_right_arithmetic3A_892 : i32 to vector<8x4096xi32>
    %shift_right_arithmetic3A_894 = arith.shrsi %roll3A_883, %shift_right_arithmetic3A_893 : vector<8x4096xi32>
    %lt3A_895 = arith.cmpi slt, %shift_right_arithmetic3A_886, %shift_right_arithmetic3A_894 : vector<8x4096xi32>
    %select_n3A_896 = arith.select %lt3A_895, %roll3A_883, %select_n3A_879 : vector<8x4096xi1>, vector<8x4096xi32>
    %select_n3A_897 = arith.select %eq3A_675, %select_n3A_891, %select_n3A_896 : vector<8x4096xi1>, vector<8x4096xi32>
    %roll3A_898 = arith.constant 4032 : i32
    %roll3A_899 = tpu.dynamic_rotate %select_n3A_897 by %roll3A_898 dim 1 : vector<8x4096xi32>, i32 -> vector<8x4096xi32>
    %roll3A_900 = arith.constant 64 : i32
    %roll3A_901 = tpu.dynamic_rotate %select_n3A_897 by %roll3A_900 dim 1 : vector<8x4096xi32>, i32 -> vector<8x4096xi32>
    %shift_right_arithmetic3A_902 = arith.constant 12 : i32
    %shift_right_arithmetic3A_903 = vector.broadcast %shift_right_arithmetic3A_902 : i32 to vector<8x4096xi32>
    %shift_right_arithmetic3A_904 = arith.shrsi %select_n3A_897, %shift_right_arithmetic3A_903 : vector<8x4096xi32>
    %shift_right_arithmetic3A_905 = arith.constant 12 : i32
    %shift_right_arithmetic3A_906 = vector.broadcast %shift_right_arithmetic3A_905 : i32 to vector<8x4096xi32>
    %shift_right_arithmetic3A_907 = arith.shrsi %roll3A_899, %shift_right_arithmetic3A_906 : vector<8x4096xi32>
    %lt3A_908 = arith.cmpi slt, %shift_right_arithmetic3A_907, %shift_right_arithmetic3A_904 : vector<8x4096xi32>
    %select_n3A_909 = arith.select %lt3A_908, %roll3A_899, %select_n3A_897 : vector<8x4096xi1>, vector<8x4096xi32>
    %shift_right_arithmetic3A_910 = arith.constant 12 : i32
    %shift_right_arithmetic3A_911 = vector.broadcast %shift_right_arithmetic3A_910 : i32 to vector<8x4096xi32>
    %shift_right_arithmetic3A_912 = arith.shrsi %roll3A_901, %shift_right_arithmetic3A_911 : vector<8x4096xi32>
    %lt3A_913 = arith.cmpi slt, %shift_right_arithmetic3A_904, %shift_right_arithmetic3A_912 : vector<8x4096xi32>
    %select_n3A_914 = arith.select %lt3A_913, %roll3A_901, %select_n3A_897 : vector<8x4096xi1>, vector<8x4096xi32>
    %select_n3A_915 = arith.select %eq3A_510, %select_n3A_909, %select_n3A_914 : vector<8x4096xi1>, vector<8x4096xi32>
    %roll3A_916 = arith.constant 4064 : i32
    %roll3A_917 = tpu.dynamic_rotate %select_n3A_915 by %roll3A_916 dim 1 : vector<8x4096xi32>, i32 -> vector<8x4096xi32>
    %roll3A_918 = arith.constant 32 : i32
    %roll3A_919 = tpu.dynamic_rotate %select_n3A_915 by %roll3A_918 dim 1 : vector<8x4096xi32>, i32 -> vector<8x4096xi32>
    %shift_right_arithmetic3A_920 = arith.constant 12 : i32
    %shift_right_arithmetic3A_921 = vector.broadcast %shift_right_arithmetic3A_920 : i32 to vector<8x4096xi32>
    %shift_right_arithmetic3A_922 = arith.shrsi %select_n3A_915, %shift_right_arithmetic3A_921 : vector<8x4096xi32>
    %shift_right_arithmetic3A_923 = arith.constant 12 : i32
    %shift_right_arithmetic3A_924 = vector.broadcast %shift_right_arithmetic3A_923 : i32 to vector<8x4096xi32>
    %shift_right_arithmetic3A_925 = arith.shrsi %roll3A_917, %shift_right_arithmetic3A_924 : vector<8x4096xi32>
    %lt3A_926 = arith.cmpi slt, %shift_right_arithmetic3A_925, %shift_right_arithmetic3A_922 : vector<8x4096xi32>
    %select_n3A_927 = arith.select %lt3A_926, %roll3A_917, %select_n3A_915 : vector<8x4096xi1>, vector<8x4096xi32>
    %shift_right_arithmetic3A_928 = arith.constant 12 : i32
    %shift_right_arithmetic3A_929 = vector.broadcast %shift_right_arithmetic3A_928 : i32 to vector<8x4096xi32>
    %shift_right_arithmetic3A_930 = arith.shrsi %roll3A_919, %shift_right_arithmetic3A_929 : vector<8x4096xi32>
    %lt3A_931 = arith.cmpi slt, %shift_right_arithmetic3A_922, %shift_right_arithmetic3A_930 : vector<8x4096xi32>
    %select_n3A_932 = arith.select %lt3A_931, %roll3A_919, %select_n3A_915 : vector<8x4096xi1>, vector<8x4096xi32>
    %select_n3A_933 = arith.select %eq3A_368, %select_n3A_927, %select_n3A_932 : vector<8x4096xi1>, vector<8x4096xi32>
    %roll3A_934 = arith.constant 4080 : i32
    %roll3A_935 = tpu.dynamic_rotate %select_n3A_933 by %roll3A_934 dim 1 : vector<8x4096xi32>, i32 -> vector<8x4096xi32>
    %roll3A_936 = arith.constant 16 : i32
    %roll3A_937 = tpu.dynamic_rotate %select_n3A_933 by %roll3A_936 dim 1 : vector<8x4096xi32>, i32 -> vector<8x4096xi32>
    %shift_right_arithmetic3A_938 = arith.constant 12 : i32
    %shift_right_arithmetic3A_939 = vector.broadcast %shift_right_arithmetic3A_938 : i32 to vector<8x4096xi32>
    %shift_right_arithmetic3A_940 = arith.shrsi %select_n3A_933, %shift_right_arithmetic3A_939 : vector<8x4096xi32>
    %shift_right_arithmetic3A_941 = arith.constant 12 : i32
    %shift_right_arithmetic3A_942 = vector.broadcast %shift_right_arithmetic3A_941 : i32 to vector<8x4096xi32>
    %shift_right_arithmetic3A_943 = arith.shrsi %roll3A_935, %shift_right_arithmetic3A_942 : vector<8x4096xi32>
    %lt3A_944 = arith.cmpi slt, %shift_right_arithmetic3A_943, %shift_right_arithmetic3A_940 : vector<8x4096xi32>
    %select_n3A_945 = arith.select %lt3A_944, %roll3A_935, %select_n3A_933 : vector<8x4096xi1>, vector<8x4096xi32>
    %shift_right_arithmetic3A_946 = arith.constant 12 : i32
    %shift_right_arithmetic3A_947 = vector.broadcast %shift_right_arithmetic3A_946 : i32 to vector<8x4096xi32>
    %shift_right_arithmetic3A_948 = arith.shrsi %roll3A_937, %shift_right_arithmetic3A_947 : vector<8x4096xi32>
    %lt3A_949 = arith.cmpi slt, %shift_right_arithmetic3A_940, %shift_right_arithmetic3A_948 : vector<8x4096xi32>
    %select_n3A_950 = arith.select %lt3A_949, %roll3A_937, %select_n3A_933 : vector<8x4096xi1>, vector<8x4096xi32>
    %select_n3A_951 = arith.select %eq3A_249, %select_n3A_945, %select_n3A_950 : vector<8x4096xi1>, vector<8x4096xi32>
    %roll3A_952 = arith.constant 4088 : i32
    %roll3A_953 = tpu.dynamic_rotate %select_n3A_951 by %roll3A_952 dim 1 : vector<8x4096xi32>, i32 -> vector<8x4096xi32>
    %roll3A_954 = arith.constant 8 : i32
    %roll3A_955 = tpu.dynamic_rotate %select_n3A_951 by %roll3A_954 dim 1 : vector<8x4096xi32>, i32 -> vector<8x4096xi32>
    %shift_right_arithmetic3A_956 = arith.constant 12 : i32
    %shift_right_arithmetic3A_957 = vector.broadcast %shift_right_arithmetic3A_956 : i32 to vector<8x4096xi32>
    %shift_right_arithmetic3A_958 = arith.shrsi %select_n3A_951, %shift_right_arithmetic3A_957 : vector<8x4096xi32>
    %shift_right_arithmetic3A_959 = arith.constant 12 : i32
    %shift_right_arithmetic3A_960 = vector.broadcast %shift_right_arithmetic3A_959 : i32 to vector<8x4096xi32>
    %shift_right_arithmetic3A_961 = arith.shrsi %roll3A_953, %shift_right_arithmetic3A_960 : vector<8x4096xi32>
    %lt3A_962 = arith.cmpi slt, %shift_right_arithmetic3A_961, %shift_right_arithmetic3A_958 : vector<8x4096xi32>
    %select_n3A_963 = arith.select %lt3A_962, %roll3A_953, %select_n3A_951 : vector<8x4096xi1>, vector<8x4096xi32>
    %shift_right_arithmetic3A_964 = arith.constant 12 : i32
    %shift_right_arithmetic3A_965 = vector.broadcast %shift_right_arithmetic3A_964 : i32 to vector<8x4096xi32>
    %shift_right_arithmetic3A_966 = arith.shrsi %roll3A_955, %shift_right_arithmetic3A_965 : vector<8x4096xi32>
    %lt3A_967 = arith.cmpi slt, %shift_right_arithmetic3A_958, %shift_right_arithmetic3A_966 : vector<8x4096xi32>
    %select_n3A_968 = arith.select %lt3A_967, %roll3A_955, %select_n3A_951 : vector<8x4096xi1>, vector<8x4096xi32>
    %select_n3A_969 = arith.select %eq3A_153, %select_n3A_963, %select_n3A_968 : vector<8x4096xi1>, vector<8x4096xi32>
    %roll3A_970 = arith.constant 4092 : i32
    %roll3A_971 = tpu.dynamic_rotate %select_n3A_969 by %roll3A_970 dim 1 : vector<8x4096xi32>, i32 -> vector<8x4096xi32>
    %roll3A_972 = arith.constant 4 : i32
    %roll3A_973 = tpu.dynamic_rotate %select_n3A_969 by %roll3A_972 dim 1 : vector<8x4096xi32>, i32 -> vector<8x4096xi32>
    %shift_right_arithmetic3A_974 = arith.constant 12 : i32
    %shift_right_arithmetic3A_975 = vector.broadcast %shift_right_arithmetic3A_974 : i32 to vector<8x4096xi32>
    %shift_right_arithmetic3A_976 = arith.shrsi %select_n3A_969, %shift_right_arithmetic3A_975 : vector<8x4096xi32>
    %shift_right_arithmetic3A_977 = arith.constant 12 : i32
    %shift_right_arithmetic3A_978 = vector.broadcast %shift_right_arithmetic3A_977 : i32 to vector<8x4096xi32>
    %shift_right_arithmetic3A_979 = arith.shrsi %roll3A_971, %shift_right_arithmetic3A_978 : vector<8x4096xi32>
    %lt3A_980 = arith.cmpi slt, %shift_right_arithmetic3A_979, %shift_right_arithmetic3A_976 : vector<8x4096xi32>
    %select_n3A_981 = arith.select %lt3A_980, %roll3A_971, %select_n3A_969 : vector<8x4096xi1>, vector<8x4096xi32>
    %shift_right_arithmetic3A_982 = arith.constant 12 : i32
    %shift_right_arithmetic3A_983 = vector.broadcast %shift_right_arithmetic3A_982 : i32 to vector<8x4096xi32>
    %shift_right_arithmetic3A_984 = arith.shrsi %roll3A_973, %shift_right_arithmetic3A_983 : vector<8x4096xi32>
    %lt3A_985 = arith.cmpi slt, %shift_right_arithmetic3A_976, %shift_right_arithmetic3A_984 : vector<8x4096xi32>
    %select_n3A_986 = arith.select %lt3A_985, %roll3A_973, %select_n3A_969 : vector<8x4096xi1>, vector<8x4096xi32>
    %select_n3A_987 = arith.select %eq3A_80, %select_n3A_981, %select_n3A_986 : vector<8x4096xi1>, vector<8x4096xi32>
    %roll3A_988 = arith.constant 4094 : i32
    %roll3A_989 = tpu.dynamic_rotate %select_n3A_987 by %roll3A_988 dim 1 : vector<8x4096xi32>, i32 -> vector<8x4096xi32>
    %roll3A_990 = arith.constant 2 : i32
    %roll3A_991 = tpu.dynamic_rotate %select_n3A_987 by %roll3A_990 dim 1 : vector<8x4096xi32>, i32 -> vector<8x4096xi32>
    %shift_right_arithmetic3A_992 = arith.constant 12 : i32
    %shift_right_arithmetic3A_993 = vector.broadcast %shift_right_arithmetic3A_992 : i32 to vector<8x4096xi32>
    %shift_right_arithmetic3A_994 = arith.shrsi %select_n3A_987, %shift_right_arithmetic3A_993 : vector<8x4096xi32>
    %shift_right_arithmetic3A_995 = arith.constant 12 : i32
    %shift_right_arithmetic3A_996 = vector.broadcast %shift_right_arithmetic3A_995 : i32 to vector<8x4096xi32>
    %shift_right_arithmetic3A_997 = arith.shrsi %roll3A_989, %shift_right_arithmetic3A_996 : vector<8x4096xi32>
    %lt3A_998 = arith.cmpi slt, %shift_right_arithmetic3A_997, %shift_right_arithmetic3A_994 : vector<8x4096xi32>
    %select_n3A_999 = arith.select %lt3A_998, %roll3A_989, %select_n3A_987 : vector<8x4096xi1>, vector<8x4096xi32>
    %shift_right_arithmetic3A_1000 = arith.constant 12 : i32
    %shift_right_arithmetic3A_1001 = vector.broadcast %shift_right_arithmetic3A_1000 : i32 to vector<8x4096xi32>
    %shift_right_arithmetic3A_1002 = arith.shrsi %roll3A_991, %shift_right_arithmetic3A_1001 : vector<8x4096xi32>
    %lt3A_1003 = arith.cmpi slt, %shift_right_arithmetic3A_994, %shift_right_arithmetic3A_1002 : vector<8x4096xi32>
    %select_n3A_1004 = arith.select %lt3A_1003, %roll3A_991, %select_n3A_987 : vector<8x4096xi1>, vector<8x4096xi32>
    %select_n3A_1005 = arith.select %eq3A_30, %select_n3A_999, %select_n3A_1004 : vector<8x4096xi1>, vector<8x4096xi32>
    %roll3A_1006 = arith.constant 4095 : i32
    %roll3A_1007 = tpu.dynamic_rotate %select_n3A_1005 by %roll3A_1006 dim 1 : vector<8x4096xi32>, i32 -> vector<8x4096xi32>
    %roll3A_1008 = arith.constant 1 : i32
    %roll3A_1009 = tpu.dynamic_rotate %select_n3A_1005 by %roll3A_1008 dim 1 : vector<8x4096xi32>, i32 -> vector<8x4096xi32>
    %shift_right_arithmetic3A_1010 = arith.constant 12 : i32
    %shift_right_arithmetic3A_1011 = vector.broadcast %shift_right_arithmetic3A_1010 : i32 to vector<8x4096xi32>
    %shift_right_arithmetic3A_1012 = arith.shrsi %select_n3A_1005, %shift_right_arithmetic3A_1011 : vector<8x4096xi32>
    %shift_right_arithmetic3A_1013 = arith.constant 12 : i32
    %shift_right_arithmetic3A_1014 = vector.broadcast %shift_right_arithmetic3A_1013 : i32 to vector<8x4096xi32>
    %shift_right_arithmetic3A_1015 = arith.shrsi %roll3A_1007, %shift_right_arithmetic3A_1014 : vector<8x4096xi32>
    %lt3A_1016 = arith.cmpi slt, %shift_right_arithmetic3A_1015, %shift_right_arithmetic3A_1012 : vector<8x4096xi32>
    %select_n3A_1017 = arith.select %lt3A_1016, %roll3A_1007, %select_n3A_1005 : vector<8x4096xi1>, vector<8x4096xi32>
    %shift_right_arithmetic3A_1018 = arith.constant 12 : i32
    %shift_right_arithmetic3A_1019 = vector.broadcast %shift_right_arithmetic3A_1018 : i32 to vector<8x4096xi32>
    %shift_right_arithmetic3A_1020 = arith.shrsi %roll3A_1009, %shift_right_arithmetic3A_1019 : vector<8x4096xi32>
    %lt3A_1021 = arith.cmpi slt, %shift_right_arithmetic3A_1012, %shift_right_arithmetic3A_1020 : vector<8x4096xi32>
    %select_n3A_1022 = arith.select %lt3A_1021, %roll3A_1009, %select_n3A_1005 : vector<8x4096xi1>, vector<8x4096xi32>
    %select_n3A_1023 = arith.select %eq3A_7, %select_n3A_1017, %select_n3A_1022 : vector<8x4096xi1>, vector<8x4096xi32>
    %roll3A_1024 = arith.constant 4095 : i32
    %roll3A_1025 = tpu.dynamic_rotate %select_n3A_1023 by %roll3A_1024 dim 1 : vector<8x4096xi32>, i32 -> vector<8x4096xi32>
    %roll3A_1026 = arith.constant 1 : i32
    %roll3A_1027 = tpu.dynamic_rotate %select_n3A_1023 by %roll3A_1026 dim 1 : vector<8x4096xi32>, i32 -> vector<8x4096xi32>
    %select_n3A_1028 = arith.select %eq3A_7, %roll3A_1025, %roll3A_1027 : vector<8x4096xi1>, vector<8x4096xi32>
    %roll3A_1029 = arith.constant 4094 : i32
    %roll3A_1030 = tpu.dynamic_rotate %select_n3A_1028 by %roll3A_1029 dim 1 : vector<8x4096xi32>, i32 -> vector<8x4096xi32>
    %roll3A_1031 = arith.constant 2 : i32
    %roll3A_1032 = tpu.dynamic_rotate %select_n3A_1028 by %roll3A_1031 dim 1 : vector<8x4096xi32>, i32 -> vector<8x4096xi32>
    %select_n3A_1033 = arith.select %eq3A_30, %roll3A_1030, %roll3A_1032 : vector<8x4096xi1>, vector<8x4096xi32>
    %roll3A_1034 = arith.constant 4092 : i32
    %roll3A_1035 = tpu.dynamic_rotate %select_n3A_1033 by %roll3A_1034 dim 1 : vector<8x4096xi32>, i32 -> vector<8x4096xi32>
    %roll3A_1036 = arith.constant 4 : i32
    %roll3A_1037 = tpu.dynamic_rotate %select_n3A_1033 by %roll3A_1036 dim 1 : vector<8x4096xi32>, i32 -> vector<8x4096xi32>
    %select_n3A_1038 = arith.select %eq3A_80, %roll3A_1035, %roll3A_1037 : vector<8x4096xi1>, vector<8x4096xi32>
    %roll3A_1039 = arith.constant 4088 : i32
    %roll3A_1040 = tpu.dynamic_rotate %select_n3A_1038 by %roll3A_1039 dim 1 : vector<8x4096xi32>, i32 -> vector<8x4096xi32>
    %roll3A_1041 = arith.constant 8 : i32
    %roll3A_1042 = tpu.dynamic_rotate %select_n3A_1038 by %roll3A_1041 dim 1 : vector<8x4096xi32>, i32 -> vector<8x4096xi32>
    %select_n3A_1043 = arith.select %eq3A_153, %roll3A_1040, %roll3A_1042 : vector<8x4096xi1>, vector<8x4096xi32>
    %roll3A_1044 = arith.constant 4080 : i32
    %roll3A_1045 = tpu.dynamic_rotate %select_n3A_1043 by %roll3A_1044 dim 1 : vector<8x4096xi32>, i32 -> vector<8x4096xi32>
    %roll3A_1046 = arith.constant 16 : i32
    %roll3A_1047 = tpu.dynamic_rotate %select_n3A_1043 by %roll3A_1046 dim 1 : vector<8x4096xi32>, i32 -> vector<8x4096xi32>
    %select_n3A_1048 = arith.select %eq3A_249, %roll3A_1045, %roll3A_1047 : vector<8x4096xi1>, vector<8x4096xi32>
    %roll3A_1049 = arith.constant 4064 : i32
    %roll3A_1050 = tpu.dynamic_rotate %select_n3A_1048 by %roll3A_1049 dim 1 : vector<8x4096xi32>, i32 -> vector<8x4096xi32>
    %roll3A_1051 = arith.constant 32 : i32
    %roll3A_1052 = tpu.dynamic_rotate %select_n3A_1048 by %roll3A_1051 dim 1 : vector<8x4096xi32>, i32 -> vector<8x4096xi32>
    %select_n3A_1053 = arith.select %eq3A_368, %roll3A_1050, %roll3A_1052 : vector<8x4096xi1>, vector<8x4096xi32>
    %roll3A_1054 = arith.constant 4032 : i32
    %roll3A_1055 = tpu.dynamic_rotate %select_n3A_1053 by %roll3A_1054 dim 1 : vector<8x4096xi32>, i32 -> vector<8x4096xi32>
    %roll3A_1056 = arith.constant 64 : i32
    %roll3A_1057 = tpu.dynamic_rotate %select_n3A_1053 by %roll3A_1056 dim 1 : vector<8x4096xi32>, i32 -> vector<8x4096xi32>
    %select_n3A_1058 = arith.select %eq3A_510, %roll3A_1055, %roll3A_1057 : vector<8x4096xi1>, vector<8x4096xi32>
    %roll3A_1059 = arith.constant 3968 : i32
    %roll3A_1060 = tpu.dynamic_rotate %select_n3A_1058 by %roll3A_1059 dim 1 : vector<8x4096xi32>, i32 -> vector<8x4096xi32>
    %roll3A_1061 = arith.constant 128 : i32
    %roll3A_1062 = tpu.dynamic_rotate %select_n3A_1058 by %roll3A_1061 dim 1 : vector<8x4096xi32>, i32 -> vector<8x4096xi32>
    %select_n3A_1063 = arith.select %eq3A_675, %roll3A_1060, %roll3A_1062 : vector<8x4096xi1>, vector<8x4096xi32>
    %roll3A_1064 = arith.constant 3840 : i32
    %roll3A_1065 = tpu.dynamic_rotate %select_n3A_1063 by %roll3A_1064 dim 1 : vector<8x4096xi32>, i32 -> vector<8x4096xi32>
    %roll3A_1066 = arith.constant 256 : i32
    %roll3A_1067 = tpu.dynamic_rotate %select_n3A_1063 by %roll3A_1066 dim 1 : vector<8x4096xi32>, i32 -> vector<8x4096xi32>
    %select_n3A_1068 = arith.select %eq3A_863, %roll3A_1065, %roll3A_1067 : vector<8x4096xi1>, vector<8x4096xi32>
    %and3A_1069 = arith.constant 512 : i32
    %and3A_1070 = vector.broadcast %and3A_1069 : i32 to vector<8x4096xi32>
    %and3A_1071 = arith.andi %iota3A, %and3A_1070 : vector<8x4096xi32>
    %eq3A_1072 = arith.constant 0 : i32
    %eq3A_1073 = vector.broadcast %eq3A_1072 : i32 to vector<8x4096xi32>
    %eq3A_1074 = arith.cmpi eq, %and3A_1071, %eq3A_1073 : vector<8x4096xi32>
    %roll3A_1075 = arith.constant 3584 : i32
    %roll3A_1076 = tpu.dynamic_rotate %select_n3A_1068 by %roll3A_1075 dim 1 : vector<8x4096xi32>, i32 -> vector<8x4096xi32>
    %roll3A_1077 = arith.constant 512 : i32
    %roll3A_1078 = tpu.dynamic_rotate %select_n3A_1068 by %roll3A_1077 dim 1 : vector<8x4096xi32>, i32 -> vector<8x4096xi32>
    %select_n3A_1079 = arith.select %eq3A_1074, %roll3A_1076, %roll3A_1078 : vector<8x4096xi1>, vector<8x4096xi32>
    %shift_right_arithmetic3A_1080 = arith.constant 12 : i32
    %shift_right_arithmetic3A_1081 = vector.broadcast %shift_right_arithmetic3A_1080 : i32 to vector<8x4096xi32>
    %shift_right_arithmetic3A_1082 = arith.shrsi %select_n3A_1023, %shift_right_arithmetic3A_1081 : vector<8x4096xi32>
    %shift_right_arithmetic3A_1083 = arith.constant 12 : i32
    %shift_right_arithmetic3A_1084 = vector.broadcast %shift_right_arithmetic3A_1083 : i32 to vector<8x4096xi32>
    %shift_right_arithmetic3A_1085 = arith.shrsi %select_n3A_1079, %shift_right_arithmetic3A_1084 : vector<8x4096xi32>
    %lt3A_1086 = arith.cmpi slt, %shift_right_arithmetic3A_1085, %shift_right_arithmetic3A_1082 : vector<8x4096xi32>
    %select_n3A_1087 = arith.select %lt3A_1086, %select_n3A_1079, %select_n3A_1023 : vector<8x4096xi1>, vector<8x4096xi32>
    %lt3A_1088 = arith.cmpi slt, %shift_right_arithmetic3A_1082, %shift_right_arithmetic3A_1085 : vector<8x4096xi32>
    %select_n3A_1089 = arith.select %lt3A_1088, %select_n3A_1079, %select_n3A_1023 : vector<8x4096xi1>, vector<8x4096xi32>
    %select_n3A_1090 = arith.select %eq3A_1074, %select_n3A_1087, %select_n3A_1089 : vector<8x4096xi1>, vector<8x4096xi32>
    %roll3A_1091 = arith.constant 3840 : i32
    %roll3A_1092 = tpu.dynamic_rotate %select_n3A_1090 by %roll3A_1091 dim 1 : vector<8x4096xi32>, i32 -> vector<8x4096xi32>
    %roll3A_1093 = arith.constant 256 : i32
    %roll3A_1094 = tpu.dynamic_rotate %select_n3A_1090 by %roll3A_1093 dim 1 : vector<8x4096xi32>, i32 -> vector<8x4096xi32>
    %shift_right_arithmetic3A_1095 = arith.constant 12 : i32
    %shift_right_arithmetic3A_1096 = vector.broadcast %shift_right_arithmetic3A_1095 : i32 to vector<8x4096xi32>
    %shift_right_arithmetic3A_1097 = arith.shrsi %select_n3A_1090, %shift_right_arithmetic3A_1096 : vector<8x4096xi32>
    %shift_right_arithmetic3A_1098 = arith.constant 12 : i32
    %shift_right_arithmetic3A_1099 = vector.broadcast %shift_right_arithmetic3A_1098 : i32 to vector<8x4096xi32>
    %shift_right_arithmetic3A_1100 = arith.shrsi %roll3A_1092, %shift_right_arithmetic3A_1099 : vector<8x4096xi32>
    %lt3A_1101 = arith.cmpi slt, %shift_right_arithmetic3A_1100, %shift_right_arithmetic3A_1097 : vector<8x4096xi32>
    %select_n3A_1102 = arith.select %lt3A_1101, %roll3A_1092, %select_n3A_1090 : vector<8x4096xi1>, vector<8x4096xi32>
    %shift_right_arithmetic3A_1103 = arith.constant 12 : i32
    %shift_right_arithmetic3A_1104 = vector.broadcast %shift_right_arithmetic3A_1103 : i32 to vector<8x4096xi32>
    %shift_right_arithmetic3A_1105 = arith.shrsi %roll3A_1094, %shift_right_arithmetic3A_1104 : vector<8x4096xi32>
    %lt3A_1106 = arith.cmpi slt, %shift_right_arithmetic3A_1097, %shift_right_arithmetic3A_1105 : vector<8x4096xi32>
    %select_n3A_1107 = arith.select %lt3A_1106, %roll3A_1094, %select_n3A_1090 : vector<8x4096xi1>, vector<8x4096xi32>
    %select_n3A_1108 = arith.select %eq3A_863, %select_n3A_1102, %select_n3A_1107 : vector<8x4096xi1>, vector<8x4096xi32>
    %roll3A_1109 = arith.constant 3968 : i32
    %roll3A_1110 = tpu.dynamic_rotate %select_n3A_1108 by %roll3A_1109 dim 1 : vector<8x4096xi32>, i32 -> vector<8x4096xi32>
    %roll3A_1111 = arith.constant 128 : i32
    %roll3A_1112 = tpu.dynamic_rotate %select_n3A_1108 by %roll3A_1111 dim 1 : vector<8x4096xi32>, i32 -> vector<8x4096xi32>
    %shift_right_arithmetic3A_1113 = arith.constant 12 : i32
    %shift_right_arithmetic3A_1114 = vector.broadcast %shift_right_arithmetic3A_1113 : i32 to vector<8x4096xi32>
    %shift_right_arithmetic3A_1115 = arith.shrsi %select_n3A_1108, %shift_right_arithmetic3A_1114 : vector<8x4096xi32>
    %shift_right_arithmetic3A_1116 = arith.constant 12 : i32
    %shift_right_arithmetic3A_1117 = vector.broadcast %shift_right_arithmetic3A_1116 : i32 to vector<8x4096xi32>
    %shift_right_arithmetic3A_1118 = arith.shrsi %roll3A_1110, %shift_right_arithmetic3A_1117 : vector<8x4096xi32>
    %lt3A_1119 = arith.cmpi slt, %shift_right_arithmetic3A_1118, %shift_right_arithmetic3A_1115 : vector<8x4096xi32>
    %select_n3A_1120 = arith.select %lt3A_1119, %roll3A_1110, %select_n3A_1108 : vector<8x4096xi1>, vector<8x4096xi32>
    %shift_right_arithmetic3A_1121 = arith.constant 12 : i32
    %shift_right_arithmetic3A_1122 = vector.broadcast %shift_right_arithmetic3A_1121 : i32 to vector<8x4096xi32>
    %shift_right_arithmetic3A_1123 = arith.shrsi %roll3A_1112, %shift_right_arithmetic3A_1122 : vector<8x4096xi32>
    %lt3A_1124 = arith.cmpi slt, %shift_right_arithmetic3A_1115, %shift_right_arithmetic3A_1123 : vector<8x4096xi32>
    %select_n3A_1125 = arith.select %lt3A_1124, %roll3A_1112, %select_n3A_1108 : vector<8x4096xi1>, vector<8x4096xi32>
    %select_n3A_1126 = arith.select %eq3A_675, %select_n3A_1120, %select_n3A_1125 : vector<8x4096xi1>, vector<8x4096xi32>
    %roll3A_1127 = arith.constant 4032 : i32
    %roll3A_1128 = tpu.dynamic_rotate %select_n3A_1126 by %roll3A_1127 dim 1 : vector<8x4096xi32>, i32 -> vector<8x4096xi32>
    %roll3A_1129 = arith.constant 64 : i32
    %roll3A_1130 = tpu.dynamic_rotate %select_n3A_1126 by %roll3A_1129 dim 1 : vector<8x4096xi32>, i32 -> vector<8x4096xi32>
    %shift_right_arithmetic3A_1131 = arith.constant 12 : i32
    %shift_right_arithmetic3A_1132 = vector.broadcast %shift_right_arithmetic3A_1131 : i32 to vector<8x4096xi32>
    %shift_right_arithmetic3A_1133 = arith.shrsi %select_n3A_1126, %shift_right_arithmetic3A_1132 : vector<8x4096xi32>
    %shift_right_arithmetic3A_1134 = arith.constant 12 : i32
    %shift_right_arithmetic3A_1135 = vector.broadcast %shift_right_arithmetic3A_1134 : i32 to vector<8x4096xi32>
    %shift_right_arithmetic3A_1136 = arith.shrsi %roll3A_1128, %shift_right_arithmetic3A_1135 : vector<8x4096xi32>
    %lt3A_1137 = arith.cmpi slt, %shift_right_arithmetic3A_1136, %shift_right_arithmetic3A_1133 : vector<8x4096xi32>
    %select_n3A_1138 = arith.select %lt3A_1137, %roll3A_1128, %select_n3A_1126 : vector<8x4096xi1>, vector<8x4096xi32>
    %shift_right_arithmetic3A_1139 = arith.constant 12 : i32
    %shift_right_arithmetic3A_1140 = vector.broadcast %shift_right_arithmetic3A_1139 : i32 to vector<8x4096xi32>
    %shift_right_arithmetic3A_1141 = arith.shrsi %roll3A_1130, %shift_right_arithmetic3A_1140 : vector<8x4096xi32>
    %lt3A_1142 = arith.cmpi slt, %shift_right_arithmetic3A_1133, %shift_right_arithmetic3A_1141 : vector<8x4096xi32>
    %select_n3A_1143 = arith.select %lt3A_1142, %roll3A_1130, %select_n3A_1126 : vector<8x4096xi1>, vector<8x4096xi32>
    %select_n3A_1144 = arith.select %eq3A_510, %select_n3A_1138, %select_n3A_1143 : vector<8x4096xi1>, vector<8x4096xi32>
    %roll3A_1145 = arith.constant 4064 : i32
    %roll3A_1146 = tpu.dynamic_rotate %select_n3A_1144 by %roll3A_1145 dim 1 : vector<8x4096xi32>, i32 -> vector<8x4096xi32>
    %roll3A_1147 = arith.constant 32 : i32
    %roll3A_1148 = tpu.dynamic_rotate %select_n3A_1144 by %roll3A_1147 dim 1 : vector<8x4096xi32>, i32 -> vector<8x4096xi32>
    %shift_right_arithmetic3A_1149 = arith.constant 12 : i32
    %shift_right_arithmetic3A_1150 = vector.broadcast %shift_right_arithmetic3A_1149 : i32 to vector<8x4096xi32>
    %shift_right_arithmetic3A_1151 = arith.shrsi %select_n3A_1144, %shift_right_arithmetic3A_1150 : vector<8x4096xi32>
    %shift_right_arithmetic3A_1152 = arith.constant 12 : i32
    %shift_right_arithmetic3A_1153 = vector.broadcast %shift_right_arithmetic3A_1152 : i32 to vector<8x4096xi32>
    %shift_right_arithmetic3A_1154 = arith.shrsi %roll3A_1146, %shift_right_arithmetic3A_1153 : vector<8x4096xi32>
    %lt3A_1155 = arith.cmpi slt, %shift_right_arithmetic3A_1154, %shift_right_arithmetic3A_1151 : vector<8x4096xi32>
    %select_n3A_1156 = arith.select %lt3A_1155, %roll3A_1146, %select_n3A_1144 : vector<8x4096xi1>, vector<8x4096xi32>
    %shift_right_arithmetic3A_1157 = arith.constant 12 : i32
    %shift_right_arithmetic3A_1158 = vector.broadcast %shift_right_arithmetic3A_1157 : i32 to vector<8x4096xi32>
    %shift_right_arithmetic3A_1159 = arith.shrsi %roll3A_1148, %shift_right_arithmetic3A_1158 : vector<8x4096xi32>
    %lt3A_1160 = arith.cmpi slt, %shift_right_arithmetic3A_1151, %shift_right_arithmetic3A_1159 : vector<8x4096xi32>
    %select_n3A_1161 = arith.select %lt3A_1160, %roll3A_1148, %select_n3A_1144 : vector<8x4096xi1>, vector<8x4096xi32>
    %select_n3A_1162 = arith.select %eq3A_368, %select_n3A_1156, %select_n3A_1161 : vector<8x4096xi1>, vector<8x4096xi32>
    %roll3A_1163 = arith.constant 4080 : i32
    %roll3A_1164 = tpu.dynamic_rotate %select_n3A_1162 by %roll3A_1163 dim 1 : vector<8x4096xi32>, i32 -> vector<8x4096xi32>
    %roll3A_1165 = arith.constant 16 : i32
    %roll3A_1166 = tpu.dynamic_rotate %select_n3A_1162 by %roll3A_1165 dim 1 : vector<8x4096xi32>, i32 -> vector<8x4096xi32>
    %shift_right_arithmetic3A_1167 = arith.constant 12 : i32
    %shift_right_arithmetic3A_1168 = vector.broadcast %shift_right_arithmetic3A_1167 : i32 to vector<8x4096xi32>
    %shift_right_arithmetic3A_1169 = arith.shrsi %select_n3A_1162, %shift_right_arithmetic3A_1168 : vector<8x4096xi32>
    %shift_right_arithmetic3A_1170 = arith.constant 12 : i32
    %shift_right_arithmetic3A_1171 = vector.broadcast %shift_right_arithmetic3A_1170 : i32 to vector<8x4096xi32>
    %shift_right_arithmetic3A_1172 = arith.shrsi %roll3A_1164, %shift_right_arithmetic3A_1171 : vector<8x4096xi32>
    %lt3A_1173 = arith.cmpi slt, %shift_right_arithmetic3A_1172, %shift_right_arithmetic3A_1169 : vector<8x4096xi32>
    %select_n3A_1174 = arith.select %lt3A_1173, %roll3A_1164, %select_n3A_1162 : vector<8x4096xi1>, vector<8x4096xi32>
    %shift_right_arithmetic3A_1175 = arith.constant 12 : i32
    %shift_right_arithmetic3A_1176 = vector.broadcast %shift_right_arithmetic3A_1175 : i32 to vector<8x4096xi32>
    %shift_right_arithmetic3A_1177 = arith.shrsi %roll3A_1166, %shift_right_arithmetic3A_1176 : vector<8x4096xi32>
    %lt3A_1178 = arith.cmpi slt, %shift_right_arithmetic3A_1169, %shift_right_arithmetic3A_1177 : vector<8x4096xi32>
    %select_n3A_1179 = arith.select %lt3A_1178, %roll3A_1166, %select_n3A_1162 : vector<8x4096xi1>, vector<8x4096xi32>
    %select_n3A_1180 = arith.select %eq3A_249, %select_n3A_1174, %select_n3A_1179 : vector<8x4096xi1>, vector<8x4096xi32>
    %roll3A_1181 = arith.constant 4088 : i32
    %roll3A_1182 = tpu.dynamic_rotate %select_n3A_1180 by %roll3A_1181 dim 1 : vector<8x4096xi32>, i32 -> vector<8x4096xi32>
    %roll3A_1183 = arith.constant 8 : i32
    %roll3A_1184 = tpu.dynamic_rotate %select_n3A_1180 by %roll3A_1183 dim 1 : vector<8x4096xi32>, i32 -> vector<8x4096xi32>
    %shift_right_arithmetic3A_1185 = arith.constant 12 : i32
    %shift_right_arithmetic3A_1186 = vector.broadcast %shift_right_arithmetic3A_1185 : i32 to vector<8x4096xi32>
    %shift_right_arithmetic3A_1187 = arith.shrsi %select_n3A_1180, %shift_right_arithmetic3A_1186 : vector<8x4096xi32>
    %shift_right_arithmetic3A_1188 = arith.constant 12 : i32
    %shift_right_arithmetic3A_1189 = vector.broadcast %shift_right_arithmetic3A_1188 : i32 to vector<8x4096xi32>
    %shift_right_arithmetic3A_1190 = arith.shrsi %roll3A_1182, %shift_right_arithmetic3A_1189 : vector<8x4096xi32>
    %lt3A_1191 = arith.cmpi slt, %shift_right_arithmetic3A_1190, %shift_right_arithmetic3A_1187 : vector<8x4096xi32>
    %select_n3A_1192 = arith.select %lt3A_1191, %roll3A_1182, %select_n3A_1180 : vector<8x4096xi1>, vector<8x4096xi32>
    %shift_right_arithmetic3A_1193 = arith.constant 12 : i32
    %shift_right_arithmetic3A_1194 = vector.broadcast %shift_right_arithmetic3A_1193 : i32 to vector<8x4096xi32>
    %shift_right_arithmetic3A_1195 = arith.shrsi %roll3A_1184, %shift_right_arithmetic3A_1194 : vector<8x4096xi32>
    %lt3A_1196 = arith.cmpi slt, %shift_right_arithmetic3A_1187, %shift_right_arithmetic3A_1195 : vector<8x4096xi32>
    %select_n3A_1197 = arith.select %lt3A_1196, %roll3A_1184, %select_n3A_1180 : vector<8x4096xi1>, vector<8x4096xi32>
    %select_n3A_1198 = arith.select %eq3A_153, %select_n3A_1192, %select_n3A_1197 : vector<8x4096xi1>, vector<8x4096xi32>
    %roll3A_1199 = arith.constant 4092 : i32
    %roll3A_1200 = tpu.dynamic_rotate %select_n3A_1198 by %roll3A_1199 dim 1 : vector<8x4096xi32>, i32 -> vector<8x4096xi32>
    %roll3A_1201 = arith.constant 4 : i32
    %roll3A_1202 = tpu.dynamic_rotate %select_n3A_1198 by %roll3A_1201 dim 1 : vector<8x4096xi32>, i32 -> vector<8x4096xi32>
    %shift_right_arithmetic3A_1203 = arith.constant 12 : i32
    %shift_right_arithmetic3A_1204 = vector.broadcast %shift_right_arithmetic3A_1203 : i32 to vector<8x4096xi32>
    %shift_right_arithmetic3A_1205 = arith.shrsi %select_n3A_1198, %shift_right_arithmetic3A_1204 : vector<8x4096xi32>
    %shift_right_arithmetic3A_1206 = arith.constant 12 : i32
    %shift_right_arithmetic3A_1207 = vector.broadcast %shift_right_arithmetic3A_1206 : i32 to vector<8x4096xi32>
    %shift_right_arithmetic3A_1208 = arith.shrsi %roll3A_1200, %shift_right_arithmetic3A_1207 : vector<8x4096xi32>
    %lt3A_1209 = arith.cmpi slt, %shift_right_arithmetic3A_1208, %shift_right_arithmetic3A_1205 : vector<8x4096xi32>
    %select_n3A_1210 = arith.select %lt3A_1209, %roll3A_1200, %select_n3A_1198 : vector<8x4096xi1>, vector<8x4096xi32>
    %shift_right_arithmetic3A_1211 = arith.constant 12 : i32
    %shift_right_arithmetic3A_1212 = vector.broadcast %shift_right_arithmetic3A_1211 : i32 to vector<8x4096xi32>
    %shift_right_arithmetic3A_1213 = arith.shrsi %roll3A_1202, %shift_right_arithmetic3A_1212 : vector<8x4096xi32>
    %lt3A_1214 = arith.cmpi slt, %shift_right_arithmetic3A_1205, %shift_right_arithmetic3A_1213 : vector<8x4096xi32>
    %select_n3A_1215 = arith.select %lt3A_1214, %roll3A_1202, %select_n3A_1198 : vector<8x4096xi1>, vector<8x4096xi32>
    %select_n3A_1216 = arith.select %eq3A_80, %select_n3A_1210, %select_n3A_1215 : vector<8x4096xi1>, vector<8x4096xi32>
    %roll3A_1217 = arith.constant 4094 : i32
    %roll3A_1218 = tpu.dynamic_rotate %select_n3A_1216 by %roll3A_1217 dim 1 : vector<8x4096xi32>, i32 -> vector<8x4096xi32>
    %roll3A_1219 = arith.constant 2 : i32
    %roll3A_1220 = tpu.dynamic_rotate %select_n3A_1216 by %roll3A_1219 dim 1 : vector<8x4096xi32>, i32 -> vector<8x4096xi32>
    %shift_right_arithmetic3A_1221 = arith.constant 12 : i32
    %shift_right_arithmetic3A_1222 = vector.broadcast %shift_right_arithmetic3A_1221 : i32 to vector<8x4096xi32>
    %shift_right_arithmetic3A_1223 = arith.shrsi %select_n3A_1216, %shift_right_arithmetic3A_1222 : vector<8x4096xi32>
    %shift_right_arithmetic3A_1224 = arith.constant 12 : i32
    %shift_right_arithmetic3A_1225 = vector.broadcast %shift_right_arithmetic3A_1224 : i32 to vector<8x4096xi32>
    %shift_right_arithmetic3A_1226 = arith.shrsi %roll3A_1218, %shift_right_arithmetic3A_1225 : vector<8x4096xi32>
    %lt3A_1227 = arith.cmpi slt, %shift_right_arithmetic3A_1226, %shift_right_arithmetic3A_1223 : vector<8x4096xi32>
    %select_n3A_1228 = arith.select %lt3A_1227, %roll3A_1218, %select_n3A_1216 : vector<8x4096xi1>, vector<8x4096xi32>
    %shift_right_arithmetic3A_1229 = arith.constant 12 : i32
    %shift_right_arithmetic3A_1230 = vector.broadcast %shift_right_arithmetic3A_1229 : i32 to vector<8x4096xi32>
    %shift_right_arithmetic3A_1231 = arith.shrsi %roll3A_1220, %shift_right_arithmetic3A_1230 : vector<8x4096xi32>
    %lt3A_1232 = arith.cmpi slt, %shift_right_arithmetic3A_1223, %shift_right_arithmetic3A_1231 : vector<8x4096xi32>
    %select_n3A_1233 = arith.select %lt3A_1232, %roll3A_1220, %select_n3A_1216 : vector<8x4096xi1>, vector<8x4096xi32>
    %select_n3A_1234 = arith.select %eq3A_30, %select_n3A_1228, %select_n3A_1233 : vector<8x4096xi1>, vector<8x4096xi32>
    %roll3A_1235 = arith.constant 4095 : i32
    %roll3A_1236 = tpu.dynamic_rotate %select_n3A_1234 by %roll3A_1235 dim 1 : vector<8x4096xi32>, i32 -> vector<8x4096xi32>
    %roll3A_1237 = arith.constant 1 : i32
    %roll3A_1238 = tpu.dynamic_rotate %select_n3A_1234 by %roll3A_1237 dim 1 : vector<8x4096xi32>, i32 -> vector<8x4096xi32>
    %shift_right_arithmetic3A_1239 = arith.constant 12 : i32
    %shift_right_arithmetic3A_1240 = vector.broadcast %shift_right_arithmetic3A_1239 : i32 to vector<8x4096xi32>
    %shift_right_arithmetic3A_1241 = arith.shrsi %select_n3A_1234, %shift_right_arithmetic3A_1240 : vector<8x4096xi32>
    %shift_right_arithmetic3A_1242 = arith.constant 12 : i32
    %shift_right_arithmetic3A_1243 = vector.broadcast %shift_right_arithmetic3A_1242 : i32 to vector<8x4096xi32>
    %shift_right_arithmetic3A_1244 = arith.shrsi %roll3A_1236, %shift_right_arithmetic3A_1243 : vector<8x4096xi32>
    %lt3A_1245 = arith.cmpi slt, %shift_right_arithmetic3A_1244, %shift_right_arithmetic3A_1241 : vector<8x4096xi32>
    %select_n3A_1246 = arith.select %lt3A_1245, %roll3A_1236, %select_n3A_1234 : vector<8x4096xi1>, vector<8x4096xi32>
    %shift_right_arithmetic3A_1247 = arith.constant 12 : i32
    %shift_right_arithmetic3A_1248 = vector.broadcast %shift_right_arithmetic3A_1247 : i32 to vector<8x4096xi32>
    %shift_right_arithmetic3A_1249 = arith.shrsi %roll3A_1238, %shift_right_arithmetic3A_1248 : vector<8x4096xi32>
    %lt3A_1250 = arith.cmpi slt, %shift_right_arithmetic3A_1241, %shift_right_arithmetic3A_1249 : vector<8x4096xi32>
    %select_n3A_1251 = arith.select %lt3A_1250, %roll3A_1238, %select_n3A_1234 : vector<8x4096xi1>, vector<8x4096xi32>
    %select_n3A_1252 = arith.select %eq3A_7, %select_n3A_1246, %select_n3A_1251 : vector<8x4096xi1>, vector<8x4096xi32>
    %roll3A_1253 = arith.constant 4095 : i32
    %roll3A_1254 = tpu.dynamic_rotate %select_n3A_1252 by %roll3A_1253 dim 1 : vector<8x4096xi32>, i32 -> vector<8x4096xi32>
    %roll3A_1255 = arith.constant 1 : i32
    %roll3A_1256 = tpu.dynamic_rotate %select_n3A_1252 by %roll3A_1255 dim 1 : vector<8x4096xi32>, i32 -> vector<8x4096xi32>
    %select_n3A_1257 = arith.select %eq3A_7, %roll3A_1254, %roll3A_1256 : vector<8x4096xi1>, vector<8x4096xi32>
    %roll3A_1258 = arith.constant 4094 : i32
    %roll3A_1259 = tpu.dynamic_rotate %select_n3A_1257 by %roll3A_1258 dim 1 : vector<8x4096xi32>, i32 -> vector<8x4096xi32>
    %roll3A_1260 = arith.constant 2 : i32
    %roll3A_1261 = tpu.dynamic_rotate %select_n3A_1257 by %roll3A_1260 dim 1 : vector<8x4096xi32>, i32 -> vector<8x4096xi32>
    %select_n3A_1262 = arith.select %eq3A_30, %roll3A_1259, %roll3A_1261 : vector<8x4096xi1>, vector<8x4096xi32>
    %roll3A_1263 = arith.constant 4092 : i32
    %roll3A_1264 = tpu.dynamic_rotate %select_n3A_1262 by %roll3A_1263 dim 1 : vector<8x4096xi32>, i32 -> vector<8x4096xi32>
    %roll3A_1265 = arith.constant 4 : i32
    %roll3A_1266 = tpu.dynamic_rotate %select_n3A_1262 by %roll3A_1265 dim 1 : vector<8x4096xi32>, i32 -> vector<8x4096xi32>
    %select_n3A_1267 = arith.select %eq3A_80, %roll3A_1264, %roll3A_1266 : vector<8x4096xi1>, vector<8x4096xi32>
    %roll3A_1268 = arith.constant 4088 : i32
    %roll3A_1269 = tpu.dynamic_rotate %select_n3A_1267 by %roll3A_1268 dim 1 : vector<8x4096xi32>, i32 -> vector<8x4096xi32>
    %roll3A_1270 = arith.constant 8 : i32
    %roll3A_1271 = tpu.dynamic_rotate %select_n3A_1267 by %roll3A_1270 dim 1 : vector<8x4096xi32>, i32 -> vector<8x4096xi32>
    %select_n3A_1272 = arith.select %eq3A_153, %roll3A_1269, %roll3A_1271 : vector<8x4096xi1>, vector<8x4096xi32>
    %roll3A_1273 = arith.constant 4080 : i32
    %roll3A_1274 = tpu.dynamic_rotate %select_n3A_1272 by %roll3A_1273 dim 1 : vector<8x4096xi32>, i32 -> vector<8x4096xi32>
    %roll3A_1275 = arith.constant 16 : i32
    %roll3A_1276 = tpu.dynamic_rotate %select_n3A_1272 by %roll3A_1275 dim 1 : vector<8x4096xi32>, i32 -> vector<8x4096xi32>
    %select_n3A_1277 = arith.select %eq3A_249, %roll3A_1274, %roll3A_1276 : vector<8x4096xi1>, vector<8x4096xi32>
    %roll3A_1278 = arith.constant 4064 : i32
    %roll3A_1279 = tpu.dynamic_rotate %select_n3A_1277 by %roll3A_1278 dim 1 : vector<8x4096xi32>, i32 -> vector<8x4096xi32>
    %roll3A_1280 = arith.constant 32 : i32
    %roll3A_1281 = tpu.dynamic_rotate %select_n3A_1277 by %roll3A_1280 dim 1 : vector<8x4096xi32>, i32 -> vector<8x4096xi32>
    %select_n3A_1282 = arith.select %eq3A_368, %roll3A_1279, %roll3A_1281 : vector<8x4096xi1>, vector<8x4096xi32>
    %roll3A_1283 = arith.constant 4032 : i32
    %roll3A_1284 = tpu.dynamic_rotate %select_n3A_1282 by %roll3A_1283 dim 1 : vector<8x4096xi32>, i32 -> vector<8x4096xi32>
    %roll3A_1285 = arith.constant 64 : i32
    %roll3A_1286 = tpu.dynamic_rotate %select_n3A_1282 by %roll3A_1285 dim 1 : vector<8x4096xi32>, i32 -> vector<8x4096xi32>
    %select_n3A_1287 = arith.select %eq3A_510, %roll3A_1284, %roll3A_1286 : vector<8x4096xi1>, vector<8x4096xi32>
    %roll3A_1288 = arith.constant 3968 : i32
    %roll3A_1289 = tpu.dynamic_rotate %select_n3A_1287 by %roll3A_1288 dim 1 : vector<8x4096xi32>, i32 -> vector<8x4096xi32>
    %roll3A_1290 = arith.constant 128 : i32
    %roll3A_1291 = tpu.dynamic_rotate %select_n3A_1287 by %roll3A_1290 dim 1 : vector<8x4096xi32>, i32 -> vector<8x4096xi32>
    %select_n3A_1292 = arith.select %eq3A_675, %roll3A_1289, %roll3A_1291 : vector<8x4096xi1>, vector<8x4096xi32>
    %roll3A_1293 = arith.constant 3840 : i32
    %roll3A_1294 = tpu.dynamic_rotate %select_n3A_1292 by %roll3A_1293 dim 1 : vector<8x4096xi32>, i32 -> vector<8x4096xi32>
    %roll3A_1295 = arith.constant 256 : i32
    %roll3A_1296 = tpu.dynamic_rotate %select_n3A_1292 by %roll3A_1295 dim 1 : vector<8x4096xi32>, i32 -> vector<8x4096xi32>
    %select_n3A_1297 = arith.select %eq3A_863, %roll3A_1294, %roll3A_1296 : vector<8x4096xi1>, vector<8x4096xi32>
    %roll3A_1298 = arith.constant 3584 : i32
    %roll3A_1299 = tpu.dynamic_rotate %select_n3A_1297 by %roll3A_1298 dim 1 : vector<8x4096xi32>, i32 -> vector<8x4096xi32>
    %roll3A_1300 = arith.constant 512 : i32
    %roll3A_1301 = tpu.dynamic_rotate %select_n3A_1297 by %roll3A_1300 dim 1 : vector<8x4096xi32>, i32 -> vector<8x4096xi32>
    %select_n3A_1302 = arith.select %eq3A_1074, %roll3A_1299, %roll3A_1301 : vector<8x4096xi1>, vector<8x4096xi32>
    %and3A_1303 = arith.constant 1024 : i32
    %and3A_1304 = vector.broadcast %and3A_1303 : i32 to vector<8x4096xi32>
    %and3A_1305 = arith.andi %iota3A, %and3A_1304 : vector<8x4096xi32>
    %eq3A_1306 = arith.constant 0 : i32
    %eq3A_1307 = vector.broadcast %eq3A_1306 : i32 to vector<8x4096xi32>
    %eq3A_1308 = arith.cmpi eq, %and3A_1305, %eq3A_1307 : vector<8x4096xi32>
    %roll3A_1309 = arith.constant 3072 : i32
    %roll3A_1310 = tpu.dynamic_rotate %select_n3A_1302 by %roll3A_1309 dim 1 : vector<8x4096xi32>, i32 -> vector<8x4096xi32>
    %roll3A_1311 = arith.constant 1024 : i32
    %roll3A_1312 = tpu.dynamic_rotate %select_n3A_1302 by %roll3A_1311 dim 1 : vector<8x4096xi32>, i32 -> vector<8x4096xi32>
    %select_n3A_1313 = arith.select %eq3A_1308, %roll3A_1310, %roll3A_1312 : vector<8x4096xi1>, vector<8x4096xi32>
    %shift_right_arithmetic3A_1314 = arith.constant 12 : i32
    %shift_right_arithmetic3A_1315 = vector.broadcast %shift_right_arithmetic3A_1314 : i32 to vector<8x4096xi32>
    %shift_right_arithmetic3A_1316 = arith.shrsi %select_n3A_1252, %shift_right_arithmetic3A_1315 : vector<8x4096xi32>
    %shift_right_arithmetic3A_1317 = arith.constant 12 : i32
    %shift_right_arithmetic3A_1318 = vector.broadcast %shift_right_arithmetic3A_1317 : i32 to vector<8x4096xi32>
    %shift_right_arithmetic3A_1319 = arith.shrsi %select_n3A_1313, %shift_right_arithmetic3A_1318 : vector<8x4096xi32>
    %lt3A_1320 = arith.cmpi slt, %shift_right_arithmetic3A_1319, %shift_right_arithmetic3A_1316 : vector<8x4096xi32>
    %select_n3A_1321 = arith.select %lt3A_1320, %select_n3A_1313, %select_n3A_1252 : vector<8x4096xi1>, vector<8x4096xi32>
    %lt3A_1322 = arith.cmpi slt, %shift_right_arithmetic3A_1316, %shift_right_arithmetic3A_1319 : vector<8x4096xi32>
    %select_n3A_1323 = arith.select %lt3A_1322, %select_n3A_1313, %select_n3A_1252 : vector<8x4096xi1>, vector<8x4096xi32>
    %select_n3A_1324 = arith.select %eq3A_1308, %select_n3A_1321, %select_n3A_1323 : vector<8x4096xi1>, vector<8x4096xi32>
    %roll3A_1325 = arith.constant 3584 : i32
    %roll3A_1326 = tpu.dynamic_rotate %select_n3A_1324 by %roll3A_1325 dim 1 : vector<8x4096xi32>, i32 -> vector<8x4096xi32>
    %roll3A_1327 = arith.constant 512 : i32
    %roll3A_1328 = tpu.dynamic_rotate %select_n3A_1324 by %roll3A_1327 dim 1 : vector<8x4096xi32>, i32 -> vector<8x4096xi32>
    %shift_right_arithmetic3A_1329 = arith.constant 12 : i32
    %shift_right_arithmetic3A_1330 = vector.broadcast %shift_right_arithmetic3A_1329 : i32 to vector<8x4096xi32>
    %shift_right_arithmetic3A_1331 = arith.shrsi %select_n3A_1324, %shift_right_arithmetic3A_1330 : vector<8x4096xi32>
    %shift_right_arithmetic3A_1332 = arith.constant 12 : i32
    %shift_right_arithmetic3A_1333 = vector.broadcast %shift_right_arithmetic3A_1332 : i32 to vector<8x4096xi32>
    %shift_right_arithmetic3A_1334 = arith.shrsi %roll3A_1326, %shift_right_arithmetic3A_1333 : vector<8x4096xi32>
    %lt3A_1335 = arith.cmpi slt, %shift_right_arithmetic3A_1334, %shift_right_arithmetic3A_1331 : vector<8x4096xi32>
    %select_n3A_1336 = arith.select %lt3A_1335, %roll3A_1326, %select_n3A_1324 : vector<8x4096xi1>, vector<8x4096xi32>
    %shift_right_arithmetic3A_1337 = arith.constant 12 : i32
    %shift_right_arithmetic3A_1338 = vector.broadcast %shift_right_arithmetic3A_1337 : i32 to vector<8x4096xi32>
    %shift_right_arithmetic3A_1339 = arith.shrsi %roll3A_1328, %shift_right_arithmetic3A_1338 : vector<8x4096xi32>
    %lt3A_1340 = arith.cmpi slt, %shift_right_arithmetic3A_1331, %shift_right_arithmetic3A_1339 : vector<8x4096xi32>
    %select_n3A_1341 = arith.select %lt3A_1340, %roll3A_1328, %select_n3A_1324 : vector<8x4096xi1>, vector<8x4096xi32>
    %select_n3A_1342 = arith.select %eq3A_1074, %select_n3A_1336, %select_n3A_1341 : vector<8x4096xi1>, vector<8x4096xi32>
    %roll3A_1343 = arith.constant 3840 : i32
    %roll3A_1344 = tpu.dynamic_rotate %select_n3A_1342 by %roll3A_1343 dim 1 : vector<8x4096xi32>, i32 -> vector<8x4096xi32>
    %roll3A_1345 = arith.constant 256 : i32
    %roll3A_1346 = tpu.dynamic_rotate %select_n3A_1342 by %roll3A_1345 dim 1 : vector<8x4096xi32>, i32 -> vector<8x4096xi32>
    %shift_right_arithmetic3A_1347 = arith.constant 12 : i32
    %shift_right_arithmetic3A_1348 = vector.broadcast %shift_right_arithmetic3A_1347 : i32 to vector<8x4096xi32>
    %shift_right_arithmetic3A_1349 = arith.shrsi %select_n3A_1342, %shift_right_arithmetic3A_1348 : vector<8x4096xi32>
    %shift_right_arithmetic3A_1350 = arith.constant 12 : i32
    %shift_right_arithmetic3A_1351 = vector.broadcast %shift_right_arithmetic3A_1350 : i32 to vector<8x4096xi32>
    %shift_right_arithmetic3A_1352 = arith.shrsi %roll3A_1344, %shift_right_arithmetic3A_1351 : vector<8x4096xi32>
    %lt3A_1353 = arith.cmpi slt, %shift_right_arithmetic3A_1352, %shift_right_arithmetic3A_1349 : vector<8x4096xi32>
    %select_n3A_1354 = arith.select %lt3A_1353, %roll3A_1344, %select_n3A_1342 : vector<8x4096xi1>, vector<8x4096xi32>
    %shift_right_arithmetic3A_1355 = arith.constant 12 : i32
    %shift_right_arithmetic3A_1356 = vector.broadcast %shift_right_arithmetic3A_1355 : i32 to vector<8x4096xi32>
    %shift_right_arithmetic3A_1357 = arith.shrsi %roll3A_1346, %shift_right_arithmetic3A_1356 : vector<8x4096xi32>
    %lt3A_1358 = arith.cmpi slt, %shift_right_arithmetic3A_1349, %shift_right_arithmetic3A_1357 : vector<8x4096xi32>
    %select_n3A_1359 = arith.select %lt3A_1358, %roll3A_1346, %select_n3A_1342 : vector<8x4096xi1>, vector<8x4096xi32>
    %select_n3A_1360 = arith.select %eq3A_863, %select_n3A_1354, %select_n3A_1359 : vector<8x4096xi1>, vector<8x4096xi32>
    %roll3A_1361 = arith.constant 3968 : i32
    %roll3A_1362 = tpu.dynamic_rotate %select_n3A_1360 by %roll3A_1361 dim 1 : vector<8x4096xi32>, i32 -> vector<8x4096xi32>
    %roll3A_1363 = arith.constant 128 : i32
    %roll3A_1364 = tpu.dynamic_rotate %select_n3A_1360 by %roll3A_1363 dim 1 : vector<8x4096xi32>, i32 -> vector<8x4096xi32>
    %shift_right_arithmetic3A_1365 = arith.constant 12 : i32
    %shift_right_arithmetic3A_1366 = vector.broadcast %shift_right_arithmetic3A_1365 : i32 to vector<8x4096xi32>
    %shift_right_arithmetic3A_1367 = arith.shrsi %select_n3A_1360, %shift_right_arithmetic3A_1366 : vector<8x4096xi32>
    %shift_right_arithmetic3A_1368 = arith.constant 12 : i32
    %shift_right_arithmetic3A_1369 = vector.broadcast %shift_right_arithmetic3A_1368 : i32 to vector<8x4096xi32>
    %shift_right_arithmetic3A_1370 = arith.shrsi %roll3A_1362, %shift_right_arithmetic3A_1369 : vector<8x4096xi32>
    %lt3A_1371 = arith.cmpi slt, %shift_right_arithmetic3A_1370, %shift_right_arithmetic3A_1367 : vector<8x4096xi32>
    %select_n3A_1372 = arith.select %lt3A_1371, %roll3A_1362, %select_n3A_1360 : vector<8x4096xi1>, vector<8x4096xi32>
    %shift_right_arithmetic3A_1373 = arith.constant 12 : i32
    %shift_right_arithmetic3A_1374 = vector.broadcast %shift_right_arithmetic3A_1373 : i32 to vector<8x4096xi32>
    %shift_right_arithmetic3A_1375 = arith.shrsi %roll3A_1364, %shift_right_arithmetic3A_1374 : vector<8x4096xi32>
    %lt3A_1376 = arith.cmpi slt, %shift_right_arithmetic3A_1367, %shift_right_arithmetic3A_1375 : vector<8x4096xi32>
    %select_n3A_1377 = arith.select %lt3A_1376, %roll3A_1364, %select_n3A_1360 : vector<8x4096xi1>, vector<8x4096xi32>
    %select_n3A_1378 = arith.select %eq3A_675, %select_n3A_1372, %select_n3A_1377 : vector<8x4096xi1>, vector<8x4096xi32>
    %roll3A_1379 = arith.constant 4032 : i32
    %roll3A_1380 = tpu.dynamic_rotate %select_n3A_1378 by %roll3A_1379 dim 1 : vector<8x4096xi32>, i32 -> vector<8x4096xi32>
    %roll3A_1381 = arith.constant 64 : i32
    %roll3A_1382 = tpu.dynamic_rotate %select_n3A_1378 by %roll3A_1381 dim 1 : vector<8x4096xi32>, i32 -> vector<8x4096xi32>
    %shift_right_arithmetic3A_1383 = arith.constant 12 : i32
    %shift_right_arithmetic3A_1384 = vector.broadcast %shift_right_arithmetic3A_1383 : i32 to vector<8x4096xi32>
    %shift_right_arithmetic3A_1385 = arith.shrsi %select_n3A_1378, %shift_right_arithmetic3A_1384 : vector<8x4096xi32>
    %shift_right_arithmetic3A_1386 = arith.constant 12 : i32
    %shift_right_arithmetic3A_1387 = vector.broadcast %shift_right_arithmetic3A_1386 : i32 to vector<8x4096xi32>
    %shift_right_arithmetic3A_1388 = arith.shrsi %roll3A_1380, %shift_right_arithmetic3A_1387 : vector<8x4096xi32>
    %lt3A_1389 = arith.cmpi slt, %shift_right_arithmetic3A_1388, %shift_right_arithmetic3A_1385 : vector<8x4096xi32>
    %select_n3A_1390 = arith.select %lt3A_1389, %roll3A_1380, %select_n3A_1378 : vector<8x4096xi1>, vector<8x4096xi32>
    %shift_right_arithmetic3A_1391 = arith.constant 12 : i32
    %shift_right_arithmetic3A_1392 = vector.broadcast %shift_right_arithmetic3A_1391 : i32 to vector<8x4096xi32>
    %shift_right_arithmetic3A_1393 = arith.shrsi %roll3A_1382, %shift_right_arithmetic3A_1392 : vector<8x4096xi32>
    %lt3A_1394 = arith.cmpi slt, %shift_right_arithmetic3A_1385, %shift_right_arithmetic3A_1393 : vector<8x4096xi32>
    %select_n3A_1395 = arith.select %lt3A_1394, %roll3A_1382, %select_n3A_1378 : vector<8x4096xi1>, vector<8x4096xi32>
    %select_n3A_1396 = arith.select %eq3A_510, %select_n3A_1390, %select_n3A_1395 : vector<8x4096xi1>, vector<8x4096xi32>
    %roll3A_1397 = arith.constant 4064 : i32
    %roll3A_1398 = tpu.dynamic_rotate %select_n3A_1396 by %roll3A_1397 dim 1 : vector<8x4096xi32>, i32 -> vector<8x4096xi32>
    %roll3A_1399 = arith.constant 32 : i32
    %roll3A_1400 = tpu.dynamic_rotate %select_n3A_1396 by %roll3A_1399 dim 1 : vector<8x4096xi32>, i32 -> vector<8x4096xi32>
    %shift_right_arithmetic3A_1401 = arith.constant 12 : i32
    %shift_right_arithmetic3A_1402 = vector.broadcast %shift_right_arithmetic3A_1401 : i32 to vector<8x4096xi32>
    %shift_right_arithmetic3A_1403 = arith.shrsi %select_n3A_1396, %shift_right_arithmetic3A_1402 : vector<8x4096xi32>
    %shift_right_arithmetic3A_1404 = arith.constant 12 : i32
    %shift_right_arithmetic3A_1405 = vector.broadcast %shift_right_arithmetic3A_1404 : i32 to vector<8x4096xi32>
    %shift_right_arithmetic3A_1406 = arith.shrsi %roll3A_1398, %shift_right_arithmetic3A_1405 : vector<8x4096xi32>
    %lt3A_1407 = arith.cmpi slt, %shift_right_arithmetic3A_1406, %shift_right_arithmetic3A_1403 : vector<8x4096xi32>
    %select_n3A_1408 = arith.select %lt3A_1407, %roll3A_1398, %select_n3A_1396 : vector<8x4096xi1>, vector<8x4096xi32>
    %shift_right_arithmetic3A_1409 = arith.constant 12 : i32
    %shift_right_arithmetic3A_1410 = vector.broadcast %shift_right_arithmetic3A_1409 : i32 to vector<8x4096xi32>
    %shift_right_arithmetic3A_1411 = arith.shrsi %roll3A_1400, %shift_right_arithmetic3A_1410 : vector<8x4096xi32>
    %lt3A_1412 = arith.cmpi slt, %shift_right_arithmetic3A_1403, %shift_right_arithmetic3A_1411 : vector<8x4096xi32>
    %select_n3A_1413 = arith.select %lt3A_1412, %roll3A_1400, %select_n3A_1396 : vector<8x4096xi1>, vector<8x4096xi32>
    %select_n3A_1414 = arith.select %eq3A_368, %select_n3A_1408, %select_n3A_1413 : vector<8x4096xi1>, vector<8x4096xi32>
    %roll3A_1415 = arith.constant 4080 : i32
    %roll3A_1416 = tpu.dynamic_rotate %select_n3A_1414 by %roll3A_1415 dim 1 : vector<8x4096xi32>, i32 -> vector<8x4096xi32>
    %roll3A_1417 = arith.constant 16 : i32
    %roll3A_1418 = tpu.dynamic_rotate %select_n3A_1414 by %roll3A_1417 dim 1 : vector<8x4096xi32>, i32 -> vector<8x4096xi32>
    %shift_right_arithmetic3A_1419 = arith.constant 12 : i32
    %shift_right_arithmetic3A_1420 = vector.broadcast %shift_right_arithmetic3A_1419 : i32 to vector<8x4096xi32>
    %shift_right_arithmetic3A_1421 = arith.shrsi %select_n3A_1414, %shift_right_arithmetic3A_1420 : vector<8x4096xi32>
    %shift_right_arithmetic3A_1422 = arith.constant 12 : i32
    %shift_right_arithmetic3A_1423 = vector.broadcast %shift_right_arithmetic3A_1422 : i32 to vector<8x4096xi32>
    %shift_right_arithmetic3A_1424 = arith.shrsi %roll3A_1416, %shift_right_arithmetic3A_1423 : vector<8x4096xi32>
    %lt3A_1425 = arith.cmpi slt, %shift_right_arithmetic3A_1424, %shift_right_arithmetic3A_1421 : vector<8x4096xi32>
    %select_n3A_1426 = arith.select %lt3A_1425, %roll3A_1416, %select_n3A_1414 : vector<8x4096xi1>, vector<8x4096xi32>
    %shift_right_arithmetic3A_1427 = arith.constant 12 : i32
    %shift_right_arithmetic3A_1428 = vector.broadcast %shift_right_arithmetic3A_1427 : i32 to vector<8x4096xi32>
    %shift_right_arithmetic3A_1429 = arith.shrsi %roll3A_1418, %shift_right_arithmetic3A_1428 : vector<8x4096xi32>
    %lt3A_1430 = arith.cmpi slt, %shift_right_arithmetic3A_1421, %shift_right_arithmetic3A_1429 : vector<8x4096xi32>
    %select_n3A_1431 = arith.select %lt3A_1430, %roll3A_1418, %select_n3A_1414 : vector<8x4096xi1>, vector<8x4096xi32>
    %select_n3A_1432 = arith.select %eq3A_249, %select_n3A_1426, %select_n3A_1431 : vector<8x4096xi1>, vector<8x4096xi32>
    %roll3A_1433 = arith.constant 4088 : i32
    %roll3A_1434 = tpu.dynamic_rotate %select_n3A_1432 by %roll3A_1433 dim 1 : vector<8x4096xi32>, i32 -> vector<8x4096xi32>
    %roll3A_1435 = arith.constant 8 : i32
    %roll3A_1436 = tpu.dynamic_rotate %select_n3A_1432 by %roll3A_1435 dim 1 : vector<8x4096xi32>, i32 -> vector<8x4096xi32>
    %shift_right_arithmetic3A_1437 = arith.constant 12 : i32
    %shift_right_arithmetic3A_1438 = vector.broadcast %shift_right_arithmetic3A_1437 : i32 to vector<8x4096xi32>
    %shift_right_arithmetic3A_1439 = arith.shrsi %select_n3A_1432, %shift_right_arithmetic3A_1438 : vector<8x4096xi32>
    %shift_right_arithmetic3A_1440 = arith.constant 12 : i32
    %shift_right_arithmetic3A_1441 = vector.broadcast %shift_right_arithmetic3A_1440 : i32 to vector<8x4096xi32>
    %shift_right_arithmetic3A_1442 = arith.shrsi %roll3A_1434, %shift_right_arithmetic3A_1441 : vector<8x4096xi32>
    %lt3A_1443 = arith.cmpi slt, %shift_right_arithmetic3A_1442, %shift_right_arithmetic3A_1439 : vector<8x4096xi32>
    %select_n3A_1444 = arith.select %lt3A_1443, %roll3A_1434, %select_n3A_1432 : vector<8x4096xi1>, vector<8x4096xi32>
    %shift_right_arithmetic3A_1445 = arith.constant 12 : i32
    %shift_right_arithmetic3A_1446 = vector.broadcast %shift_right_arithmetic3A_1445 : i32 to vector<8x4096xi32>
    %shift_right_arithmetic3A_1447 = arith.shrsi %roll3A_1436, %shift_right_arithmetic3A_1446 : vector<8x4096xi32>
    %lt3A_1448 = arith.cmpi slt, %shift_right_arithmetic3A_1439, %shift_right_arithmetic3A_1447 : vector<8x4096xi32>
    %select_n3A_1449 = arith.select %lt3A_1448, %roll3A_1436, %select_n3A_1432 : vector<8x4096xi1>, vector<8x4096xi32>
    %select_n3A_1450 = arith.select %eq3A_153, %select_n3A_1444, %select_n3A_1449 : vector<8x4096xi1>, vector<8x4096xi32>
    %roll3A_1451 = arith.constant 4092 : i32
    %roll3A_1452 = tpu.dynamic_rotate %select_n3A_1450 by %roll3A_1451 dim 1 : vector<8x4096xi32>, i32 -> vector<8x4096xi32>
    %roll3A_1453 = arith.constant 4 : i32
    %roll3A_1454 = tpu.dynamic_rotate %select_n3A_1450 by %roll3A_1453 dim 1 : vector<8x4096xi32>, i32 -> vector<8x4096xi32>
    %shift_right_arithmetic3A_1455 = arith.constant 12 : i32
    %shift_right_arithmetic3A_1456 = vector.broadcast %shift_right_arithmetic3A_1455 : i32 to vector<8x4096xi32>
    %shift_right_arithmetic3A_1457 = arith.shrsi %select_n3A_1450, %shift_right_arithmetic3A_1456 : vector<8x4096xi32>
    %shift_right_arithmetic3A_1458 = arith.constant 12 : i32
    %shift_right_arithmetic3A_1459 = vector.broadcast %shift_right_arithmetic3A_1458 : i32 to vector<8x4096xi32>
    %shift_right_arithmetic3A_1460 = arith.shrsi %roll3A_1452, %shift_right_arithmetic3A_1459 : vector<8x4096xi32>
    %lt3A_1461 = arith.cmpi slt, %shift_right_arithmetic3A_1460, %shift_right_arithmetic3A_1457 : vector<8x4096xi32>
    %select_n3A_1462 = arith.select %lt3A_1461, %roll3A_1452, %select_n3A_1450 : vector<8x4096xi1>, vector<8x4096xi32>
    %shift_right_arithmetic3A_1463 = arith.constant 12 : i32
    %shift_right_arithmetic3A_1464 = vector.broadcast %shift_right_arithmetic3A_1463 : i32 to vector<8x4096xi32>
    %shift_right_arithmetic3A_1465 = arith.shrsi %roll3A_1454, %shift_right_arithmetic3A_1464 : vector<8x4096xi32>
    %lt3A_1466 = arith.cmpi slt, %shift_right_arithmetic3A_1457, %shift_right_arithmetic3A_1465 : vector<8x4096xi32>
    %select_n3A_1467 = arith.select %lt3A_1466, %roll3A_1454, %select_n3A_1450 : vector<8x4096xi1>, vector<8x4096xi32>
    %select_n3A_1468 = arith.select %eq3A_80, %select_n3A_1462, %select_n3A_1467 : vector<8x4096xi1>, vector<8x4096xi32>
    %roll3A_1469 = arith.constant 4094 : i32
    %roll3A_1470 = tpu.dynamic_rotate %select_n3A_1468 by %roll3A_1469 dim 1 : vector<8x4096xi32>, i32 -> vector<8x4096xi32>
    %roll3A_1471 = arith.constant 2 : i32
    %roll3A_1472 = tpu.dynamic_rotate %select_n3A_1468 by %roll3A_1471 dim 1 : vector<8x4096xi32>, i32 -> vector<8x4096xi32>
    %shift_right_arithmetic3A_1473 = arith.constant 12 : i32
    %shift_right_arithmetic3A_1474 = vector.broadcast %shift_right_arithmetic3A_1473 : i32 to vector<8x4096xi32>
    %shift_right_arithmetic3A_1475 = arith.shrsi %select_n3A_1468, %shift_right_arithmetic3A_1474 : vector<8x4096xi32>
    %shift_right_arithmetic3A_1476 = arith.constant 12 : i32
    %shift_right_arithmetic3A_1477 = vector.broadcast %shift_right_arithmetic3A_1476 : i32 to vector<8x4096xi32>
    %shift_right_arithmetic3A_1478 = arith.shrsi %roll3A_1470, %shift_right_arithmetic3A_1477 : vector<8x4096xi32>
    %lt3A_1479 = arith.cmpi slt, %shift_right_arithmetic3A_1478, %shift_right_arithmetic3A_1475 : vector<8x4096xi32>
    %select_n3A_1480 = arith.select %lt3A_1479, %roll3A_1470, %select_n3A_1468 : vector<8x4096xi1>, vector<8x4096xi32>
    %shift_right_arithmetic3A_1481 = arith.constant 12 : i32
    %shift_right_arithmetic3A_1482 = vector.broadcast %shift_right_arithmetic3A_1481 : i32 to vector<8x4096xi32>
    %shift_right_arithmetic3A_1483 = arith.shrsi %roll3A_1472, %shift_right_arithmetic3A_1482 : vector<8x4096xi32>
    %lt3A_1484 = arith.cmpi slt, %shift_right_arithmetic3A_1475, %shift_right_arithmetic3A_1483 : vector<8x4096xi32>
    %select_n3A_1485 = arith.select %lt3A_1484, %roll3A_1472, %select_n3A_1468 : vector<8x4096xi1>, vector<8x4096xi32>
    %select_n3A_1486 = arith.select %eq3A_30, %select_n3A_1480, %select_n3A_1485 : vector<8x4096xi1>, vector<8x4096xi32>
    %roll3A_1487 = arith.constant 4095 : i32
    %roll3A_1488 = tpu.dynamic_rotate %select_n3A_1486 by %roll3A_1487 dim 1 : vector<8x4096xi32>, i32 -> vector<8x4096xi32>
    %roll3A_1489 = arith.constant 1 : i32
    %roll3A_1490 = tpu.dynamic_rotate %select_n3A_1486 by %roll3A_1489 dim 1 : vector<8x4096xi32>, i32 -> vector<8x4096xi32>
    %shift_right_arithmetic3A_1491 = arith.constant 12 : i32
    %shift_right_arithmetic3A_1492 = vector.broadcast %shift_right_arithmetic3A_1491 : i32 to vector<8x4096xi32>
    %shift_right_arithmetic3A_1493 = arith.shrsi %select_n3A_1486, %shift_right_arithmetic3A_1492 : vector<8x4096xi32>
    %shift_right_arithmetic3A_1494 = arith.constant 12 : i32
    %shift_right_arithmetic3A_1495 = vector.broadcast %shift_right_arithmetic3A_1494 : i32 to vector<8x4096xi32>
    %shift_right_arithmetic3A_1496 = arith.shrsi %roll3A_1488, %shift_right_arithmetic3A_1495 : vector<8x4096xi32>
    %lt3A_1497 = arith.cmpi slt, %shift_right_arithmetic3A_1496, %shift_right_arithmetic3A_1493 : vector<8x4096xi32>
    %select_n3A_1498 = arith.select %lt3A_1497, %roll3A_1488, %select_n3A_1486 : vector<8x4096xi1>, vector<8x4096xi32>
    %shift_right_arithmetic3A_1499 = arith.constant 12 : i32
    %shift_right_arithmetic3A_1500 = vector.broadcast %shift_right_arithmetic3A_1499 : i32 to vector<8x4096xi32>
    %shift_right_arithmetic3A_1501 = arith.shrsi %roll3A_1490, %shift_right_arithmetic3A_1500 : vector<8x4096xi32>
    %lt3A_1502 = arith.cmpi slt, %shift_right_arithmetic3A_1493, %shift_right_arithmetic3A_1501 : vector<8x4096xi32>
    %select_n3A_1503 = arith.select %lt3A_1502, %roll3A_1490, %select_n3A_1486 : vector<8x4096xi1>, vector<8x4096xi32>
    %select_n3A_1504 = arith.select %eq3A_7, %select_n3A_1498, %select_n3A_1503 : vector<8x4096xi1>, vector<8x4096xi32>
    %roll3A_1505 = arith.constant 4095 : i32
    %roll3A_1506 = tpu.dynamic_rotate %select_n3A_1504 by %roll3A_1505 dim 1 : vector<8x4096xi32>, i32 -> vector<8x4096xi32>
    %roll3A_1507 = arith.constant 1 : i32
    %roll3A_1508 = tpu.dynamic_rotate %select_n3A_1504 by %roll3A_1507 dim 1 : vector<8x4096xi32>, i32 -> vector<8x4096xi32>
    %select_n3A_1509 = arith.select %eq3A_7, %roll3A_1506, %roll3A_1508 : vector<8x4096xi1>, vector<8x4096xi32>
    %roll3A_1510 = arith.constant 4094 : i32
    %roll3A_1511 = tpu.dynamic_rotate %select_n3A_1509 by %roll3A_1510 dim 1 : vector<8x4096xi32>, i32 -> vector<8x4096xi32>
    %roll3A_1512 = arith.constant 2 : i32
    %roll3A_1513 = tpu.dynamic_rotate %select_n3A_1509 by %roll3A_1512 dim 1 : vector<8x4096xi32>, i32 -> vector<8x4096xi32>
    %select_n3A_1514 = arith.select %eq3A_30, %roll3A_1511, %roll3A_1513 : vector<8x4096xi1>, vector<8x4096xi32>
    %roll3A_1515 = arith.constant 4092 : i32
    %roll3A_1516 = tpu.dynamic_rotate %select_n3A_1514 by %roll3A_1515 dim 1 : vector<8x4096xi32>, i32 -> vector<8x4096xi32>
    %roll3A_1517 = arith.constant 4 : i32
    %roll3A_1518 = tpu.dynamic_rotate %select_n3A_1514 by %roll3A_1517 dim 1 : vector<8x4096xi32>, i32 -> vector<8x4096xi32>
    %select_n3A_1519 = arith.select %eq3A_80, %roll3A_1516, %roll3A_1518 : vector<8x4096xi1>, vector<8x4096xi32>
    %roll3A_1520 = arith.constant 4088 : i32
    %roll3A_1521 = tpu.dynamic_rotate %select_n3A_1519 by %roll3A_1520 dim 1 : vector<8x4096xi32>, i32 -> vector<8x4096xi32>
    %roll3A_1522 = arith.constant 8 : i32
    %roll3A_1523 = tpu.dynamic_rotate %select_n3A_1519 by %roll3A_1522 dim 1 : vector<8x4096xi32>, i32 -> vector<8x4096xi32>
    %select_n3A_1524 = arith.select %eq3A_153, %roll3A_1521, %roll3A_1523 : vector<8x4096xi1>, vector<8x4096xi32>
    %roll3A_1525 = arith.constant 4080 : i32
    %roll3A_1526 = tpu.dynamic_rotate %select_n3A_1524 by %roll3A_1525 dim 1 : vector<8x4096xi32>, i32 -> vector<8x4096xi32>
    %roll3A_1527 = arith.constant 16 : i32
    %roll3A_1528 = tpu.dynamic_rotate %select_n3A_1524 by %roll3A_1527 dim 1 : vector<8x4096xi32>, i32 -> vector<8x4096xi32>
    %select_n3A_1529 = arith.select %eq3A_249, %roll3A_1526, %roll3A_1528 : vector<8x4096xi1>, vector<8x4096xi32>
    %roll3A_1530 = arith.constant 4064 : i32
    %roll3A_1531 = tpu.dynamic_rotate %select_n3A_1529 by %roll3A_1530 dim 1 : vector<8x4096xi32>, i32 -> vector<8x4096xi32>
    %roll3A_1532 = arith.constant 32 : i32
    %roll3A_1533 = tpu.dynamic_rotate %select_n3A_1529 by %roll3A_1532 dim 1 : vector<8x4096xi32>, i32 -> vector<8x4096xi32>
    %select_n3A_1534 = arith.select %eq3A_368, %roll3A_1531, %roll3A_1533 : vector<8x4096xi1>, vector<8x4096xi32>
    %roll3A_1535 = arith.constant 4032 : i32
    %roll3A_1536 = tpu.dynamic_rotate %select_n3A_1534 by %roll3A_1535 dim 1 : vector<8x4096xi32>, i32 -> vector<8x4096xi32>
    %roll3A_1537 = arith.constant 64 : i32
    %roll3A_1538 = tpu.dynamic_rotate %select_n3A_1534 by %roll3A_1537 dim 1 : vector<8x4096xi32>, i32 -> vector<8x4096xi32>
    %select_n3A_1539 = arith.select %eq3A_510, %roll3A_1536, %roll3A_1538 : vector<8x4096xi1>, vector<8x4096xi32>
    %roll3A_1540 = arith.constant 3968 : i32
    %roll3A_1541 = tpu.dynamic_rotate %select_n3A_1539 by %roll3A_1540 dim 1 : vector<8x4096xi32>, i32 -> vector<8x4096xi32>
    %roll3A_1542 = arith.constant 128 : i32
    %roll3A_1543 = tpu.dynamic_rotate %select_n3A_1539 by %roll3A_1542 dim 1 : vector<8x4096xi32>, i32 -> vector<8x4096xi32>
    %select_n3A_1544 = arith.select %eq3A_675, %roll3A_1541, %roll3A_1543 : vector<8x4096xi1>, vector<8x4096xi32>
    %roll3A_1545 = arith.constant 3840 : i32
    %roll3A_1546 = tpu.dynamic_rotate %select_n3A_1544 by %roll3A_1545 dim 1 : vector<8x4096xi32>, i32 -> vector<8x4096xi32>
    %roll3A_1547 = arith.constant 256 : i32
    %roll3A_1548 = tpu.dynamic_rotate %select_n3A_1544 by %roll3A_1547 dim 1 : vector<8x4096xi32>, i32 -> vector<8x4096xi32>
    %select_n3A_1549 = arith.select %eq3A_863, %roll3A_1546, %roll3A_1548 : vector<8x4096xi1>, vector<8x4096xi32>
    %roll3A_1550 = arith.constant 3584 : i32
    %roll3A_1551 = tpu.dynamic_rotate %select_n3A_1549 by %roll3A_1550 dim 1 : vector<8x4096xi32>, i32 -> vector<8x4096xi32>
    %roll3A_1552 = arith.constant 512 : i32
    %roll3A_1553 = tpu.dynamic_rotate %select_n3A_1549 by %roll3A_1552 dim 1 : vector<8x4096xi32>, i32 -> vector<8x4096xi32>
    %select_n3A_1554 = arith.select %eq3A_1074, %roll3A_1551, %roll3A_1553 : vector<8x4096xi1>, vector<8x4096xi32>
    %roll3A_1555 = arith.constant 3072 : i32
    %roll3A_1556 = tpu.dynamic_rotate %select_n3A_1554 by %roll3A_1555 dim 1 : vector<8x4096xi32>, i32 -> vector<8x4096xi32>
    %roll3A_1557 = arith.constant 1024 : i32
    %roll3A_1558 = tpu.dynamic_rotate %select_n3A_1554 by %roll3A_1557 dim 1 : vector<8x4096xi32>, i32 -> vector<8x4096xi32>
    %select_n3A_1559 = arith.select %eq3A_1308, %roll3A_1556, %roll3A_1558 : vector<8x4096xi1>, vector<8x4096xi32>
    %and3A_1560 = arith.constant 2048 : i32
    %and3A_1561 = vector.broadcast %and3A_1560 : i32 to vector<8x4096xi32>
    %and3A_1562 = arith.andi %iota3A, %and3A_1561 : vector<8x4096xi32>
    %eq3A_1563 = arith.constant 0 : i32
    %eq3A_1564 = vector.broadcast %eq3A_1563 : i32 to vector<8x4096xi32>
    %eq3A_1565 = arith.cmpi eq, %and3A_1562, %eq3A_1564 : vector<8x4096xi32>
    %roll3A_1566 = arith.constant 2048 : i32
    %roll3A_1567 = tpu.dynamic_rotate %select_n3A_1559 by %roll3A_1566 dim 1 : vector<8x4096xi32>, i32 -> vector<8x4096xi32>
    %roll3A_1568 = arith.constant 2048 : i32
    %roll3A_1569 = tpu.dynamic_rotate %select_n3A_1559 by %roll3A_1568 dim 1 : vector<8x4096xi32>, i32 -> vector<8x4096xi32>
    %select_n3A_1570 = arith.select %eq3A_1565, %roll3A_1567, %roll3A_1569 : vector<8x4096xi1>, vector<8x4096xi32>
    %shift_right_arithmetic3A_1571 = arith.constant 12 : i32
    %shift_right_arithmetic3A_1572 = vector.broadcast %shift_right_arithmetic3A_1571 : i32 to vector<8x4096xi32>
    %shift_right_arithmetic3A_1573 = arith.shrsi %select_n3A_1504, %shift_right_arithmetic3A_1572 : vector<8x4096xi32>
    %shift_right_arithmetic3A_1574 = arith.constant 12 : i32
    %shift_right_arithmetic3A_1575 = vector.broadcast %shift_right_arithmetic3A_1574 : i32 to vector<8x4096xi32>
    %shift_right_arithmetic3A_1576 = arith.shrsi %select_n3A_1570, %shift_right_arithmetic3A_1575 : vector<8x4096xi32>
    %lt3A_1577 = arith.cmpi slt, %shift_right_arithmetic3A_1576, %shift_right_arithmetic3A_1573 : vector<8x4096xi32>
    %select_n3A_1578 = arith.select %lt3A_1577, %select_n3A_1570, %select_n3A_1504 : vector<8x4096xi1>, vector<8x4096xi32>
    %lt3A_1579 = arith.cmpi slt, %shift_right_arithmetic3A_1573, %shift_right_arithmetic3A_1576 : vector<8x4096xi32>
    %select_n3A_1580 = arith.select %lt3A_1579, %select_n3A_1570, %select_n3A_1504 : vector<8x4096xi1>, vector<8x4096xi32>
    %select_n3A_1581 = arith.select %eq3A_1565, %select_n3A_1578, %select_n3A_1580 : vector<8x4096xi1>, vector<8x4096xi32>
    %roll3A_1582 = arith.constant 3072 : i32
    %roll3A_1583 = tpu.dynamic_rotate %select_n3A_1581 by %roll3A_1582 dim 1 : vector<8x4096xi32>, i32 -> vector<8x4096xi32>
    %roll3A_1584 = arith.constant 1024 : i32
    %roll3A_1585 = tpu.dynamic_rotate %select_n3A_1581 by %roll3A_1584 dim 1 : vector<8x4096xi32>, i32 -> vector<8x4096xi32>
    %shift_right_arithmetic3A_1586 = arith.constant 12 : i32
    %shift_right_arithmetic3A_1587 = vector.broadcast %shift_right_arithmetic3A_1586 : i32 to vector<8x4096xi32>
    %shift_right_arithmetic3A_1588 = arith.shrsi %select_n3A_1581, %shift_right_arithmetic3A_1587 : vector<8x4096xi32>
    %shift_right_arithmetic3A_1589 = arith.constant 12 : i32
    %shift_right_arithmetic3A_1590 = vector.broadcast %shift_right_arithmetic3A_1589 : i32 to vector<8x4096xi32>
    %shift_right_arithmetic3A_1591 = arith.shrsi %roll3A_1583, %shift_right_arithmetic3A_1590 : vector<8x4096xi32>
    %lt3A_1592 = arith.cmpi slt, %shift_right_arithmetic3A_1591, %shift_right_arithmetic3A_1588 : vector<8x4096xi32>
    %select_n3A_1593 = arith.select %lt3A_1592, %roll3A_1583, %select_n3A_1581 : vector<8x4096xi1>, vector<8x4096xi32>
    %shift_right_arithmetic3A_1594 = arith.constant 12 : i32
    %shift_right_arithmetic3A_1595 = vector.broadcast %shift_right_arithmetic3A_1594 : i32 to vector<8x4096xi32>
    %shift_right_arithmetic3A_1596 = arith.shrsi %roll3A_1585, %shift_right_arithmetic3A_1595 : vector<8x4096xi32>
    %lt3A_1597 = arith.cmpi slt, %shift_right_arithmetic3A_1588, %shift_right_arithmetic3A_1596 : vector<8x4096xi32>
    %select_n3A_1598 = arith.select %lt3A_1597, %roll3A_1585, %select_n3A_1581 : vector<8x4096xi1>, vector<8x4096xi32>
    %select_n3A_1599 = arith.select %eq3A_1308, %select_n3A_1593, %select_n3A_1598 : vector<8x4096xi1>, vector<8x4096xi32>
    %roll3A_1600 = arith.constant 3584 : i32
    %roll3A_1601 = tpu.dynamic_rotate %select_n3A_1599 by %roll3A_1600 dim 1 : vector<8x4096xi32>, i32 -> vector<8x4096xi32>
    %roll3A_1602 = arith.constant 512 : i32
    %roll3A_1603 = tpu.dynamic_rotate %select_n3A_1599 by %roll3A_1602 dim 1 : vector<8x4096xi32>, i32 -> vector<8x4096xi32>
    %shift_right_arithmetic3A_1604 = arith.constant 12 : i32
    %shift_right_arithmetic3A_1605 = vector.broadcast %shift_right_arithmetic3A_1604 : i32 to vector<8x4096xi32>
    %shift_right_arithmetic3A_1606 = arith.shrsi %select_n3A_1599, %shift_right_arithmetic3A_1605 : vector<8x4096xi32>
    %shift_right_arithmetic3A_1607 = arith.constant 12 : i32
    %shift_right_arithmetic3A_1608 = vector.broadcast %shift_right_arithmetic3A_1607 : i32 to vector<8x4096xi32>
    %shift_right_arithmetic3A_1609 = arith.shrsi %roll3A_1601, %shift_right_arithmetic3A_1608 : vector<8x4096xi32>
    %lt3A_1610 = arith.cmpi slt, %shift_right_arithmetic3A_1609, %shift_right_arithmetic3A_1606 : vector<8x4096xi32>
    %select_n3A_1611 = arith.select %lt3A_1610, %roll3A_1601, %select_n3A_1599 : vector<8x4096xi1>, vector<8x4096xi32>
    %shift_right_arithmetic3A_1612 = arith.constant 12 : i32
    %shift_right_arithmetic3A_1613 = vector.broadcast %shift_right_arithmetic3A_1612 : i32 to vector<8x4096xi32>
    %shift_right_arithmetic3A_1614 = arith.shrsi %roll3A_1603, %shift_right_arithmetic3A_1613 : vector<8x4096xi32>
    %lt3A_1615 = arith.cmpi slt, %shift_right_arithmetic3A_1606, %shift_right_arithmetic3A_1614 : vector<8x4096xi32>
    %select_n3A_1616 = arith.select %lt3A_1615, %roll3A_1603, %select_n3A_1599 : vector<8x4096xi1>, vector<8x4096xi32>
    %select_n3A_1617 = arith.select %eq3A_1074, %select_n3A_1611, %select_n3A_1616 : vector<8x4096xi1>, vector<8x4096xi32>
    %roll3A_1618 = arith.constant 3840 : i32
    %roll3A_1619 = tpu.dynamic_rotate %select_n3A_1617 by %roll3A_1618 dim 1 : vector<8x4096xi32>, i32 -> vector<8x4096xi32>
    %roll3A_1620 = arith.constant 256 : i32
    %roll3A_1621 = tpu.dynamic_rotate %select_n3A_1617 by %roll3A_1620 dim 1 : vector<8x4096xi32>, i32 -> vector<8x4096xi32>
    %shift_right_arithmetic3A_1622 = arith.constant 12 : i32
    %shift_right_arithmetic3A_1623 = vector.broadcast %shift_right_arithmetic3A_1622 : i32 to vector<8x4096xi32>
    %shift_right_arithmetic3A_1624 = arith.shrsi %select_n3A_1617, %shift_right_arithmetic3A_1623 : vector<8x4096xi32>
    %shift_right_arithmetic3A_1625 = arith.constant 12 : i32
    %shift_right_arithmetic3A_1626 = vector.broadcast %shift_right_arithmetic3A_1625 : i32 to vector<8x4096xi32>
    %shift_right_arithmetic3A_1627 = arith.shrsi %roll3A_1619, %shift_right_arithmetic3A_1626 : vector<8x4096xi32>
    %lt3A_1628 = arith.cmpi slt, %shift_right_arithmetic3A_1627, %shift_right_arithmetic3A_1624 : vector<8x4096xi32>
    %select_n3A_1629 = arith.select %lt3A_1628, %roll3A_1619, %select_n3A_1617 : vector<8x4096xi1>, vector<8x4096xi32>
    %shift_right_arithmetic3A_1630 = arith.constant 12 : i32
    %shift_right_arithmetic3A_1631 = vector.broadcast %shift_right_arithmetic3A_1630 : i32 to vector<8x4096xi32>
    %shift_right_arithmetic3A_1632 = arith.shrsi %roll3A_1621, %shift_right_arithmetic3A_1631 : vector<8x4096xi32>
    %lt3A_1633 = arith.cmpi slt, %shift_right_arithmetic3A_1624, %shift_right_arithmetic3A_1632 : vector<8x4096xi32>
    %select_n3A_1634 = arith.select %lt3A_1633, %roll3A_1621, %select_n3A_1617 : vector<8x4096xi1>, vector<8x4096xi32>
    %select_n3A_1635 = arith.select %eq3A_863, %select_n3A_1629, %select_n3A_1634 : vector<8x4096xi1>, vector<8x4096xi32>
    %roll3A_1636 = arith.constant 3968 : i32
    %roll3A_1637 = tpu.dynamic_rotate %select_n3A_1635 by %roll3A_1636 dim 1 : vector<8x4096xi32>, i32 -> vector<8x4096xi32>
    %roll3A_1638 = arith.constant 128 : i32
    %roll3A_1639 = tpu.dynamic_rotate %select_n3A_1635 by %roll3A_1638 dim 1 : vector<8x4096xi32>, i32 -> vector<8x4096xi32>
    %shift_right_arithmetic3A_1640 = arith.constant 12 : i32
    %shift_right_arithmetic3A_1641 = vector.broadcast %shift_right_arithmetic3A_1640 : i32 to vector<8x4096xi32>
    %shift_right_arithmetic3A_1642 = arith.shrsi %select_n3A_1635, %shift_right_arithmetic3A_1641 : vector<8x4096xi32>
    %shift_right_arithmetic3A_1643 = arith.constant 12 : i32
    %shift_right_arithmetic3A_1644 = vector.broadcast %shift_right_arithmetic3A_1643 : i32 to vector<8x4096xi32>
    %shift_right_arithmetic3A_1645 = arith.shrsi %roll3A_1637, %shift_right_arithmetic3A_1644 : vector<8x4096xi32>
    %lt3A_1646 = arith.cmpi slt, %shift_right_arithmetic3A_1645, %shift_right_arithmetic3A_1642 : vector<8x4096xi32>
    %select_n3A_1647 = arith.select %lt3A_1646, %roll3A_1637, %select_n3A_1635 : vector<8x4096xi1>, vector<8x4096xi32>
    %shift_right_arithmetic3A_1648 = arith.constant 12 : i32
    %shift_right_arithmetic3A_1649 = vector.broadcast %shift_right_arithmetic3A_1648 : i32 to vector<8x4096xi32>
    %shift_right_arithmetic3A_1650 = arith.shrsi %roll3A_1639, %shift_right_arithmetic3A_1649 : vector<8x4096xi32>
    %lt3A_1651 = arith.cmpi slt, %shift_right_arithmetic3A_1642, %shift_right_arithmetic3A_1650 : vector<8x4096xi32>
    %select_n3A_1652 = arith.select %lt3A_1651, %roll3A_1639, %select_n3A_1635 : vector<8x4096xi1>, vector<8x4096xi32>
    %select_n3A_1653 = arith.select %eq3A_675, %select_n3A_1647, %select_n3A_1652 : vector<8x4096xi1>, vector<8x4096xi32>
    %roll3A_1654 = arith.constant 4032 : i32
    %roll3A_1655 = tpu.dynamic_rotate %select_n3A_1653 by %roll3A_1654 dim 1 : vector<8x4096xi32>, i32 -> vector<8x4096xi32>
    %roll3A_1656 = arith.constant 64 : i32
    %roll3A_1657 = tpu.dynamic_rotate %select_n3A_1653 by %roll3A_1656 dim 1 : vector<8x4096xi32>, i32 -> vector<8x4096xi32>
    %shift_right_arithmetic3A_1658 = arith.constant 12 : i32
    %shift_right_arithmetic3A_1659 = vector.broadcast %shift_right_arithmetic3A_1658 : i32 to vector<8x4096xi32>
    %shift_right_arithmetic3A_1660 = arith.shrsi %select_n3A_1653, %shift_right_arithmetic3A_1659 : vector<8x4096xi32>
    %shift_right_arithmetic3A_1661 = arith.constant 12 : i32
    %shift_right_arithmetic3A_1662 = vector.broadcast %shift_right_arithmetic3A_1661 : i32 to vector<8x4096xi32>
    %shift_right_arithmetic3A_1663 = arith.shrsi %roll3A_1655, %shift_right_arithmetic3A_1662 : vector<8x4096xi32>
    %lt3A_1664 = arith.cmpi slt, %shift_right_arithmetic3A_1663, %shift_right_arithmetic3A_1660 : vector<8x4096xi32>
    %select_n3A_1665 = arith.select %lt3A_1664, %roll3A_1655, %select_n3A_1653 : vector<8x4096xi1>, vector<8x4096xi32>
    %shift_right_arithmetic3A_1666 = arith.constant 12 : i32
    %shift_right_arithmetic3A_1667 = vector.broadcast %shift_right_arithmetic3A_1666 : i32 to vector<8x4096xi32>
    %shift_right_arithmetic3A_1668 = arith.shrsi %roll3A_1657, %shift_right_arithmetic3A_1667 : vector<8x4096xi32>
    %lt3A_1669 = arith.cmpi slt, %shift_right_arithmetic3A_1660, %shift_right_arithmetic3A_1668 : vector<8x4096xi32>
    %select_n3A_1670 = arith.select %lt3A_1669, %roll3A_1657, %select_n3A_1653 : vector<8x4096xi1>, vector<8x4096xi32>
    %select_n3A_1671 = arith.select %eq3A_510, %select_n3A_1665, %select_n3A_1670 : vector<8x4096xi1>, vector<8x4096xi32>
    %roll3A_1672 = arith.constant 4064 : i32
    %roll3A_1673 = tpu.dynamic_rotate %select_n3A_1671 by %roll3A_1672 dim 1 : vector<8x4096xi32>, i32 -> vector<8x4096xi32>
    %roll3A_1674 = arith.constant 32 : i32
    %roll3A_1675 = tpu.dynamic_rotate %select_n3A_1671 by %roll3A_1674 dim 1 : vector<8x4096xi32>, i32 -> vector<8x4096xi32>
    %shift_right_arithmetic3A_1676 = arith.constant 12 : i32
    %shift_right_arithmetic3A_1677 = vector.broadcast %shift_right_arithmetic3A_1676 : i32 to vector<8x4096xi32>
    %shift_right_arithmetic3A_1678 = arith.shrsi %select_n3A_1671, %shift_right_arithmetic3A_1677 : vector<8x4096xi32>
    %shift_right_arithmetic3A_1679 = arith.constant 12 : i32
    %shift_right_arithmetic3A_1680 = vector.broadcast %shift_right_arithmetic3A_1679 : i32 to vector<8x4096xi32>
    %shift_right_arithmetic3A_1681 = arith.shrsi %roll3A_1673, %shift_right_arithmetic3A_1680 : vector<8x4096xi32>
    %lt3A_1682 = arith.cmpi slt, %shift_right_arithmetic3A_1681, %shift_right_arithmetic3A_1678 : vector<8x4096xi32>
    %select_n3A_1683 = arith.select %lt3A_1682, %roll3A_1673, %select_n3A_1671 : vector<8x4096xi1>, vector<8x4096xi32>
    %shift_right_arithmetic3A_1684 = arith.constant 12 : i32
    %shift_right_arithmetic3A_1685 = vector.broadcast %shift_right_arithmetic3A_1684 : i32 to vector<8x4096xi32>
    %shift_right_arithmetic3A_1686 = arith.shrsi %roll3A_1675, %shift_right_arithmetic3A_1685 : vector<8x4096xi32>
    %lt3A_1687 = arith.cmpi slt, %shift_right_arithmetic3A_1678, %shift_right_arithmetic3A_1686 : vector<8x4096xi32>
    %select_n3A_1688 = arith.select %lt3A_1687, %roll3A_1675, %select_n3A_1671 : vector<8x4096xi1>, vector<8x4096xi32>
    %select_n3A_1689 = arith.select %eq3A_368, %select_n3A_1683, %select_n3A_1688 : vector<8x4096xi1>, vector<8x4096xi32>
    %roll3A_1690 = arith.constant 4080 : i32
    %roll3A_1691 = tpu.dynamic_rotate %select_n3A_1689 by %roll3A_1690 dim 1 : vector<8x4096xi32>, i32 -> vector<8x4096xi32>
    %roll3A_1692 = arith.constant 16 : i32
    %roll3A_1693 = tpu.dynamic_rotate %select_n3A_1689 by %roll3A_1692 dim 1 : vector<8x4096xi32>, i32 -> vector<8x4096xi32>
    %shift_right_arithmetic3A_1694 = arith.constant 12 : i32
    %shift_right_arithmetic3A_1695 = vector.broadcast %shift_right_arithmetic3A_1694 : i32 to vector<8x4096xi32>
    %shift_right_arithmetic3A_1696 = arith.shrsi %select_n3A_1689, %shift_right_arithmetic3A_1695 : vector<8x4096xi32>
    %shift_right_arithmetic3A_1697 = arith.constant 12 : i32
    %shift_right_arithmetic3A_1698 = vector.broadcast %shift_right_arithmetic3A_1697 : i32 to vector<8x4096xi32>
    %shift_right_arithmetic3A_1699 = arith.shrsi %roll3A_1691, %shift_right_arithmetic3A_1698 : vector<8x4096xi32>
    %lt3A_1700 = arith.cmpi slt, %shift_right_arithmetic3A_1699, %shift_right_arithmetic3A_1696 : vector<8x4096xi32>
    %select_n3A_1701 = arith.select %lt3A_1700, %roll3A_1691, %select_n3A_1689 : vector<8x4096xi1>, vector<8x4096xi32>
    %shift_right_arithmetic3A_1702 = arith.constant 12 : i32
    %shift_right_arithmetic3A_1703 = vector.broadcast %shift_right_arithmetic3A_1702 : i32 to vector<8x4096xi32>
    %shift_right_arithmetic3A_1704 = arith.shrsi %roll3A_1693, %shift_right_arithmetic3A_1703 : vector<8x4096xi32>
    %lt3A_1705 = arith.cmpi slt, %shift_right_arithmetic3A_1696, %shift_right_arithmetic3A_1704 : vector<8x4096xi32>
    %select_n3A_1706 = arith.select %lt3A_1705, %roll3A_1693, %select_n3A_1689 : vector<8x4096xi1>, vector<8x4096xi32>
    %select_n3A_1707 = arith.select %eq3A_249, %select_n3A_1701, %select_n3A_1706 : vector<8x4096xi1>, vector<8x4096xi32>
    %roll3A_1708 = arith.constant 4088 : i32
    %roll3A_1709 = tpu.dynamic_rotate %select_n3A_1707 by %roll3A_1708 dim 1 : vector<8x4096xi32>, i32 -> vector<8x4096xi32>
    %roll3A_1710 = arith.constant 8 : i32
    %roll3A_1711 = tpu.dynamic_rotate %select_n3A_1707 by %roll3A_1710 dim 1 : vector<8x4096xi32>, i32 -> vector<8x4096xi32>
    %shift_right_arithmetic3A_1712 = arith.constant 12 : i32
    %shift_right_arithmetic3A_1713 = vector.broadcast %shift_right_arithmetic3A_1712 : i32 to vector<8x4096xi32>
    %shift_right_arithmetic3A_1714 = arith.shrsi %select_n3A_1707, %shift_right_arithmetic3A_1713 : vector<8x4096xi32>
    %shift_right_arithmetic3A_1715 = arith.constant 12 : i32
    %shift_right_arithmetic3A_1716 = vector.broadcast %shift_right_arithmetic3A_1715 : i32 to vector<8x4096xi32>
    %shift_right_arithmetic3A_1717 = arith.shrsi %roll3A_1709, %shift_right_arithmetic3A_1716 : vector<8x4096xi32>
    %lt3A_1718 = arith.cmpi slt, %shift_right_arithmetic3A_1717, %shift_right_arithmetic3A_1714 : vector<8x4096xi32>
    %select_n3A_1719 = arith.select %lt3A_1718, %roll3A_1709, %select_n3A_1707 : vector<8x4096xi1>, vector<8x4096xi32>
    %shift_right_arithmetic3A_1720 = arith.constant 12 : i32
    %shift_right_arithmetic3A_1721 = vector.broadcast %shift_right_arithmetic3A_1720 : i32 to vector<8x4096xi32>
    %shift_right_arithmetic3A_1722 = arith.shrsi %roll3A_1711, %shift_right_arithmetic3A_1721 : vector<8x4096xi32>
    %lt3A_1723 = arith.cmpi slt, %shift_right_arithmetic3A_1714, %shift_right_arithmetic3A_1722 : vector<8x4096xi32>
    %select_n3A_1724 = arith.select %lt3A_1723, %roll3A_1711, %select_n3A_1707 : vector<8x4096xi1>, vector<8x4096xi32>
    %select_n3A_1725 = arith.select %eq3A_153, %select_n3A_1719, %select_n3A_1724 : vector<8x4096xi1>, vector<8x4096xi32>
    %roll3A_1726 = arith.constant 4092 : i32
    %roll3A_1727 = tpu.dynamic_rotate %select_n3A_1725 by %roll3A_1726 dim 1 : vector<8x4096xi32>, i32 -> vector<8x4096xi32>
    %roll3A_1728 = arith.constant 4 : i32
    %roll3A_1729 = tpu.dynamic_rotate %select_n3A_1725 by %roll3A_1728 dim 1 : vector<8x4096xi32>, i32 -> vector<8x4096xi32>
    %shift_right_arithmetic3A_1730 = arith.constant 12 : i32
    %shift_right_arithmetic3A_1731 = vector.broadcast %shift_right_arithmetic3A_1730 : i32 to vector<8x4096xi32>
    %shift_right_arithmetic3A_1732 = arith.shrsi %select_n3A_1725, %shift_right_arithmetic3A_1731 : vector<8x4096xi32>
    %shift_right_arithmetic3A_1733 = arith.constant 12 : i32
    %shift_right_arithmetic3A_1734 = vector.broadcast %shift_right_arithmetic3A_1733 : i32 to vector<8x4096xi32>
    %shift_right_arithmetic3A_1735 = arith.shrsi %roll3A_1727, %shift_right_arithmetic3A_1734 : vector<8x4096xi32>
    %lt3A_1736 = arith.cmpi slt, %shift_right_arithmetic3A_1735, %shift_right_arithmetic3A_1732 : vector<8x4096xi32>
    %select_n3A_1737 = arith.select %lt3A_1736, %roll3A_1727, %select_n3A_1725 : vector<8x4096xi1>, vector<8x4096xi32>
    %shift_right_arithmetic3A_1738 = arith.constant 12 : i32
    %shift_right_arithmetic3A_1739 = vector.broadcast %shift_right_arithmetic3A_1738 : i32 to vector<8x4096xi32>
    %shift_right_arithmetic3A_1740 = arith.shrsi %roll3A_1729, %shift_right_arithmetic3A_1739 : vector<8x4096xi32>
    %lt3A_1741 = arith.cmpi slt, %shift_right_arithmetic3A_1732, %shift_right_arithmetic3A_1740 : vector<8x4096xi32>
    %select_n3A_1742 = arith.select %lt3A_1741, %roll3A_1729, %select_n3A_1725 : vector<8x4096xi1>, vector<8x4096xi32>
    %select_n3A_1743 = arith.select %eq3A_80, %select_n3A_1737, %select_n3A_1742 : vector<8x4096xi1>, vector<8x4096xi32>
    %roll3A_1744 = arith.constant 4094 : i32
    %roll3A_1745 = tpu.dynamic_rotate %select_n3A_1743 by %roll3A_1744 dim 1 : vector<8x4096xi32>, i32 -> vector<8x4096xi32>
    %roll3A_1746 = arith.constant 2 : i32
    %roll3A_1747 = tpu.dynamic_rotate %select_n3A_1743 by %roll3A_1746 dim 1 : vector<8x4096xi32>, i32 -> vector<8x4096xi32>
    %shift_right_arithmetic3A_1748 = arith.constant 12 : i32
    %shift_right_arithmetic3A_1749 = vector.broadcast %shift_right_arithmetic3A_1748 : i32 to vector<8x4096xi32>
    %shift_right_arithmetic3A_1750 = arith.shrsi %select_n3A_1743, %shift_right_arithmetic3A_1749 : vector<8x4096xi32>
    %shift_right_arithmetic3A_1751 = arith.constant 12 : i32
    %shift_right_arithmetic3A_1752 = vector.broadcast %shift_right_arithmetic3A_1751 : i32 to vector<8x4096xi32>
    %shift_right_arithmetic3A_1753 = arith.shrsi %roll3A_1745, %shift_right_arithmetic3A_1752 : vector<8x4096xi32>
    %lt3A_1754 = arith.cmpi slt, %shift_right_arithmetic3A_1753, %shift_right_arithmetic3A_1750 : vector<8x4096xi32>
    %select_n3A_1755 = arith.select %lt3A_1754, %roll3A_1745, %select_n3A_1743 : vector<8x4096xi1>, vector<8x4096xi32>
    %shift_right_arithmetic3A_1756 = arith.constant 12 : i32
    %shift_right_arithmetic3A_1757 = vector.broadcast %shift_right_arithmetic3A_1756 : i32 to vector<8x4096xi32>
    %shift_right_arithmetic3A_1758 = arith.shrsi %roll3A_1747, %shift_right_arithmetic3A_1757 : vector<8x4096xi32>
    %lt3A_1759 = arith.cmpi slt, %shift_right_arithmetic3A_1750, %shift_right_arithmetic3A_1758 : vector<8x4096xi32>
    %select_n3A_1760 = arith.select %lt3A_1759, %roll3A_1747, %select_n3A_1743 : vector<8x4096xi1>, vector<8x4096xi32>
    %select_n3A_1761 = arith.select %eq3A_30, %select_n3A_1755, %select_n3A_1760 : vector<8x4096xi1>, vector<8x4096xi32>
    %roll3A_1762 = arith.constant 4095 : i32
    %roll3A_1763 = tpu.dynamic_rotate %select_n3A_1761 by %roll3A_1762 dim 1 : vector<8x4096xi32>, i32 -> vector<8x4096xi32>
    %roll3A_1764 = arith.constant 1 : i32
    %roll3A_1765 = tpu.dynamic_rotate %select_n3A_1761 by %roll3A_1764 dim 1 : vector<8x4096xi32>, i32 -> vector<8x4096xi32>
    %shift_right_arithmetic3A_1766 = arith.constant 12 : i32
    %shift_right_arithmetic3A_1767 = vector.broadcast %shift_right_arithmetic3A_1766 : i32 to vector<8x4096xi32>
    %shift_right_arithmetic3A_1768 = arith.shrsi %select_n3A_1761, %shift_right_arithmetic3A_1767 : vector<8x4096xi32>
    %shift_right_arithmetic3A_1769 = arith.constant 12 : i32
    %shift_right_arithmetic3A_1770 = vector.broadcast %shift_right_arithmetic3A_1769 : i32 to vector<8x4096xi32>
    %shift_right_arithmetic3A_1771 = arith.shrsi %roll3A_1763, %shift_right_arithmetic3A_1770 : vector<8x4096xi32>
    %lt3A_1772 = arith.cmpi slt, %shift_right_arithmetic3A_1771, %shift_right_arithmetic3A_1768 : vector<8x4096xi32>
    %select_n3A_1773 = arith.select %lt3A_1772, %roll3A_1763, %select_n3A_1761 : vector<8x4096xi1>, vector<8x4096xi32>
    %shift_right_arithmetic3A_1774 = arith.constant 12 : i32
    %shift_right_arithmetic3A_1775 = vector.broadcast %shift_right_arithmetic3A_1774 : i32 to vector<8x4096xi32>
    %shift_right_arithmetic3A_1776 = arith.shrsi %roll3A_1765, %shift_right_arithmetic3A_1775 : vector<8x4096xi32>
    %lt3A_1777 = arith.cmpi slt, %shift_right_arithmetic3A_1768, %shift_right_arithmetic3A_1776 : vector<8x4096xi32>
    %select_n3A_1778 = arith.select %lt3A_1777, %roll3A_1765, %select_n3A_1761 : vector<8x4096xi1>, vector<8x4096xi32>
    %select_n3A_1779 = arith.select %eq3A_7, %select_n3A_1773, %select_n3A_1778 : vector<8x4096xi1>, vector<8x4096xi32>
    %swap3A = arith.constant 0 : index
    %swap3A_1780 = arith.constant 0 : index
    %swap3A_1781 = vector.load %arg2[%swap3A, %swap3A_1780] : memref<8x4096xi32, #tpu.memory_space<vmem>>, vector<8x4096xi32>
    tpu.vector_store %arg2[%swap3A, %swap3A_1780], %select_n3A_1779 {strides = array<i32>} : memref<8x4096xi32, #tpu.memory_space<vmem>>, vector<8x4096xi32>,
    return
  }
  func.func @transform_0(%arg0: i32) -> (i32, i32) {
    %c0_i32 = arith.constant 0 : i32
    %c0_i32_0 = arith.constant 0 : i32
    return %arg0, %c0_i32 : i32, i32
  }
  func.func @transform_1(%arg0: i32) -> (i32, i32) {
    %c0_i32 = arith.constant 0 : i32
    %c0_i32_0 = arith.constant 0 : i32
    return %arg0, %c0_i32 : i32, i32
  }
}

</mosaic_0001>

<sc_bundles>
// kernel: kernel.4.cloned.1.call-start
scs
__scs_entry_jumppad:
0x0: {  	(pc) =	sbr.rel $0x88, $3  }
0x1: {  	(tag) =	ssettag $0x0;
	lr =	simm.s32 $0x1  }
0x2: {  	[smem:$0x3F9F] =	sst lr;
	_ =	strace $0xD0000000  }
0x3: {  	_ = 	snop  }
0x4: {  	_ = 	snop  }
0x5: {  	_ = 	snop  }
0x6: {  	_ = 	snop  }
0x7: {  	_ = 	snop  }
__scs_overlays_trampoline_lowered:
0x8: {  	[smem:$0x3FAE] =	sst s0  }
0x9: {  	[smem:$0x3FAF] =	sst s1  }
0xa: {  	[smem:$0x3FB0] =	sst s2  }
0xb: {  	[smem:$0x3FB1] =	sst s3  }
0xc: {  	[smem:$0x3FB2] =	sst s4  }
0xd: {  	[smem:$0x3FB3] =	sst s5  }
0xe: {  	[smem:$0x3FB4] =	sst s6  }
0xf: {  	[smem:$0x3FB5] =	sst s7  }
0x10: {  	[smem:$0x3FB6] =	sst s8  }
0x11: {  	[smem:$0x3FB7] =	sst s9;
	s0 =	simm.s32 @!p0 $0x0  }
0x12: {  	s1 =	sld [smem:$0x3F9D];
	s0 =	simm.s32 @p0 $0x1  }
0x13: {  	[smem:$0x3FB8] =	sst s0;
	s0 =	simm.s32 @!p1 $0x0  }
0x14: {  	s2 =	sld [smem:$0x3F9C];
	s0 =	simm.s32 @p1 $0x1  }
0x15: {  	[smem:$0x3FB9] =	sst s0;
	s0 =	simm.s32 @!p2 $0x0  }
0x16: {  	s3 =	sld [smem:$0x3FDB];
	s0 =	simm.s32 @p2 $0x1  }
0x17: {  	s4 =	simm.s32 $0x1BF5;
	[smem:$0x3FBB] =	sst s0  }
0x18: {  	s0 =	sld [smem:$0x3F9E];
	_ =	swait.ge [sflag:s4], $0x0  }
0x19: {  	s7 =	sld [smem:$0x3F9F]  }
0x1a: {  	s8 =	sadd.s32 $0xFFFFE003, lr  }
0x1b: {  	s9 =	sadd.s32 $0xFFFFFEF7, lr;
	s5 =	simm.s32 $0xFFFFFFFF;
	p2 =	slt.u32 s8, $0xFFFFF086  }
0x1c: {  	p1 =	slt.u32 s9, $0xF7A;
	s5 =	simm.s32 @!p2 $0x0  }
0x1d: {  	s5 =	simm.s32 @p1 $0x1;
	p0 =	seq.s32 s7, s2  }
0x1e: {  	s7 =	smul.u32 @!p0 $0xF7A, s2;
	p2 =	seq.s32 @!p0 s5, $0x0  }
0x1f: {  	s9 =	smul.u32 $0xF7A, s1;
	s8 =	simm.s32 @!p0 $0x1BF5;
	p2 =	por !p2, p0  }
0x20: {  	[sflag:s8] =	ssyncset.s32 @!p0 $0xFFFFF086;
	s6 =	sadd.s32 @!p0 s3, s7;
	s7 =	simm.s32 @!p0 $0x108  }
0x21: {  	s3 =	sadd.s32 s3, s9;
	s6 =	sadd.s32 @!p0 $0x88, s6;
	s7 =	simm.s32 @p2 $0x1082  }
0x22: {  	[simem:s7], [sflag:s8] =	dma.local @!p0 [hbm:s6], $0xF7A  }
0x23: {  	s9 =	sor.u32 $0xD0000000, s2;
	s6 =	simm.s32 $0x108;
	_ =	swait.ge @!p0 [sflag:s8], $0x0  }
0x24: {  	s3 =	sadd.s32 $0x88, s3;
	s6 =	simm.s32 @!p1 $0x1082;
	[sflag:s4] =	ssyncset.s32 $0xFFFFF086  }
0x25: {  	[simem:s6], [sflag:s4] =	dma.local [hbm:s3], $0xF7A  }
0x26: {  	[smem:$0x3F9F] =	sst s1;
	(tag) =	ssettag s2;
	_ =	strace s9  }
0x27: {  	s1 =	sld [smem:$0x3FAF]  }
0x28: {  	s2 =	sld [smem:$0x3FB0]  }
0x29: {  	s4 =	sld [smem:$0x3FB2]  }
0x2a: {  	p0 =	seq.s32 s5, $0x0;
	s5 =	sld [smem:$0x3FB3]  }
0x2b: {  	s6 =	sld [smem:$0x3FB4]  }
0x2c: {  	s7 =	sld [smem:$0x3FB5]  }
0x2d: {  	s3 =	simm.s32 $0x108;
	s8 =	sld [smem:$0x3FB6]  }
0x2e: {  	s3 =	simm.s32 @!p0 $0x1082;
	s9 =	sld [smem:$0x3FB7]  }
0x2f: {  	lr =	sadd.s32 s0, s3;
	s0 =	sld [smem:$0x3FAE]  }
0x30: {  	s3 =	sld [smem:$0x3FB1]  }
0x31: {  	[smem:$0x3FBA] =	sst s10  }
0x32: {  	s10 =	sld [smem:$0x3FB8];
	_ =	sdelay $0x3  }
0x33: {  	p0 =	seq.s32 s10, $0x1;
	s10 =	sld [smem:$0x3FBA];
	_ =	sdelay $0x3  }
0x34: {  	[smem:$0x3FBA] =	sst s10  }
0x35: {  	s10 =	sld [smem:$0x3FB9];
	_ =	sdelay $0x3  }
0x36: {  	p1 =	seq.s32 s10, $0x1;
	s10 =	sld [smem:$0x3FBA];
	_ =	sdelay $0x3  }
0x37: {  	[smem:$0x3FBA] =	sst s10  }
0x38: {  	s10 =	sld [smem:$0x3FBB]  }
0x39: {  	_ = 	snop;
	(pc) =	sbr.ind lr, $3  }
0x3a: {  	_ = 	snop  }
0x3b: {  	_ = 	snop  }
0x3c: {  	p2 =	seq.s32 s10, $0x1;
	s10 =	sld [smem:$0x3FBA]  }
0x3d: {  	_ =	shalt  }
0x3e: {  	_ =	shalt  }
0x3f: {  	_ =	shalt  }
0x40: {  	_ =	shalt  }
0x41: {  	_ =	shalt  }
0x42: {  	_ =	shalt  }
0x43: {  	_ =	shalt  }
0x44: {  	_ =	shalt  }
0x45: {  	_ =	shalt  }
0x46: {  	_ =	shalt  }
0x47: {  	_ =	shalt  }
0x48: {  	_ =	shalt  }
0x49: {  	_ =	shalt  }
0x4a: {  	_ =	shalt  }
0x4b: {  	_ =	shalt  }
0x4c: {  	_ =	shalt  }
0x4d: {  	_ =	shalt  }
0x4e: {  	_ =	shalt  }
0x4f: {  	_ =	shalt  }
0x50: {  	_ =	shalt  }
0x51: {  	_ =	shalt  }
0x52: {  	_ =	shalt  }
0x53: {  	_ =	shalt  }
0x54: {  	_ =	shalt  }
0x55: {  	_ =	shalt  }
0x56: {  	_ =	shalt  }
0x57: {  	_ =	shalt  }
0x58: {  	_ =	shalt  }
0x59: {  	_ =	shalt  }
0x5a: {  	_ =	shalt  }
0x5b: {  	_ =	shalt  }
0x5c: {  	_ =	shalt  }
0x5d: {  	_ =	shalt  }
0x5e: {  	_ =	shalt  }
0x5f: {  	_ =	shalt  }
0x60: {  	_ =	shalt  }
0x61: {  	_ =	shalt  }
0x62: {  	_ =	shalt  }
0x63: {  	_ =	shalt  }
0x64: {  	_ =	shalt  }
0x65: {  	_ =	shalt  }
0x66: {  	_ =	shalt  }
0x67: {  	_ =	shalt  }
0x68: {  	_ =	shalt  }
0x69: {  	_ =	shalt  }
0x6a: {  	_ =	shalt  }
0x6b: {  	_ =	shalt  }
0x6c: {  	_ =	shalt  }
0x6d: {  	_ =	shalt  }
0x6e: {  	_ =	shalt  }
0x6f: {  	_ =	shalt  }
0x70: {  	_ =	shalt  }
0x71: {  	_ =	shalt  }
0x72: {  	_ =	shalt  }
0x73: {  	_ =	shalt  }
0x74: {  	_ =	shalt  }
0x75: {  	_ =	shalt  }
0x76: {  	_ =	shalt  }
0x77: {  	_ =	shalt  }
0x78: {  	_ =	shalt  }
0x79: {  	_ =	shalt  }
0x7a: {  	_ =	shalt  }
0x7b: {  	_ =	shalt  }
0x7c: {  	_ =	shalt  }
0x7d: {  	_ =	shalt  }
0x7e: {  	_ =	shalt  }
0x7f: {  	_ =	shalt  }
0x80: {  	_ =	shalt  }
0x81: {  	_ =	shalt  }
0x82: {  	_ =	shalt  }
0x83: {  	_ =	shalt  }
0x84: {  	_ =	shalt  }
0x85: {  	_ =	shalt  }
0x86: {  	_ =	shalt  }
0x87: {  	_ =	shalt  }
.Lfunc_end0:
.L_simem_size_0:
called_computation_lowered:
.L_overlay_start_0:
0x88: {  	s2 =	sld [smem:$0x3FD9]  }
0x89: {  	s3 =	sld [smem:$0x3FFE];
	_ =	sdelay $0x1  }
0x8a: {  	s1 =	srdreg.scid  }
0x8b: {  	s0 =	sand.u32 $0x1, s1  }
0x8c: {  	s17 =	sshll.u32 s0, $0xA;
	s2 =	sadd.s32 s3, s2  }
0x8d: {  	s2 =	sadd.s32 s2, s17  }
0x8e: {  	[smem:$0x3FC6] =	sst s2  }
0x8f: {  	_ = 	snop  }
0x90: {  	s2 =	sld [smem:$0x3FC9]  }
0x91: {  	s18 =	sld [smem:$0x3FD0];
	(tm) =	ssettm $0x1  }
0x92: {  	s4 =	sld [smem:$0x3FFB];
	_ =	sdelay $0x3  }
0x93: {  	_ =	strace s4  }
0x94: {  	s4 =	sld [smem:$0x3FFC];
	_ =	sdelay $0x3  }
0x95: {  	_ =	strace s4  }
0x96: {  	s4 =	sld [smem:$0x3FFD];
	_ =	sdelay $0x3  }
0x97: {  	_ =	strace s4  }
0x98: {  	_ =	strace $0x8FFFFFFF  }
0x99: {  	s19 =	sld [smem:$0x3FDB];
	_ =	sdelay $0x1  }
0x9a: {  	s5 =	simm.s32 $_scs_section_size  }
0x9b: {  	s6 =	simm.s32 $_size__tile_overlayer_lowered;
	s7 =	simm.s32 $_tile_overlayer_lowered  }
0x9c: {  	s22 =	simm.s32 $0x1BFF;
	s21 =	sshll.u32 s7, $0x1;
	s4 =	sadd.s32 s5, s19  }
0x9d: {  	s8 =	simm.s32 $0x0;
	s20 =	sshll.u32 s6, $0x1;
	s6 =	sadd.s32 s21, s4  }
0x9e: {  	[timem:s8], [sflag:s22] =	dma.local [hbm:s6], s20  }
0x9f: {  	_ =	swait.ge [sflag:s22], s20  }
0xa0: {  	s5 =	ssub.s32 $0x0, s20;
	[sflag:s22] =	ssyncset.done $0x0  }
0xa1: {  	[sflag:s22] =	ssyncadd.s32 s5;
	_ =	sdelay $0x1  }
0xa2: {  	s23 =	simm.s32 $0x1B8B  }
0xa3: {  	_ =	swait.ge [sflag:s23], $0x1  }
0xa4: {  	[sflag:s23] =	ssyncset.done $0x0  }
0xa5: {  	s25 =	simm.s32 $0x1B8E;
	s24 =	sld [smem:$0x3FFE];
	[sflag:s23] =	ssyncadd.s32 $0xFFFFFFFF  }
0xa6: {  	s26 =	simm.s32 $execute0_lowered;
	[smem:$0x3FD2] =	sst s25  }
0xa7: {  	s6 =	sshll.u32 s26, $0x1;
	_ =	strace $0x80000046;
	[dreg:$0x1] =	wrdreg $0xFFFFFFFF  }
0xa8: {  	s28 =	simm.s32 $_size_execute0_lowered;
	s4 =	sadd.s32 s4, s6;
	[dreg:$0x0] =	wrdreg $0x0  }
0xa9: {  	s6 =	sshll.u32 s28, $0x1;
	[dreg:$0x2] =	wrdreg s4  }
0xaa: {  	[dreg:$0x3] =	wrdreg s6  }
0xab: {  	[dreg:$0x4] =	wrdreg $0xC0  }
0xac: {  	_ =	task [dreg:s8], $0x5FFFF  }
0xad: {  	[dreg:$0x1] =	wrdreg $0xFFFFFFFF  }
0xae: {  	[dreg:$0x0] =	wrdreg $0x60  }
0xaf: {  	[dreg:$0x2] =	wrdreg s24  }
0xb0: {  	[dreg:$0x3] =	wrdreg s2  }
0xb1: {  	[dreg:$0x4] =	wrdreg s18  }
0xb2: {  	[dreg:$0x5] =	wrdreg $0x9  }
0xb3: {  	_ =	task.clear_ibuf [dreg:s8], $0x6FFFF;
	_ =	strace $0x90000046  }
0xb4: {  	s29 =	simm.s32 $0x9;
	_ =	strace $0x80000048  }
0xb5: {  	_ =	swait.ge [sflag:s29], $0x1  }
0xb6: {  	[sflag:s29] =	ssyncadd.s32 $0xFFFFFFFF  }
0xb7: {  	_ =	strace $0x90000048  }
0xb8: {  	_ =	sfence  }
0xb9: {  	s30 =	sld [smem:$0x0];
	_ =	sdelay $0x2  }
0xba: {  	s31 =	sshll.u32 s1, $0xD;
	s1 =	sshrl.u32 s1, $0x2  }
0xbb: {  	s3 =	sand.u32 $0x4000, s31;
	s1 =	sadd.s32 s1, s30  }
0xbc: {  	s0 =	sor.u32 s3, s0;
	s1 =	sshll.u32 s1, $0x11  }
0xbd: {  	s0 =	sor.u32 s1, s0  }
0xbe: {  	s0 =	sadd.s32 $0x8F2B, s0  }
0xbf: {  	[sflag:s0] =	ssyncadd.remote.s32 $0x1  }
0xc0: {  	_ =	sfence.sel $0xFFFF  }
0xc1: {  	[dreg:$0x0] =	wrdreg $0xFFFFFFFF;
	(pc) =	sbr.abs _section_cstart, $3  }
0xc2: {  	[dreg:$0x1] =	wrdreg $0xFFFFFFFF  }
0xc3: {  	_ =	task.clear_ibuf [dreg:s8], $0x2FFFF;
	_ =	strace $0x9FFFFFFF  }
0xc4: {  	(tm) =	ssettm $0x7FFFFFFF  }
0xc5: {  	_ =	shalt  }
tec
execute0_lowered:
.L_overlay_start_1:
0x0: {  	(tag) =	ssettag $0x1  }
0x1: {  	s5 =	rddreg [dreg:$0x0]  }
0x2: {  	s1 =	rddreg [dreg:$0x1]  }
0x3: {  	s2 =	rddreg [dreg:$0x2]  }
0x4: {  	s3 =	srdreg.scid;
	s0 =	rddreg [dreg:$0x3];
	s4 =	simm.s32 $0x0  }
0x5: {  	s10 =	simm.s32 $0x1;
	s11 =	simm.s32 $0x1000;
	s12 =	simm.s32 $0x2000  }
0x6: {  	s13 =	simm.s32 $0x0;
	s6 =	sand.u32 $0x1, s3;
	s3 =	stileid.u32  }
0x7: {  	[smem:$0x7FF] =	sst s4;
	s5 =	sadd.s32 $0x400, s5;
	s7 =	ssub.s32 $0x2, s6  }
0x8: {  	s9 =	sshll.u32 s3, $0x1;
	_ =	strace $0x80000047;
	s8 =	sshrl.u32 s7, $0x1  }
0x9: {  	s6 =	sor.u32 s6, s9;
	s9 =	simm.s32 $0x400;
	s7 =	ssub.s32 s7, s8  }
0xa: {  	v0 =	vimm.f32 $0.0e+00;
	s6 =	smul.u32 $0xC0, s6;
	s8 =	simm.s32 $0x80;
	s7 =	smax.u32 s7, $0x1  }
.LBB2_1:
0xb: {  	s14 =	simm.s32 $0x0  }
.LBB2_2:
0xc: {  	s15 =	sadd.s32 s6, s14  }
0xd: {  	s16 =	sshll.u32 s14, $0x7;
	s15 =	sshrl.u32 s15, $0x3  }
0xe: {  	s16 =	sand.u32 $0x380, s16;
	s17 =	sshll.u32 s15, $0xF  }
0xf: {  	s17 =	sor.u32 s16, s17  }
0x10: {  	s17 =	sshrl.u32 s17, $0x3  }
0x11: {  	s18 =	sadd.s32 s5, s17  }
0x12: {  	[tilespmem:s4], [sflag:$0x1] =	stream.strided.gather [hbm4b:s18+s8], $0x1000, s9, s8, $0x38;
	[tilespmem:$0x4000] =	vst v63  }
0x13: {  	_ =	swait.ge [sflag:s10], $0x1000  }
0x14: {  	[sflag:s10] =	ssyncset.done $0x0  }
0x15: {  	s17 =	sadd.s32 s1, s17;
	[sflag:s10] =	ssyncadd.s32 $0xFFFFF000  }
0x16: {  	[tilespmem:s11], [sflag:$0x1] =	stream.strided.gather [hbm4b:s17+s8], $0x1000, s9, s8, $0x38;
	[tilespmem:$0x4000] =	vst v63  }
0x17: {  	_ =	swait.ge [sflag:s10], $0x1000  }
0x18: {  	[sflag:s10] =	ssyncset.done $0x0  }
0x19: {  	s19 =	simm.s32 $0x2040;
	[sflag:s10] =	ssyncadd.s32 $0xFFFFF000  }
0x1a: {  	[tilespmem:s19+$0xFFFFFFC0] =	vst v0  }
0x1b: {  	[tilespmem:s19+$0x30] =	vst v0  }
0x1c: {  	[tilespmem:s19+$0x20] =	vst v0  }
0x1d: {  	[tilespmem:s19+$0x10] =	vst v0  }
0x1e: {  	[tilespmem:s19+$0x0] =	vst v0  }
0x1f: {  	[tilespmem:s19+$0xFFFFFFF0] =	vst v0  }
0x20: {  	s20 =	simm.s32 $0x0;
	s17 =	simm.s32 $0xFFFFFFF8;
	[tilespmem:s19+$0xFFFFFFE0] =	vst v0  }
.LBB2_3:
0x21: {  	s20 =	sadd.s32 $0x8, s20;
	[tilespmem:s19+$0xFFFFFFD0] =	vst v0;
	s19 =	sadd.s32 $0x80, s19;
	s18 =	simm.s32 $0x40  }
0x22: {  	[tilespmem:s19+$0xFFFFFFC0] =	vst v0;
	p0 =	slt.u32 s20, $0x1F8  }
0x23: {  	[tilespmem:s19+$0x30] =	vst v0  }
.Ltmp0:
0x24: {  	[tilespmem:s19+$0x20] =	vst v0;
	(pc) =	sbr.rel @p0 .LBB2_3-.Ltmp0, $4  }
0x25: {  	[tilespmem:s19+$0x10] =	vst v0  }
0x26: {  	[tilespmem:s19+$0x0] =	vst v0  }
0x27: {  	[tilespmem:s19+$0xFFFFFFF0] =	vst v0  }
0x28: {  	[tilespmem:s19+$0xFFFFFFE0] =	vst v0  }
0x29: {  	[tilespmem:s19+$0xFFFFFFD0] =	vst v0  }
.LBB2_5:
0x2a: {  	v1 =	vld [tilespmem:s18+$0xFFFFFFC0];
	_ =	sdelay $0x4  }
0x2b: {  	v2 =	vand.u32 $0xFFF, v1;
	_ =	sdelay $0x4  }
0x2c: {  	v1 =	vshra.s32 v1, $0xC;
	v2 =	vld.idx.msk [tilespmem:v2+s11+$0x0], $0xffff;
	_ =	sdelay $0x4  }
0x2d: {  	[tilespmem:v1+s12+$0x0] =	vst.idx.msk $0xffff, v2  }
0x2e: {  	v1 =	vld [tilespmem:s18+$0xFFFFFFD0];
	_ =	sdelay $0x4  }
0x2f: {  	v2 =	vand.u32 $0xFFF, v1;
	_ =	sdelay $0x4  }
0x30: {  	v1 =	vshra.s32 v1, $0xC;
	v2 =	vld.idx.msk [tilespmem:v2+s11+$0x0], $0xffff;
	_ =	sdelay $0x4  }
0x31: {  	[tilespmem:v1+s12+$0x0] =	vst.idx.msk $0xffff, v2  }
0x32: {  	v1 =	vld [tilespmem:s18+$0xFFFFFFE0];
	_ =	sdelay $0x4  }
0x33: {  	v2 =	vand.u32 $0xFFF, v1;
	_ =	sdelay $0x4  }
0x34: {  	v1 =	vshra.s32 v1, $0xC;
	v2 =	vld.idx.msk [tilespmem:v2+s11+$0x0], $0xffff;
	_ =	sdelay $0x4  }
0x35: {  	[tilespmem:v1+s12+$0x0] =	vst.idx.msk $0xffff, v2  }
0x36: {  	v1 =	vld [tilespmem:s18+$0xFFFFFFF0];
	_ =	sdelay $0x4  }
0x37: {  	v2 =	vand.u32 $0xFFF, v1;
	_ =	sdelay $0x4  }
0x38: {  	v1 =	vshra.s32 v1, $0xC;
	v2 =	vld.idx.msk [tilespmem:v2+s11+$0x0], $0xffff;
	_ =	sdelay $0x4  }
0x39: {  	[tilespmem:v1+s12+$0x0] =	vst.idx.msk $0xffff, v2  }
0x3a: {  	v1 =	vld [tilespmem:s18+$0x0];
	_ =	sdelay $0x4  }
0x3b: {  	v2 =	vand.u32 $0xFFF, v1;
	_ =	sdelay $0x4  }
0x3c: {  	v1 =	vshra.s32 v1, $0xC;
	v2 =	vld.idx.msk [tilespmem:v2+s11+$0x0], $0xffff;
	_ =	sdelay $0x4  }
0x3d: {  	[tilespmem:v1+s12+$0x0] =	vst.idx.msk $0xffff, v2  }
0x3e: {  	v1 =	vld [tilespmem:s18+$0x10];
	_ =	sdelay $0x4  }
0x3f: {  	v2 =	vand.u32 $0xFFF, v1;
	_ =	sdelay $0x4  }
0x40: {  	v1 =	vshra.s32 v1, $0xC;
	v2 =	vld.idx.msk [tilespmem:v2+s11+$0x0], $0xffff;
	_ =	sdelay $0x4  }
0x41: {  	[tilespmem:v1+s12+$0x0] =	vst.idx.msk $0xffff, v2  }
0x42: {  	v1 =	vld [tilespmem:s18+$0x20];
	_ =	sdelay $0x4  }
0x43: {  	v2 =	vand.u32 $0xFFF, v1;
	_ =	sdelay $0x4  }
0x44: {  	v1 =	vshra.s32 v1, $0xC;
	v2 =	vld.idx.msk [tilespmem:v2+s11+$0x0], $0xffff;
	_ =	sdelay $0x4  }
0x45: {  	[tilespmem:v1+s12+$0x0] =	vst.idx.msk $0xffff, v2  }
0x46: {  	v1 =	vld [tilespmem:s18+$0x30];
	_ =	sdelay $0x4  }
0x47: {  	v2 =	vand.u32 $0xFFF, v1;
	_ =	sdelay $0x3  }
0x48: {  	s17 =	sadd.s32 $0x8, s17  }
0x49: {  	p0 =	slt.u32 s17, $0xF8;
	v1 =	vshra.s32 v1, $0xC;
	v2 =	vld.idx.msk [tilespmem:v2+s11+$0x0], $0xffff  }
.Ltmp1:
0x4a: {  	_ = 	snop;
	(pc) =	sbr.rel @p0 .LBB2_5-.Ltmp1, $2  }
0x4b: {  	_ =	sdelay $0x2  }
0x4c: {  	s18 =	sadd.s32 $0x80, s18;
	[tilespmem:v1+s12+$0x0] =	vst.idx.msk $0xffff, v2  }
0x4d: {  	s15 =	sshll.u32 s15, $0x10  }
0x4e: {  	s14 =	sadd.s32 $0x1, s14;
	s15 =	sor.u32 s16, s15  }
0x4f: {  	p0 =	sne.s32 s14, $0xC0;
	s15 =	sshrl.u32 s15, $0x3  }
.Ltmp2:
0x50: {  	s15 =	sadd.s32 s2, s15;
	(pc) =	sbr.rel @p0 .LBB2_2-.Ltmp2, $4  }
0x51: {  	[hbm4b:s15+s8] =	stream.strided.scatter [tilespmem:s12], [sflag:$0x1], $0x2000, s9, s8, $0x38;
	[tilespmem:$0x4000] =	vst v63  }
0x52: {  	_ =	swait.ge [sflag:s10], $0x2000  }
0x53: {  	[sflag:s10] =	ssyncset.done $0x0  }
0x54: {  	[sflag:s10] =	ssyncadd.s32 $0xFFFFE000  }
0x55: {  	s13 =	sadd.s32 $0x1, s13  }
0x56: {  	p0 =	sne.s32 s13, s7  }
.Ltmp3:
0x57: {  	_ = 	snop;
	(pc) =	sbr.rel @p0 .LBB2_1-.Ltmp3, $1  }
0x58: {  	_ =	sdelay $0x3  }
0x59: {  	_ =	sfence.sel $0x180000  }
0x5a: {  	[bflag:$0x0] =	sbarrier.arrive $0xFFFF  }
0x5b: {  	p0 =	sne.s32 s3, $0x0;
	_ =	strace $0x90000047  }
0x5c: {  	s0 =	sadd.s32 @!p0 $0x100000, s0;
	[bflag:$0x2] =	sbarrier.arrive $0xFFFF  }
0x5d: {  	[sflag:s0] =	ssyncadd.tile.s32 @!p0 $0x1;
	_ =	shalt  }
.Lfunc_end2:
_tile_overlayer_lowered:
.L_overlay_start_2:
0x5e: {  	(tag) =	ssettag $0x2  }
0x5f: {  	s0 =	rddreg [dreg:$0x0];
	s2 =	stileid.u32  }
0x60: {  	s1 =	rddreg [dreg:$0x1];
	p0 =	sne.s32 s2, $0x0  }
0x61: {  	s3 =	rddreg [dreg:$0x2];
	[bflag:$0x3] =	sbarrier.arrive $0xFFFF;
	s2 =	simm.s32 @!p0 $0x1C01  }
0x62: {  	[timem:s3], [sflag:s2] =	dma.local @!p0 [hbm:s0], s1  }
0x63: {  	s0 =	simm.s32 @!p0 $0x1  }
0x64: {  	_ =	swait.ge @!p0 [sflag:s0], s1  }
0x65: {  	s1 =	ssub.s32 @!p0 $0x0, s1;
	[sflag:s0] =	ssyncset.done @!p0 $0x0  }
0x66: {  	[sflag:s0] =	ssyncadd.s32 @!p0 s1  }
0x67: {  	[bflag:$0x3] =	sbarrier.arrive $0xFFFF  }
0x68: {  	_ =	shalt  }

</sc_bundles>
